<compile_context>
chip_gen: v7x
topology: tpu7x:2x2x1
jax: 0.10.2.dev20260603
libtpu: 0.0.44.dev20260713+nightly
codegen_flags: <defaults>
</compile_context>

<pallas_src>
import jax
import jax.numpy as jnp
from jax import lax
from jax.experimental import pallas as pl
from jax.experimental.pallas import tpu as pltpu
from jax.experimental.pallas import tpu_sc as plsc

_N = 10000
_E = 320000
_D = 128
_KW = 64
_NC = 2
_NS = 16
_K = 256
_CHT = 80
_EPAD = _NS * _CHT * _K
_NPAD = 10240
_RPT = _NPAD // _NS
_NBUF = 4

_HI = lax.Precision.HIGHEST



def _make_propagate(with_cnt: bool):
  mesh = plsc.VectorSubcoreMesh(core_axis_name="c", subcore_axis_name="s")
  out_type = [jax.ShapeDtypeStruct((_NC, _NPAD, _KW), jnp.bfloat16)]
  if with_cnt:
    out_type.append(jax.ShapeDtypeStruct((_NC, _NPAD, 16), jnp.float32))
  scratch = [
      pltpu.VMEM((_CHT, _K), jnp.int32),
      pltpu.VMEM((_CHT, _K), jnp.int32),
  ]
  scratch += [pltpu.VMEM((_K, _KW), jnp.bfloat16) for _ in range(_NBUF)]
  if with_cnt:
    scratch.append(pltpu.VMEM((_K, 16), jnp.float32))
    scratch.append(pltpu.VMEM_SHARED((_NPAD, 16), jnp.float32))
  scratch.append(pltpu.VMEM_SHARED((_NPAD, _KW), jnp.bfloat16))
  scratch += [pltpu.SemaphoreType.DMA for _ in range(2 * _NBUF)]

  def body(y_hbm, src_hbm, dst_hbm, *refs):
    if with_cnt:
      z_out, cnt_out = refs[0], refs[1]
      rest = refs[2:]
    else:
      z_out = refs[0]
      rest = refs[1:]
    idx_s, idx_d = rest[0], rest[1]
    bufs = rest[2:2 + _NBUF]
    off = 2 + _NBUF
    if with_cnt:
      ones_b, cnt_sh = rest[off], rest[off + 1]
      off += 2
    z_sh = rest[off]
    sems = rest[off + 1:]
    sem_g, sem_s = sems[:_NBUF], sems[_NBUF:]

    cid = lax.axis_index("c")
    sid = lax.axis_index("s")
    base = sid * _RPT

    pltpu.sync_copy(src_hbm.at[cid, sid], idx_s)
    pltpu.sync_copy(dst_hbm.at[sid], idx_d)

    zv = jnp.zeros((16,), jnp.float32)
    zvh = jnp.zeros((32,), jnp.bfloat16)

    def _zrow(i, c):
      def _zcol(j, c2):
        bufs[0][i, pl.ds(j * 32, 32)] = zvh
        return c2
      return lax.fori_loop(0, _KW // 32, _zcol, c)
    lax.fori_loop(0, _K, _zrow, 0)

    nfull, rem = divmod(_RPT, _K)
    for r in range(nfull):
      pltpu.sync_copy(bufs[0], z_sh.at[pl.ds(base + r * _K, _K)])
    if rem:
      pltpu.sync_copy(bufs[0].at[pl.ds(0, rem)],
                      z_sh.at[pl.ds(base + nfull * _K, rem)])

    if with_cnt:
      ov = jnp.ones((16,), jnp.float32)

      def _zofill(i, c):
        ones_b[i, :] = zv
        return c
      lax.fori_loop(0, _K, _zofill, 0)
      for r in range(nfull):
        pltpu.sync_copy(ones_b, cnt_sh.at[pl.ds(base + r * _K, _K)])
      if rem:
        pltpu.sync_copy(ones_b.at[pl.ds(0, rem)],
                        cnt_sh.at[pl.ds(base + nfull * _K, rem)])

      def _onefill(i, c):
        ones_b[i, :] = ov
        return c
      lax.fori_loop(0, _K, _onefill, 0)

    plsc.subcore_barrier()

    def _cnt_pred(j):
      return (j >= cid * (_CHT // 2)) & (j < (cid + 1) * (_CHT // 2))

    def _cnt_chunk(j, p):
      @pl.when(_cnt_pred(j))
      def _():
        pltpu.async_copy(ones_b, cnt_sh.at[idx_d.at[j]], sem_s[p], add=True)

    def _wait_cnt_chunk(j, p):
      @pl.when(_cnt_pred(j))
      def _():
        pltpu.make_async_copy(ones_b, cnt_sh.at[idx_d.at[j]], sem_s[p]).wait()

    def _gather(j, p):
      pltpu.async_copy(y_hbm.at[idx_s.at[j]], bufs[p], sem_g[p])

    def _wait_gather(j, p):
      pltpu.make_async_copy(y_hbm.at[idx_s.at[j]], bufs[p], sem_g[p]).wait()

    def _scatter(j, p):
      pltpu.async_copy(bufs[p], z_sh.at[idx_d.at[j]], sem_s[p], add=True)

    def _wait_scatter(j, p):
      pltpu.make_async_copy(bufs[p], z_sh.at[idx_d.at[j]], sem_s[p]).wait()

    for p in range(_NBUF):
      _gather(p, p)

    def _step(t, c):
      for p in range(_NBUF):
        j = _NBUF * t + p
        _wait_gather(j, p)
        _scatter(j, p)
        if with_cnt:
          _cnt_chunk(j, p)
        _wait_scatter(j, p)
        if with_cnt:
          _wait_cnt_chunk(j, p)
        _gather(j + _NBUF, p)
      return c
    lax.fori_loop(0, _CHT // _NBUF - 1, _step, 0)

    for p in range(_NBUF):
      j = _CHT - _NBUF + p
      _wait_gather(j, p)
      _scatter(j, p)
      if with_cnt:
        _cnt_chunk(j, p)
      _wait_scatter(j, p)
      if with_cnt:
        _wait_cnt_chunk(j, p)

    plsc.subcore_barrier()
    pltpu.sync_copy(z_sh.at[pl.ds(base, _RPT)],
                    z_out.at[cid, pl.ds(base, _RPT)])
    if with_cnt:
      pltpu.sync_copy(cnt_sh.at[pl.ds(base, _RPT)],
                      cnt_out.at[cid, pl.ds(base, _RPT)])

  return pl.kernel(body, out_type=tuple(out_type), mesh=mesh,
                   scratch_types=tuple(scratch),
                   compiler_params=pltpu.CompilerParams(
                       use_tc_tiling_on_sc=False))


_prop_cnt = _make_propagate(True)
_prop = _make_propagate(False)



_BLK = 1000
_G = _N // _BLK


def _dot(a, b):
  return lax.dot_general(a, b, (((1,), (0,)), ((), ())), precision=_HI)


def _stage_a1_body(x_ref, wl_ref, y_ref):
  y = _dot(x_ref[...], wl_ref[...]).astype(jnp.bfloat16)
  y_ref[0] = y[:, :_KW]
  y_ref[1] = y[:, _KW:]


def _stage_a2_body(x_ref, wr_ref, b_ref, s_ref):
  s_ref[...] = _dot(x_ref[...], wr_ref[...]) + b_ref[...]


def _relu_h(zc_ref, cp_ref, s1_ref):
  z = jnp.concatenate((zc_ref[0], zc_ref[1]), axis=-1).astype(jnp.float32)
  cnt = jnp.max(cp_ref[0] + cp_ref[1], axis=1)
  inv = 1.0 / jnp.maximum(cnt, 1.0)
  return jnp.maximum(z * inv[:, None] + s1_ref[...], 0.0)


def _stage_b1_body(zc_ref, cp_ref, s1_ref, wl_ref, y2_ref):
  y2 = _dot(_relu_h(zc_ref, cp_ref, s1_ref), wl_ref[...]).astype(jnp.bfloat16)
  y2_ref[0] = y2[:, :_KW]
  y2_ref[1] = y2[:, _KW:]


def _stage_b2_body(zc_ref, cp_ref, s1_ref, wr_ref, b_ref, s2_ref):
  s2_ref[...] = _dot(_relu_h(zc_ref, cp_ref, s1_ref), wr_ref[...]) + b_ref[...]


def _stage_c_body(zc_ref, cp_ref, s2_ref, out_ref):
  z = jnp.concatenate((zc_ref[0], zc_ref[1]), axis=-1).astype(jnp.float32)
  cnt = jnp.max(cp_ref[0] + cp_ref[1], axis=1)
  inv = 1.0 / jnp.maximum(cnt, 1.0)
  out_ref[...] = z * inv[:, None] + s2_ref[...]


_row_spec = pl.BlockSpec((_BLK, _D), lambda i: (i, 0))
_w_spec = pl.BlockSpec((_D, _D), lambda i: (0, 0))
_b_spec = pl.BlockSpec((1, _D), lambda i: (0, 0))
_ys_spec = pl.BlockSpec((_NC, _BLK, _KW), lambda i: (0, i, 0))
_zc_spec = pl.BlockSpec((_NC, _BLK, _KW), lambda i: (0, i, 0))
_cp_spec = pl.BlockSpec((_NC, _BLK, 16), lambda i: (0, i, 0))

_ys_shape = jax.ShapeDtypeStruct((_NC, _N, _KW), jnp.bfloat16)
_s_shape = jax.ShapeDtypeStruct((_N, _D), jnp.float32)

_stage_a1 = pl.pallas_call(
    _stage_a1_body, grid=(_G,),
    in_specs=[_row_spec, _w_spec],
    out_specs=_ys_spec,
    out_shape=_ys_shape,
)

_stage_a2 = pl.pallas_call(
    _stage_a2_body, grid=(_G,),
    in_specs=[_row_spec, _w_spec, _b_spec],
    out_specs=_row_spec,
    out_shape=_s_shape,
)

_stage_b1 = pl.pallas_call(
    _stage_b1_body, grid=(_G,),
    in_specs=[_zc_spec, _cp_spec, _row_spec, _w_spec],
    out_specs=_ys_spec,
    out_shape=_ys_shape,
)

_stage_b2 = pl.pallas_call(
    _stage_b2_body, grid=(_G,),
    in_specs=[_zc_spec, _cp_spec, _row_spec, _w_spec, _b_spec],
    out_specs=_row_spec,
    out_shape=_s_shape,
)

_stage_c = pl.pallas_call(
    _stage_c_body, grid=(_G,),
    in_specs=[_zc_spec, _cp_spec, _row_spec],
    out_specs=_row_spec,
    out_shape=_s_shape,
)



def kernel(x, edge_index, W1l, b1l, W1r, W2l, b2l, W2r):
  src = edge_index[0]
  dst = edge_index[1]
  fill = jnp.arange(_EPAD, dtype=jnp.int32)
  src_p = (fill % _N).at[:_E].set(src)
  dstr = (_N + fill % (_NPAD - _N)).at[:_E].set(dst)
  dstr = dstr.reshape(_NS, _CHT, _K)
  srcr = jnp.stack([src_p, src_p + _N]).reshape(_NC, _NS, _CHT, _K)

  b1 = b1l.reshape(1, _D)
  b2 = b2l.reshape(1, _D)

  y1 = _stage_a1(x, W1l)
  z1, cp = _prop_cnt(y1.reshape(_NC * _N, _KW), srcr, dstr)
  s1 = _stage_a2(x, W1r, b1)
  y2 = _stage_b1(z1, cp, s1, W2l)
  (z2,) = _prop(y2.reshape(_NC * _N, _KW), srcr, dstr)
  s2 = _stage_b2(z1, cp, s1, W2r, b2)
  return _stage_c(z2, cp, s2)

# --- scband reference (transcript-rebuilt; emitter-appended) ---
"""Pipeline reference for scband-link-predictor-87900800680117 (READ-ONLY COPY).

The authoritative reference and input builder live on the scoring server;
editing this copy changes nothing except your own understanding.
"""

import jax, jax.numpy as jnp
import numpy as np

N = 10000
E = 320000
D = 128
H = 128


def setup_inputs(seed: int = 0) -> dict:
    key = jax.random.key(seed)
    ks = jax.random.split(key, 9)
    x = jax.random.normal(ks[0], (N, D), dtype=jnp.float32)
    edge_index = jax.random.randint(ks[1], (2, E), 0, N, dtype=jnp.int32)
    s1 = 1.0 / np.sqrt(D)
    s2 = 1.0 / np.sqrt(H)
    W1l = jax.random.normal(ks[2], (D, H), dtype=jnp.float32) * s1
    b1l = jnp.zeros((H,), dtype=jnp.float32)
    W1r = jax.random.normal(ks[3], (D, H), dtype=jnp.float32) * s1
    W2l = jax.random.normal(ks[4], (H, H), dtype=jnp.float32) * s2
    b2l = jnp.zeros((H,), dtype=jnp.float32)
    W2r = jax.random.normal(ks[5], (H, H), dtype=jnp.float32) * s2
    return {"x": x, "edge_index": edge_index, "W1l": W1l, "b1l": b1l, "W1r": W1r,
            "W2l": W2l, "b2l": b2l, "W2r": W2r}


def _sage_conv(h, src, dst, Wl, bl, Wr, num_nodes):
    # PyG SAGEConv (aggr='mean', root_weight=True, normalize=False):
    # out = lin_l(mean_{j in N(i)} x_j) + lin_r(x_i)
    msgs = h[src]  # gather source-node features per edge
    agg = jax.ops.segment_sum(msgs, dst, num_segments=num_nodes)
    cnt = jax.ops.segment_sum(jnp.ones((src.shape[0],), dtype=h.dtype), dst, num_segments=num_nodes)
    mean = agg / jnp.maximum(cnt, 1.0)[:, None]
    return mean @ Wl + bl + h @ Wr


def reference(x, edge_index, W1l, b1l, W1r, W2l, b2l, W2r):
    src = edge_index[0]
    dst = edge_index[1]
    h = _sage_conv(x, src, dst, W1l, b1l, W1r, N)
    h = jax.nn.relu(h)  # BasicGNN applies act between layers, not after final layer
    h = _sage_conv(h, src, dst, W2l, b2l, W2r, N)
    return h

if __name__ == "__main__":
    import jax
    _d = setup_inputs()
    print(jax.jit(kernel)(*tuple(_d.values())))

</pallas_src>

<mosaic_0001>
#map = affine_map<(d0, d1) -> (0, 0)>
#map1 = affine_map<(d0, d1) -> (0, 0, 0, 0)>
#map2 = affine_map<(d0, d1) -> (0, 0, 0)>
module attributes {stable_mosaic.version = 14 : i64} {
  func.func @body(%arg0: i32, %arg1: i32, %arg2: memref<20000x64xbf16, #tpu.memory_space<hbm>>, %arg3: memref<2x16x80x256xi32, #tpu.memory_space<hbm>>, %arg4: memref<16x80x256xi32, #tpu.memory_space<hbm>>, %arg5: memref<2x10240x64xbf16, #tpu.memory_space<hbm>>, %arg6: memref<80x256xi32, #tpu.memory_space<vmem>>, %arg7: memref<80x256xi32, #tpu.memory_space<vmem>>, %arg8: memref<256x64xbf16, #tpu.memory_space<vmem>>, %arg9: memref<256x64xbf16, #tpu.memory_space<vmem>>, %arg10: memref<256x64xbf16, #tpu.memory_space<vmem>>, %arg11: memref<256x64xbf16, #tpu.memory_space<vmem>>, %arg12: memref<10240x64xbf16, #tpu.memory_space<vmem_shared>>, %arg13: memref<!tpu.dma_semaphore, #tpu.memory_space<semaphore_mem>>, %arg14: memref<!tpu.dma_semaphore, #tpu.memory_space<semaphore_mem>>, %arg15: memref<!tpu.dma_semaphore, #tpu.memory_space<semaphore_mem>>, %arg16: memref<!tpu.dma_semaphore, #tpu.memory_space<semaphore_mem>>, %arg17: memref<!tpu.dma_semaphore, #tpu.memory_space<semaphore_mem>>, %arg18: memref<!tpu.dma_semaphore, #tpu.memory_space<semaphore_mem>>, %arg19: memref<!tpu.dma_semaphore, #tpu.memory_space<semaphore_mem>>, %arg20: memref<!tpu.dma_semaphore, #tpu.memory_space<semaphore_mem>>) attributes {dimension_semantics = [#tpu.dimension_semantics<core_parallel>, #tpu.dimension_semantics<subcore_parallel>], iteration_bounds = array<i64: 2, 16>, scalar_prefetch = 0 : i64, scratch_operands = 15 : i64, tpu.core_type = #tpu.core_type<sc_vector_subcore>, window_params = [{transform_indices = #map}, {transform_indices = #map1}, {transform_indices = #map2}, {transform_indices = #map2}]} {
    %mul3A = arith.constant 640 : i32
    %mul3A_0 = arith.muli %arg1, %mul3A : i32
    "tpu.region"() ({
      %run_scoped3A = tpu.sem_alloc : memref<!tpu.dma_semaphore, #tpu.memory_space<semaphore_mem>>
      %dma_start3A_131 = arith.constant 0 : i32
      %dma_start3A_132 = arith.constant 0 : i32
      %dma_start3A_133 = tpu.memref_slice %arg3[%arg0, %arg1, %dma_start3A_131, %dma_start3A_132] : memref<2x16x80x256xi32, #tpu.memory_space<hbm>> -> memref<1x1x80x256xi32, #tpu.memory_space<hbm>>
      %dma_start3A_134 = tpu.memref_squeeze %dma_start3A_133 : memref<1x1x80x256xi32, #tpu.memory_space<hbm>> -> memref<80x256xi32, #tpu.memory_space<hbm>>
      %dma_start3A_135 = arith.constant 0 : i32
      %dma_start3A_136 = arith.constant 0 : i32
      %dma_start3A_137 = tpu.memref_slice %arg3[%arg0, %arg1, %dma_start3A_135, %dma_start3A_136] : memref<2x16x80x256xi32, #tpu.memory_space<hbm>> -> memref<1x1x80x256xi32, #tpu.memory_space<hbm>>
      %dma_start3A_138 = tpu.memref_squeeze %dma_start3A_137 : memref<1x1x80x256xi32, #tpu.memory_space<hbm>> -> memref<80x256xi32, #tpu.memory_space<hbm>>
      tpu.enqueue_dma source(%dma_start3A_138 : memref<80x256xi32, #tpu.memory_space<hbm>>) target(%arg6 : memref<80x256xi32, #tpu.memory_space<vmem>>) target_semaphore(%run_scoped3A : memref<!tpu.dma_semaphore, #tpu.memory_space<semaphore_mem>>)
      %dma_wait3A_139 = arith.constant 0 : i32
      %dma_wait3A_140 = arith.constant 0 : i32
      %dma_wait3A_141 = tpu.memref_slice %arg3[%arg0, %arg1, %dma_wait3A_139, %dma_wait3A_140] : memref<2x16x80x256xi32, #tpu.memory_space<hbm>> -> memref<1x1x80x256xi32, #tpu.memory_space<hbm>>
      %dma_wait3A_142 = tpu.memref_squeeze %dma_wait3A_141 : memref<1x1x80x256xi32, #tpu.memory_space<hbm>> -> memref<80x256xi32, #tpu.memory_space<hbm>>
      %dma_wait3A_143 = arith.constant 0 : i32
      %dma_wait3A_144 = arith.constant 0 : i32
      %dma_wait3A_145 = tpu.memref_slice %arg3[%arg0, %arg1, %dma_wait3A_143, %dma_wait3A_144] : memref<2x16x80x256xi32, #tpu.memory_space<hbm>> -> memref<1x1x80x256xi32, #tpu.memory_space<hbm>>
      %dma_wait3A_146 = tpu.memref_squeeze %dma_wait3A_145 : memref<1x1x80x256xi32, #tpu.memory_space<hbm>> -> memref<80x256xi32, #tpu.memory_space<hbm>>
      tpu.wait_dma2 semaphore(%run_scoped3A : memref<!tpu.dma_semaphore, #tpu.memory_space<semaphore_mem>>) src(%dma_wait3A_146 : memref<80x256xi32, #tpu.memory_space<hbm>>) dst(%arg6 : memref<80x256xi32, #tpu.memory_space<vmem>>)
      tpu.yield
    }) : () -> ()
    "tpu.region"() ({
      %run_scoped3A = tpu.sem_alloc : memref<!tpu.dma_semaphore, #tpu.memory_space<semaphore_mem>>
      %dma_start3A_131 = arith.constant 0 : i32
      %dma_start3A_132 = arith.constant 0 : i32
      %dma_start3A_133 = tpu.memref_slice %arg4[%arg1, %dma_start3A_131, %dma_start3A_132] : memref<16x80x256xi32, #tpu.memory_space<hbm>> -> memref<1x80x256xi32, #tpu.memory_space<hbm>>
      %dma_start3A_134 = tpu.memref_squeeze %dma_start3A_133 : memref<1x80x256xi32, #tpu.memory_space<hbm>> -> memref<80x256xi32, #tpu.memory_space<hbm>>
      %dma_start3A_135 = arith.constant 0 : i32
      %dma_start3A_136 = arith.constant 0 : i32
      %dma_start3A_137 = tpu.memref_slice %arg4[%arg1, %dma_start3A_135, %dma_start3A_136] : memref<16x80x256xi32, #tpu.memory_space<hbm>> -> memref<1x80x256xi32, #tpu.memory_space<hbm>>
      %dma_start3A_138 = tpu.memref_squeeze %dma_start3A_137 : memref<1x80x256xi32, #tpu.memory_space<hbm>> -> memref<80x256xi32, #tpu.memory_space<hbm>>
      tpu.enqueue_dma source(%dma_start3A_138 : memref<80x256xi32, #tpu.memory_space<hbm>>) target(%arg7 : memref<80x256xi32, #tpu.memory_space<vmem>>) target_semaphore(%run_scoped3A : memref<!tpu.dma_semaphore, #tpu.memory_space<semaphore_mem>>)
      %dma_wait3A_139 = arith.constant 0 : i32
      %dma_wait3A_140 = arith.constant 0 : i32
      %dma_wait3A_141 = tpu.memref_slice %arg4[%arg1, %dma_wait3A_139, %dma_wait3A_140] : memref<16x80x256xi32, #tpu.memory_space<hbm>> -> memref<1x80x256xi32, #tpu.memory_space<hbm>>
      %dma_wait3A_142 = tpu.memref_squeeze %dma_wait3A_141 : memref<1x80x256xi32, #tpu.memory_space<hbm>> -> memref<80x256xi32, #tpu.memory_space<hbm>>
      %dma_wait3A_143 = arith.constant 0 : i32
      %dma_wait3A_144 = arith.constant 0 : i32
      %dma_wait3A_145 = tpu.memref_slice %arg4[%arg1, %dma_wait3A_143, %dma_wait3A_144] : memref<16x80x256xi32, #tpu.memory_space<hbm>> -> memref<1x80x256xi32, #tpu.memory_space<hbm>>
      %dma_wait3A_146 = tpu.memref_squeeze %dma_wait3A_145 : memref<1x80x256xi32, #tpu.memory_space<hbm>> -> memref<80x256xi32, #tpu.memory_space<hbm>>
      tpu.wait_dma2 semaphore(%run_scoped3A : memref<!tpu.dma_semaphore, #tpu.memory_space<semaphore_mem>>) src(%dma_wait3A_146 : memref<80x256xi32, #tpu.memory_space<hbm>>) dst(%arg7 : memref<80x256xi32, #tpu.memory_space<vmem>>)
      tpu.yield
    }) : () -> ()
    %broadcast_in_dim3A = arith.constant 0.000000e+00 : f32
    %broadcast_in_dim3A_1 = vector.broadcast %broadcast_in_dim3A : f32 to vector<16xf32>
    %broadcast_in_dim3A_2 = arith.constant 0.000000e+00 : bf16
    %broadcast_in_dim3A_3 = vector.broadcast %broadcast_in_dim3A_2 : bf16 to vector<32xbf16>
    %scan3A = arith.constant 0 : i32
    %scan3A_4 = arith.constant 0 : i32
    %scan3A_5 = arith.constant 256 : i32
    %scan3A_6 = arith.addi %scan3A_4, %scan3A_5 : i32
    %scan3A_7 = arith.constant 1 : i32
    scf.for %scan3A_131 = %scan3A_4 to %scan3A_6 step %scan3A_7  : i32 {
      %scan3A_132 = arith.constant 0 : i32
      %scan3A_133 = arith.constant 2 : i32
      %scan3A_134 = arith.addi %scan3A_132, %scan3A_133 : i32
      %scan3A_135 = arith.constant 1 : i32
      scf.for %scan3A_137 = %scan3A_132 to %scan3A_134 step %scan3A_135  : i32 {
        %mul3A_138 = arith.constant 32 : i32
        %mul3A_139 = arith.muli %scan3A_137, %mul3A_138 : i32
        %swap3A = arith.index_cast %scan3A_131 : i32 to index
        %swap3A_140 = arith.index_cast %mul3A_139 : i32 to index
        %swap3A_141 = tpu.vector_load %arg8[%swap3A, %swap3A_140] {strides = array<i32>} : memref<256x64xbf16, #tpu.memory_space<vmem>>, vector<1x32xbf16>,
        %swap3A_142 = vector.shape_cast %swap3A_141 : vector<1x32xbf16> to vector<32xbf16>
        %swap3A_143 = vector.shape_cast %broadcast_in_dim3A_3 : vector<32xbf16> to vector<1x32xbf16>
        tpu.vector_store %arg8[%swap3A, %swap3A_140], %swap3A_143 {strides = array<i32>} : memref<256x64xbf16, #tpu.memory_space<vmem>>, vector<1x32xbf16>,
      }
      %scan3A_136 = arith.constant 2 : i32
    }
    %scan3A_8 = arith.constant 256 : i32
    %add3A = arith.constant 0 : i32
    %add3A_9 = arith.addi %mul3A_0, %add3A : i32
    "tpu.region"() ({
      %run_scoped3A = tpu.sem_alloc : memref<!tpu.dma_semaphore, #tpu.memory_space<semaphore_mem>>
      %dma_start3A_131 = arith.constant 0 : i32
      %dma_start3A_132 = tpu.memref_slice %arg12[%add3A_9, %dma_start3A_131] : memref<10240x64xbf16, #tpu.memory_space<vmem_shared>> -> memref<256x64xbf16, #tpu.memory_space<vmem_shared>>
      %dma_start3A_133 = arith.constant 0 : i32
      %dma_start3A_134 = tpu.memref_slice %arg12[%add3A_9, %dma_start3A_133] : memref<10240x64xbf16, #tpu.memory_space<vmem_shared>> -> memref<256x64xbf16, #tpu.memory_space<vmem_shared>>
      tpu.enqueue_dma source(%arg8 : memref<256x64xbf16, #tpu.memory_space<vmem>>) target(%dma_start3A_134 : memref<256x64xbf16, #tpu.memory_space<vmem_shared>>) target_semaphore(%run_scoped3A : memref<!tpu.dma_semaphore, #tpu.memory_space<semaphore_mem>>)
      %dma_wait3A_135 = arith.constant 0 : i32
      %dma_wait3A_136 = tpu.memref_slice %arg12[%add3A_9, %dma_wait3A_135] : memref<10240x64xbf16, #tpu.memory_space<vmem_shared>> -> memref<256x64xbf16, #tpu.memory_space<vmem_shared>>
      %dma_wait3A_137 = arith.constant 0 : i32
      %dma_wait3A_138 = tpu.memref_slice %arg12[%add3A_9, %dma_wait3A_137] : memref<10240x64xbf16, #tpu.memory_space<vmem_shared>> -> memref<256x64xbf16, #tpu.memory_space<vmem_shared>>
      tpu.wait_dma2 semaphore(%run_scoped3A : memref<!tpu.dma_semaphore, #tpu.memory_space<semaphore_mem>>) src(%arg8 : memref<256x64xbf16, #tpu.memory_space<vmem>>) dst(%dma_wait3A_138 : memref<256x64xbf16, #tpu.memory_space<vmem_shared>>)
      tpu.yield
    }) : () -> ()
    %add3A_10 = arith.constant 256 : i32
    %add3A_11 = arith.addi %mul3A_0, %add3A_10 : i32
    "tpu.region"() ({
      %run_scoped3A = tpu.sem_alloc : memref<!tpu.dma_semaphore, #tpu.memory_space<semaphore_mem>>
      %dma_start3A_131 = arith.constant 0 : i32
      %dma_start3A_132 = tpu.memref_slice %arg12[%add3A_11, %dma_start3A_131] : memref<10240x64xbf16, #tpu.memory_space<vmem_shared>> -> memref<256x64xbf16, #tpu.memory_space<vmem_shared>>
      %dma_start3A_133 = arith.constant 0 : i32
      %dma_start3A_134 = tpu.memref_slice %arg12[%add3A_11, %dma_start3A_133] : memref<10240x64xbf16, #tpu.memory_space<vmem_shared>> -> memref<256x64xbf16, #tpu.memory_space<vmem_shared>>
      tpu.enqueue_dma source(%arg8 : memref<256x64xbf16, #tpu.memory_space<vmem>>) target(%dma_start3A_134 : memref<256x64xbf16, #tpu.memory_space<vmem_shared>>) target_semaphore(%run_scoped3A : memref<!tpu.dma_semaphore, #tpu.memory_space<semaphore_mem>>)
      %dma_wait3A_135 = arith.constant 0 : i32
      %dma_wait3A_136 = tpu.memref_slice %arg12[%add3A_11, %dma_wait3A_135] : memref<10240x64xbf16, #tpu.memory_space<vmem_shared>> -> memref<256x64xbf16, #tpu.memory_space<vmem_shared>>
      %dma_wait3A_137 = arith.constant 0 : i32
      %dma_wait3A_138 = tpu.memref_slice %arg12[%add3A_11, %dma_wait3A_137] : memref<10240x64xbf16, #tpu.memory_space<vmem_shared>> -> memref<256x64xbf16, #tpu.memory_space<vmem_shared>>
      tpu.wait_dma2 semaphore(%run_scoped3A : memref<!tpu.dma_semaphore, #tpu.memory_space<semaphore_mem>>) src(%arg8 : memref<256x64xbf16, #tpu.memory_space<vmem>>) dst(%dma_wait3A_138 : memref<256x64xbf16, #tpu.memory_space<vmem_shared>>)
      tpu.yield
    }) : () -> ()
    %add3A_12 = arith.constant 512 : i32
    %add3A_13 = arith.addi %mul3A_0, %add3A_12 : i32
    "tpu.region"() ({
      %run_scoped3A = tpu.sem_alloc : memref<!tpu.dma_semaphore, #tpu.memory_space<semaphore_mem>>
      %dma_start3A_131 = arith.constant 0 : i32
      %dma_start3A_132 = arith.constant 0 : i32
      %dma_start3A_133 = tpu.memref_slice %arg8[%dma_start3A_131, %dma_start3A_132] : memref<256x64xbf16, #tpu.memory_space<vmem>> -> memref<128x64xbf16, #tpu.memory_space<vmem>>
      %dma_start3A_134 = arith.constant 0 : i32
      %dma_start3A_135 = tpu.memref_slice %arg12[%add3A_13, %dma_start3A_134] : memref<10240x64xbf16, #tpu.memory_space<vmem_shared>> -> memref<128x64xbf16, #tpu.memory_space<vmem_shared>>
      %dma_start3A_136 = arith.constant 0 : i32
      %dma_start3A_137 = tpu.memref_slice %arg12[%add3A_13, %dma_start3A_136] : memref<10240x64xbf16, #tpu.memory_space<vmem_shared>> -> memref<128x64xbf16, #tpu.memory_space<vmem_shared>>
      %dma_start3A_138 = arith.constant 0 : i32
      %dma_start3A_139 = arith.constant 0 : i32
      %dma_start3A_140 = tpu.memref_slice %arg8[%dma_start3A_138, %dma_start3A_139] : memref<256x64xbf16, #tpu.memory_space<vmem>> -> memref<128x64xbf16, #tpu.memory_space<vmem>>
      tpu.enqueue_dma source(%dma_start3A_140 : memref<128x64xbf16, #tpu.memory_space<vmem>>) target(%dma_start3A_137 : memref<128x64xbf16, #tpu.memory_space<vmem_shared>>) target_semaphore(%run_scoped3A : memref<!tpu.dma_semaphore, #tpu.memory_space<semaphore_mem>>)
      %dma_wait3A_141 = arith.constant 0 : i32
      %dma_wait3A_142 = arith.constant 0 : i32
      %dma_wait3A_143 = tpu.memref_slice %arg8[%dma_wait3A_141, %dma_wait3A_142] : memref<256x64xbf16, #tpu.memory_space<vmem>> -> memref<128x64xbf16, #tpu.memory_space<vmem>>
      %dma_wait3A_144 = arith.constant 0 : i32
      %dma_wait3A_145 = tpu.memref_slice %arg12[%add3A_13, %dma_wait3A_144] : memref<10240x64xbf16, #tpu.memory_space<vmem_shared>> -> memref<128x64xbf16, #tpu.memory_space<vmem_shared>>
      %dma_wait3A_146 = arith.constant 0 : i32
      %dma_wait3A_147 = tpu.memref_slice %arg12[%add3A_13, %dma_wait3A_146] : memref<10240x64xbf16, #tpu.memory_space<vmem_shared>> -> memref<128x64xbf16, #tpu.memory_space<vmem_shared>>
      %dma_wait3A_148 = arith.constant 0 : i32
      %dma_wait3A_149 = arith.constant 0 : i32
      %dma_wait3A_150 = tpu.memref_slice %arg8[%dma_wait3A_148, %dma_wait3A_149] : memref<256x64xbf16, #tpu.memory_space<vmem>> -> memref<128x64xbf16, #tpu.memory_space<vmem>>
      tpu.wait_dma2 semaphore(%run_scoped3A : memref<!tpu.dma_semaphore, #tpu.memory_space<semaphore_mem>>) src(%dma_wait3A_150 : memref<128x64xbf16, #tpu.memory_space<vmem>>) dst(%dma_wait3A_147 : memref<128x64xbf16, #tpu.memory_space<vmem_shared>>)
      tpu.yield
    }) : () -> ()
    %barrier3A = arith.constant 0 : index
    tpu.barrier barrier_id(%barrier3A)
    %dma_start3A = arith.constant 0 : i32
    %dma_start3A_14 = arith.constant 0 : i32
    %dma_start3A_15 = tpu.memref_slice %arg6[%dma_start3A, %dma_start3A_14] : memref<80x256xi32, #tpu.memory_space<vmem>> -> memref<1x256xi32, #tpu.memory_space<vmem>>
    %dma_start3A_16 = tpu.memref_squeeze %dma_start3A_15 : memref<1x256xi32, #tpu.memory_space<vmem>> -> memref<256xi32, #tpu.memory_space<vmem>>
    %dma_start3A_17 = arith.constant 0 : i32
    %dma_start3A_18 = arith.constant 0 : i32
    %dma_start3A_19 = tpu.memref_slice %arg2[%dma_start3A_17, %dma_start3A_18] : memref<20000x64xbf16, #tpu.memory_space<hbm>> -> memref<20000x64xbf16, #tpu.memory_space<hbm>>
    tpu.enqueue_indirect_dma source(%dma_start3A_19 : memref<20000x64xbf16, #tpu.memory_space<hbm>>) target(%arg8 : memref<256x64xbf16, #tpu.memory_space<vmem>>) offsets(%dma_start3A_16 : memref<256xi32, #tpu.memory_space<vmem>>) semaphore(%arg13 : memref<!tpu.dma_semaphore, #tpu.memory_space<semaphore_mem>>)
    %dma_start3A_20 = arith.constant 1 : i32
    %dma_start3A_21 = arith.constant 0 : i32
    %dma_start3A_22 = tpu.memref_slice %arg6[%dma_start3A_20, %dma_start3A_21] : memref<80x256xi32, #tpu.memory_space<vmem>> -> memref<1x256xi32, #tpu.memory_space<vmem>>
    %dma_start3A_23 = tpu.memref_squeeze %dma_start3A_22 : memref<1x256xi32, #tpu.memory_space<vmem>> -> memref<256xi32, #tpu.memory_space<vmem>>
    %dma_start3A_24 = arith.constant 0 : i32
    %dma_start3A_25 = arith.constant 0 : i32
    %dma_start3A_26 = tpu.memref_slice %arg2[%dma_start3A_24, %dma_start3A_25] : memref<20000x64xbf16, #tpu.memory_space<hbm>> -> memref<20000x64xbf16, #tpu.memory_space<hbm>>
    tpu.enqueue_indirect_dma source(%dma_start3A_26 : memref<20000x64xbf16, #tpu.memory_space<hbm>>) target(%arg9 : memref<256x64xbf16, #tpu.memory_space<vmem>>) offsets(%dma_start3A_23 : memref<256xi32, #tpu.memory_space<vmem>>) semaphore(%arg14 : memref<!tpu.dma_semaphore, #tpu.memory_space<semaphore_mem>>)
    %dma_start3A_27 = arith.constant 2 : i32
    %dma_start3A_28 = arith.constant 0 : i32
    %dma_start3A_29 = tpu.memref_slice %arg6[%dma_start3A_27, %dma_start3A_28] : memref<80x256xi32, #tpu.memory_space<vmem>> -> memref<1x256xi32, #tpu.memory_space<vmem>>
    %dma_start3A_30 = tpu.memref_squeeze %dma_start3A_29 : memref<1x256xi32, #tpu.memory_space<vmem>> -> memref<256xi32, #tpu.memory_space<vmem>>
    %dma_start3A_31 = arith.constant 0 : i32
    %dma_start3A_32 = arith.constant 0 : i32
    %dma_start3A_33 = tpu.memref_slice %arg2[%dma_start3A_31, %dma_start3A_32] : memref<20000x64xbf16, #tpu.memory_space<hbm>> -> memref<20000x64xbf16, #tpu.memory_space<hbm>>
    tpu.enqueue_indirect_dma source(%dma_start3A_33 : memref<20000x64xbf16, #tpu.memory_space<hbm>>) target(%arg10 : memref<256x64xbf16, #tpu.memory_space<vmem>>) offsets(%dma_start3A_30 : memref<256xi32, #tpu.memory_space<vmem>>) semaphore(%arg15 : memref<!tpu.dma_semaphore, #tpu.memory_space<semaphore_mem>>)
    %dma_start3A_34 = arith.constant 3 : i32
    %dma_start3A_35 = arith.constant 0 : i32
    %dma_start3A_36 = tpu.memref_slice %arg6[%dma_start3A_34, %dma_start3A_35] : memref<80x256xi32, #tpu.memory_space<vmem>> -> memref<1x256xi32, #tpu.memory_space<vmem>>
    %dma_start3A_37 = tpu.memref_squeeze %dma_start3A_36 : memref<1x256xi32, #tpu.memory_space<vmem>> -> memref<256xi32, #tpu.memory_space<vmem>>
    %dma_start3A_38 = arith.constant 0 : i32
    %dma_start3A_39 = arith.constant 0 : i32
    %dma_start3A_40 = tpu.memref_slice %arg2[%dma_start3A_38, %dma_start3A_39] : memref<20000x64xbf16, #tpu.memory_space<hbm>> -> memref<20000x64xbf16, #tpu.memory_space<hbm>>
    tpu.enqueue_indirect_dma source(%dma_start3A_40 : memref<20000x64xbf16, #tpu.memory_space<hbm>>) target(%arg11 : memref<256x64xbf16, #tpu.memory_space<vmem>>) offsets(%dma_start3A_37 : memref<256xi32, #tpu.memory_space<vmem>>) semaphore(%arg16 : memref<!tpu.dma_semaphore, #tpu.memory_space<semaphore_mem>>)
    %scan3A_41 = arith.constant 0 : i32
    %scan3A_42 = arith.constant 0 : i32
    %scan3A_43 = arith.constant 19 : i32
    %scan3A_44 = arith.addi %scan3A_42, %scan3A_43 : i32
    %scan3A_45 = arith.constant 1 : i32
    scf.for %scan3A_131 = %scan3A_42 to %scan3A_44 step %scan3A_45  : i32 {
      %mul3A_132 = arith.constant 4 : i32
      %mul3A_133 = arith.muli %mul3A_132, %scan3A_131 : i32
      %add3A_134 = arith.constant 0 : i32
      %add3A_135 = arith.addi %mul3A_133, %add3A_134 : i32
      %dma_wait3A_136 = arith.constant 0 : i32
      %dma_wait3A_137 = tpu.memref_slice %arg6[%add3A_135, %dma_wait3A_136] : memref<80x256xi32, #tpu.memory_space<vmem>> -> memref<1x256xi32, #tpu.memory_space<vmem>>
      %dma_wait3A_138 = tpu.memref_squeeze %dma_wait3A_137 : memref<1x256xi32, #tpu.memory_space<vmem>> -> memref<256xi32, #tpu.memory_space<vmem>>
      %dma_wait3A_139 = arith.constant 0 : i32
      %dma_wait3A_140 = arith.constant 0 : i32
      %dma_wait3A_141 = tpu.memref_slice %arg2[%dma_wait3A_139, %dma_wait3A_140] : memref<20000x64xbf16, #tpu.memory_space<hbm>> -> memref<20000x64xbf16, #tpu.memory_space<hbm>>
      tpu.wait_indirect_dma semaphore(%arg13 : memref<!tpu.dma_semaphore, #tpu.memory_space<semaphore_mem>>) src(%dma_wait3A_141 : memref<20000x64xbf16, #tpu.memory_space<hbm>>) dst(%arg8 : memref<256x64xbf16, #tpu.memory_space<vmem>>)
      %dma_start3A_142 = arith.constant 0 : i32
      %dma_start3A_143 = tpu.memref_slice %arg7[%add3A_135, %dma_start3A_142] : memref<80x256xi32, #tpu.memory_space<vmem>> -> memref<1x256xi32, #tpu.memory_space<vmem>>
      %dma_start3A_144 = tpu.memref_squeeze %dma_start3A_143 : memref<1x256xi32, #tpu.memory_space<vmem>> -> memref<256xi32, #tpu.memory_space<vmem>>
      %dma_start3A_145 = arith.constant 0 : i32
      %dma_start3A_146 = arith.constant 0 : i32
      %dma_start3A_147 = tpu.memref_slice %arg12[%dma_start3A_145, %dma_start3A_146] : memref<10240x64xbf16, #tpu.memory_space<vmem_shared>> -> memref<10240x64xbf16, #tpu.memory_space<vmem_shared>>
      tpu.enqueue_indirect_dma source(%arg8 : memref<256x64xbf16, #tpu.memory_space<vmem>>) target(%dma_start3A_147 : memref<10240x64xbf16, #tpu.memory_space<vmem_shared>>) offsets(%dma_start3A_144 : memref<256xi32, #tpu.memory_space<vmem>>) semaphore(%arg17 : memref<!tpu.dma_semaphore, #tpu.memory_space<semaphore_mem>>) {add = true}
      %dma_wait3A_148 = arith.constant 0 : i32
      %dma_wait3A_149 = tpu.memref_slice %arg7[%add3A_135, %dma_wait3A_148] : memref<80x256xi32, #tpu.memory_space<vmem>> -> memref<1x256xi32, #tpu.memory_space<vmem>>
      %dma_wait3A_150 = tpu.memref_squeeze %dma_wait3A_149 : memref<1x256xi32, #tpu.memory_space<vmem>> -> memref<256xi32, #tpu.memory_space<vmem>>
      %dma_wait3A_151 = arith.constant 0 : i32
      %dma_wait3A_152 = arith.constant 0 : i32
      %dma_wait3A_153 = tpu.memref_slice %arg12[%dma_wait3A_151, %dma_wait3A_152] : memref<10240x64xbf16, #tpu.memory_space<vmem_shared>> -> memref<10240x64xbf16, #tpu.memory_space<vmem_shared>>
      tpu.wait_indirect_dma semaphore(%arg17 : memref<!tpu.dma_semaphore, #tpu.memory_space<semaphore_mem>>) src(%arg8 : memref<256x64xbf16, #tpu.memory_space<vmem>>) dst(%dma_wait3A_153 : memref<10240x64xbf16, #tpu.memory_space<vmem_shared>>)
      %add3A_154 = arith.constant 4 : i32
      %add3A_155 = arith.addi %add3A_135, %add3A_154 : i32
      %dma_start3A_156 = arith.constant 0 : i32
      %dma_start3A_157 = tpu.memref_slice %arg6[%add3A_155, %dma_start3A_156] : memref<80x256xi32, #tpu.memory_space<vmem>> -> memref<1x256xi32, #tpu.memory_space<vmem>>
      %dma_start3A_158 = tpu.memref_squeeze %dma_start3A_157 : memref<1x256xi32, #tpu.memory_space<vmem>> -> memref<256xi32, #tpu.memory_space<vmem>>
      %dma_start3A_159 = arith.constant 0 : i32
      %dma_start3A_160 = arith.constant 0 : i32
      %dma_start3A_161 = tpu.memref_slice %arg2[%dma_start3A_159, %dma_start3A_160] : memref<20000x64xbf16, #tpu.memory_space<hbm>> -> memref<20000x64xbf16, #tpu.memory_space<hbm>>
      tpu.enqueue_indirect_dma source(%dma_start3A_161 : memref<20000x64xbf16, #tpu.memory_space<hbm>>) target(%arg8 : memref<256x64xbf16, #tpu.memory_space<vmem>>) offsets(%dma_start3A_158 : memref<256xi32, #tpu.memory_space<vmem>>) semaphore(%arg13 : memref<!tpu.dma_semaphore, #tpu.memory_space<semaphore_mem>>)
      %mul3A_162 = arith.constant 4 : i32
      %mul3A_163 = arith.muli %mul3A_162, %scan3A_131 : i32
      %add3A_164 = arith.constant 1 : i32
      %add3A_165 = arith.addi %mul3A_163, %add3A_164 : i32
      %dma_wait3A_166 = arith.constant 0 : i32
      %dma_wait3A_167 = tpu.memref_slice %arg6[%add3A_165, %dma_wait3A_166] : memref<80x256xi32, #tpu.memory_space<vmem>> -> memref<1x256xi32, #tpu.memory_space<vmem>>
      %dma_wait3A_168 = tpu.memref_squeeze %dma_wait3A_167 : memref<1x256xi32, #tpu.memory_space<vmem>> -> memref<256xi32, #tpu.memory_space<vmem>>
      %dma_wait3A_169 = arith.constant 0 : i32
      %dma_wait3A_170 = arith.constant 0 : i32
      %dma_wait3A_171 = tpu.memref_slice %arg2[%dma_wait3A_169, %dma_wait3A_170] : memref<20000x64xbf16, #tpu.memory_space<hbm>> -> memref<20000x64xbf16, #tpu.memory_space<hbm>>
      tpu.wait_indirect_dma semaphore(%arg14 : memref<!tpu.dma_semaphore, #tpu.memory_space<semaphore_mem>>) src(%dma_wait3A_171 : memref<20000x64xbf16, #tpu.memory_space<hbm>>) dst(%arg9 : memref<256x64xbf16, #tpu.memory_space<vmem>>)
      %dma_start3A_172 = arith.constant 0 : i32
      %dma_start3A_173 = tpu.memref_slice %arg7[%add3A_165, %dma_start3A_172] : memref<80x256xi32, #tpu.memory_space<vmem>> -> memref<1x256xi32, #tpu.memory_space<vmem>>
      %dma_start3A_174 = tpu.memref_squeeze %dma_start3A_173 : memref<1x256xi32, #tpu.memory_space<vmem>> -> memref<256xi32, #tpu.memory_space<vmem>>
      %dma_start3A_175 = arith.constant 0 : i32
      %dma_start3A_176 = arith.constant 0 : i32
      %dma_start3A_177 = tpu.memref_slice %arg12[%dma_start3A_175, %dma_start3A_176] : memref<10240x64xbf16, #tpu.memory_space<vmem_shared>> -> memref<10240x64xbf16, #tpu.memory_space<vmem_shared>>
      tpu.enqueue_indirect_dma source(%arg9 : memref<256x64xbf16, #tpu.memory_space<vmem>>) target(%dma_start3A_177 : memref<10240x64xbf16, #tpu.memory_space<vmem_shared>>) offsets(%dma_start3A_174 : memref<256xi32, #tpu.memory_space<vmem>>) semaphore(%arg18 : memref<!tpu.dma_semaphore, #tpu.memory_space<semaphore_mem>>) {add = true}
      %dma_wait3A_178 = arith.constant 0 : i32
      %dma_wait3A_179 = tpu.memref_slice %arg7[%add3A_165, %dma_wait3A_178] : memref<80x256xi32, #tpu.memory_space<vmem>> -> memref<1x256xi32, #tpu.memory_space<vmem>>
      %dma_wait3A_180 = tpu.memref_squeeze %dma_wait3A_179 : memref<1x256xi32, #tpu.memory_space<vmem>> -> memref<256xi32, #tpu.memory_space<vmem>>
      %dma_wait3A_181 = arith.constant 0 : i32
      %dma_wait3A_182 = arith.constant 0 : i32
      %dma_wait3A_183 = tpu.memref_slice %arg12[%dma_wait3A_181, %dma_wait3A_182] : memref<10240x64xbf16, #tpu.memory_space<vmem_shared>> -> memref<10240x64xbf16, #tpu.memory_space<vmem_shared>>
      tpu.wait_indirect_dma semaphore(%arg18 : memref<!tpu.dma_semaphore, #tpu.memory_space<semaphore_mem>>) src(%arg9 : memref<256x64xbf16, #tpu.memory_space<vmem>>) dst(%dma_wait3A_183 : memref<10240x64xbf16, #tpu.memory_space<vmem_shared>>)
      %add3A_184 = arith.constant 4 : i32
      %add3A_185 = arith.addi %add3A_165, %add3A_184 : i32
      %dma_start3A_186 = arith.constant 0 : i32
      %dma_start3A_187 = tpu.memref_slice %arg6[%add3A_185, %dma_start3A_186] : memref<80x256xi32, #tpu.memory_space<vmem>> -> memref<1x256xi32, #tpu.memory_space<vmem>>
      %dma_start3A_188 = tpu.memref_squeeze %dma_start3A_187 : memref<1x256xi32, #tpu.memory_space<vmem>> -> memref<256xi32, #tpu.memory_space<vmem>>
      %dma_start3A_189 = arith.constant 0 : i32
      %dma_start3A_190 = arith.constant 0 : i32
      %dma_start3A_191 = tpu.memref_slice %arg2[%dma_start3A_189, %dma_start3A_190] : memref<20000x64xbf16, #tpu.memory_space<hbm>> -> memref<20000x64xbf16, #tpu.memory_space<hbm>>
      tpu.enqueue_indirect_dma source(%dma_start3A_191 : memref<20000x64xbf16, #tpu.memory_space<hbm>>) target(%arg9 : memref<256x64xbf16, #tpu.memory_space<vmem>>) offsets(%dma_start3A_188 : memref<256xi32, #tpu.memory_space<vmem>>) semaphore(%arg14 : memref<!tpu.dma_semaphore, #tpu.memory_space<semaphore_mem>>)
      %mul3A_192 = arith.constant 4 : i32
      %mul3A_193 = arith.muli %mul3A_192, %scan3A_131 : i32
      %add3A_194 = arith.constant 2 : i32
      %add3A_195 = arith.addi %mul3A_193, %add3A_194 : i32
      %dma_wait3A_196 = arith.constant 0 : i32
      %dma_wait3A_197 = tpu.memref_slice %arg6[%add3A_195, %dma_wait3A_196] : memref<80x256xi32, #tpu.memory_space<vmem>> -> memref<1x256xi32, #tpu.memory_space<vmem>>
      %dma_wait3A_198 = tpu.memref_squeeze %dma_wait3A_197 : memref<1x256xi32, #tpu.memory_space<vmem>> -> memref<256xi32, #tpu.memory_space<vmem>>
      %dma_wait3A_199 = arith.constant 0 : i32
      %dma_wait3A_200 = arith.constant 0 : i32
      %dma_wait3A_201 = tpu.memref_slice %arg2[%dma_wait3A_199, %dma_wait3A_200] : memref<20000x64xbf16, #tpu.memory_space<hbm>> -> memref<20000x64xbf16, #tpu.memory_space<hbm>>
      tpu.wait_indirect_dma semaphore(%arg15 : memref<!tpu.dma_semaphore, #tpu.memory_space<semaphore_mem>>) src(%dma_wait3A_201 : memref<20000x64xbf16, #tpu.memory_space<hbm>>) dst(%arg10 : memref<256x64xbf16, #tpu.memory_space<vmem>>)
      %dma_start3A_202 = arith.constant 0 : i32
      %dma_start3A_203 = tpu.memref_slice %arg7[%add3A_195, %dma_start3A_202] : memref<80x256xi32, #tpu.memory_space<vmem>> -> memref<1x256xi32, #tpu.memory_space<vmem>>
      %dma_start3A_204 = tpu.memref_squeeze %dma_start3A_203 : memref<1x256xi32, #tpu.memory_space<vmem>> -> memref<256xi32, #tpu.memory_space<vmem>>
      %dma_start3A_205 = arith.constant 0 : i32
      %dma_start3A_206 = arith.constant 0 : i32
      %dma_start3A_207 = tpu.memref_slice %arg12[%dma_start3A_205, %dma_start3A_206] : memref<10240x64xbf16, #tpu.memory_space<vmem_shared>> -> memref<10240x64xbf16, #tpu.memory_space<vmem_shared>>
      tpu.enqueue_indirect_dma source(%arg10 : memref<256x64xbf16, #tpu.memory_space<vmem>>) target(%dma_start3A_207 : memref<10240x64xbf16, #tpu.memory_space<vmem_shared>>) offsets(%dma_start3A_204 : memref<256xi32, #tpu.memory_space<vmem>>) semaphore(%arg19 : memref<!tpu.dma_semaphore, #tpu.memory_space<semaphore_mem>>) {add = true}
      %dma_wait3A_208 = arith.constant 0 : i32
      %dma_wait3A_209 = tpu.memref_slice %arg7[%add3A_195, %dma_wait3A_208] : memref<80x256xi32, #tpu.memory_space<vmem>> -> memref<1x256xi32, #tpu.memory_space<vmem>>
      %dma_wait3A_210 = tpu.memref_squeeze %dma_wait3A_209 : memref<1x256xi32, #tpu.memory_space<vmem>> -> memref<256xi32, #tpu.memory_space<vmem>>
      %dma_wait3A_211 = arith.constant 0 : i32
      %dma_wait3A_212 = arith.constant 0 : i32
      %dma_wait3A_213 = tpu.memref_slice %arg12[%dma_wait3A_211, %dma_wait3A_212] : memref<10240x64xbf16, #tpu.memory_space<vmem_shared>> -> memref<10240x64xbf16, #tpu.memory_space<vmem_shared>>
      tpu.wait_indirect_dma semaphore(%arg19 : memref<!tpu.dma_semaphore, #tpu.memory_space<semaphore_mem>>) src(%arg10 : memref<256x64xbf16, #tpu.memory_space<vmem>>) dst(%dma_wait3A_213 : memref<10240x64xbf16, #tpu.memory_space<vmem_shared>>)
      %add3A_214 = arith.constant 4 : i32
      %add3A_215 = arith.addi %add3A_195, %add3A_214 : i32
      %dma_start3A_216 = arith.constant 0 : i32
      %dma_start3A_217 = tpu.memref_slice %arg6[%add3A_215, %dma_start3A_216] : memref<80x256xi32, #tpu.memory_space<vmem>> -> memref<1x256xi32, #tpu.memory_space<vmem>>
      %dma_start3A_218 = tpu.memref_squeeze %dma_start3A_217 : memref<1x256xi32, #tpu.memory_space<vmem>> -> memref<256xi32, #tpu.memory_space<vmem>>
      %dma_start3A_219 = arith.constant 0 : i32
      %dma_start3A_220 = arith.constant 0 : i32
      %dma_start3A_221 = tpu.memref_slice %arg2[%dma_start3A_219, %dma_start3A_220] : memref<20000x64xbf16, #tpu.memory_space<hbm>> -> memref<20000x64xbf16, #tpu.memory_space<hbm>>
      tpu.enqueue_indirect_dma source(%dma_start3A_221 : memref<20000x64xbf16, #tpu.memory_space<hbm>>) target(%arg10 : memref<256x64xbf16, #tpu.memory_space<vmem>>) offsets(%dma_start3A_218 : memref<256xi32, #tpu.memory_space<vmem>>) semaphore(%arg15 : memref<!tpu.dma_semaphore, #tpu.memory_space<semaphore_mem>>)
      %mul3A_222 = arith.constant 4 : i32
      %mul3A_223 = arith.muli %mul3A_222, %scan3A_131 : i32
      %add3A_224 = arith.constant 3 : i32
      %add3A_225 = arith.addi %mul3A_223, %add3A_224 : i32
      %dma_wait3A_226 = arith.constant 0 : i32
      %dma_wait3A_227 = tpu.memref_slice %arg6[%add3A_225, %dma_wait3A_226] : memref<80x256xi32, #tpu.memory_space<vmem>> -> memref<1x256xi32, #tpu.memory_space<vmem>>
      %dma_wait3A_228 = tpu.memref_squeeze %dma_wait3A_227 : memref<1x256xi32, #tpu.memory_space<vmem>> -> memref<256xi32, #tpu.memory_space<vmem>>
      %dma_wait3A_229 = arith.constant 0 : i32
      %dma_wait3A_230 = arith.constant 0 : i32
      %dma_wait3A_231 = tpu.memref_slice %arg2[%dma_wait3A_229, %dma_wait3A_230] : memref<20000x64xbf16, #tpu.memory_space<hbm>> -> memref<20000x64xbf16, #tpu.memory_space<hbm>>
      tpu.wait_indirect_dma semaphore(%arg16 : memref<!tpu.dma_semaphore, #tpu.memory_space<semaphore_mem>>) src(%dma_wait3A_231 : memref<20000x64xbf16, #tpu.memory_space<hbm>>) dst(%arg11 : memref<256x64xbf16, #tpu.memory_space<vmem>>)
      %dma_start3A_232 = arith.constant 0 : i32
      %dma_start3A_233 = tpu.memref_slice %arg7[%add3A_225, %dma_start3A_232] : memref<80x256xi32, #tpu.memory_space<vmem>> -> memref<1x256xi32, #tpu.memory_space<vmem>>
      %dma_start3A_234 = tpu.memref_squeeze %dma_start3A_233 : memref<1x256xi32, #tpu.memory_space<vmem>> -> memref<256xi32, #tpu.memory_space<vmem>>
      %dma_start3A_235 = arith.constant 0 : i32
      %dma_start3A_236 = arith.constant 0 : i32
      %dma_start3A_237 = tpu.memref_slice %arg12[%dma_start3A_235, %dma_start3A_236] : memref<10240x64xbf16, #tpu.memory_space<vmem_shared>> -> memref<10240x64xbf16, #tpu.memory_space<vmem_shared>>
      tpu.enqueue_indirect_dma source(%arg11 : memref<256x64xbf16, #tpu.memory_space<vmem>>) target(%dma_start3A_237 : memref<10240x64xbf16, #tpu.memory_space<vmem_shared>>) offsets(%dma_start3A_234 : memref<256xi32, #tpu.memory_space<vmem>>) semaphore(%arg20 : memref<!tpu.dma_semaphore, #tpu.memory_space<semaphore_mem>>) {add = true}
      %dma_wait3A_238 = arith.constant 0 : i32
      %dma_wait3A_239 = tpu.memref_slice %arg7[%add3A_225, %dma_wait3A_238] : memref<80x256xi32, #tpu.memory_space<vmem>> -> memref<1x256xi32, #tpu.memory_space<vmem>>
      %dma_wait3A_240 = tpu.memref_squeeze %dma_wait3A_239 : memref<1x256xi32, #tpu.memory_space<vmem>> -> memref<256xi32, #tpu.memory_space<vmem>>
      %dma_wait3A_241 = arith.constant 0 : i32
      %dma_wait3A_242 = arith.constant 0 : i32
      %dma_wait3A_243 = tpu.memref_slice %arg12[%dma_wait3A_241, %dma_wait3A_242] : memref<10240x64xbf16, #tpu.memory_space<vmem_shared>> -> memref<10240x64xbf16, #tpu.memory_space<vmem_shared>>
      tpu.wait_indirect_dma semaphore(%arg20 : memref<!tpu.dma_semaphore, #tpu.memory_space<semaphore_mem>>) src(%arg11 : memref<256x64xbf16, #tpu.memory_space<vmem>>) dst(%dma_wait3A_243 : memref<10240x64xbf16, #tpu.memory_space<vmem_shared>>)
      %add3A_244 = arith.constant 4 : i32
      %add3A_245 = arith.addi %add3A_225, %add3A_244 : i32
      %dma_start3A_246 = arith.constant 0 : i32
      %dma_start3A_247 = tpu.memref_slice %arg6[%add3A_245, %dma_start3A_246] : memref<80x256xi32, #tpu.memory_space<vmem>> -> memref<1x256xi32, #tpu.memory_space<vmem>>
      %dma_start3A_248 = tpu.memref_squeeze %dma_start3A_247 : memref<1x256xi32, #tpu.memory_space<vmem>> -> memref<256xi32, #tpu.memory_space<vmem>>
      %dma_start3A_249 = arith.constant 0 : i32
      %dma_start3A_250 = arith.constant 0 : i32
      %dma_start3A_251 = tpu.memref_slice %arg2[%dma_start3A_249, %dma_start3A_250] : memref<20000x64xbf16, #tpu.memory_space<hbm>> -> memref<20000x64xbf16, #tpu.memory_space<hbm>>
      tpu.enqueue_indirect_dma source(%dma_start3A_251 : memref<20000x64xbf16, #tpu.memory_space<hbm>>) target(%arg11 : memref<256x64xbf16, #tpu.memory_space<vmem>>) offsets(%dma_start3A_248 : memref<256xi32, #tpu.memory_space<vmem>>) semaphore(%arg16 : memref<!tpu.dma_semaphore, #tpu.memory_space<semaphore_mem>>)
    }
    %scan3A_46 = arith.constant 19 : i32
    %dma_wait3A = arith.constant 76 : i32
    %dma_wait3A_47 = arith.constant 0 : i32
    %dma_wait3A_48 = tpu.memref_slice %arg6[%dma_wait3A, %dma_wait3A_47] : memref<80x256xi32, #tpu.memory_space<vmem>> -> memref<1x256xi32, #tpu.memory_space<vmem>>
    %dma_wait3A_49 = tpu.memref_squeeze %dma_wait3A_48 : memref<1x256xi32, #tpu.memory_space<vmem>> -> memref<256xi32, #tpu.memory_space<vmem>>
    %dma_wait3A_50 = arith.constant 0 : i32
    %dma_wait3A_51 = arith.constant 0 : i32
    %dma_wait3A_52 = tpu.memref_slice %arg2[%dma_wait3A_50, %dma_wait3A_51] : memref<20000x64xbf16, #tpu.memory_space<hbm>> -> memref<20000x64xbf16, #tpu.memory_space<hbm>>
    tpu.wait_indirect_dma semaphore(%arg13 : memref<!tpu.dma_semaphore, #tpu.memory_space<semaphore_mem>>) src(%dma_wait3A_52 : memref<20000x64xbf16, #tpu.memory_space<hbm>>) dst(%arg8 : memref<256x64xbf16, #tpu.memory_space<vmem>>)
    %dma_start3A_53 = arith.constant 76 : i32
    %dma_start3A_54 = arith.constant 0 : i32
    %dma_start3A_55 = tpu.memref_slice %arg7[%dma_start3A_53, %dma_start3A_54] : memref<80x256xi32, #tpu.memory_space<vmem>> -> memref<1x256xi32, #tpu.memory_space<vmem>>
    %dma_start3A_56 = tpu.memref_squeeze %dma_start3A_55 : memref<1x256xi32, #tpu.memory_space<vmem>> -> memref<256xi32, #tpu.memory_space<vmem>>
    %dma_start3A_57 = arith.constant 0 : i32
    %dma_start3A_58 = arith.constant 0 : i32
    %dma_start3A_59 = tpu.memref_slice %arg12[%dma_start3A_57, %dma_start3A_58] : memref<10240x64xbf16, #tpu.memory_space<vmem_shared>> -> memref<10240x64xbf16, #tpu.memory_space<vmem_shared>>
    tpu.enqueue_indirect_dma source(%arg8 : memref<256x64xbf16, #tpu.memory_space<vmem>>) target(%dma_start3A_59 : memref<10240x64xbf16, #tpu.memory_space<vmem_shared>>) offsets(%dma_start3A_56 : memref<256xi32, #tpu.memory_space<vmem>>) semaphore(%arg17 : memref<!tpu.dma_semaphore, #tpu.memory_space<semaphore_mem>>) {add = true}
    %dma_wait3A_60 = arith.constant 76 : i32
    %dma_wait3A_61 = arith.constant 0 : i32
    %dma_wait3A_62 = tpu.memref_slice %arg7[%dma_wait3A_60, %dma_wait3A_61] : memref<80x256xi32, #tpu.memory_space<vmem>> -> memref<1x256xi32, #tpu.memory_space<vmem>>
    %dma_wait3A_63 = tpu.memref_squeeze %dma_wait3A_62 : memref<1x256xi32, #tpu.memory_space<vmem>> -> memref<256xi32, #tpu.memory_space<vmem>>
    %dma_wait3A_64 = arith.constant 0 : i32
    %dma_wait3A_65 = arith.constant 0 : i32
    %dma_wait3A_66 = tpu.memref_slice %arg12[%dma_wait3A_64, %dma_wait3A_65] : memref<10240x64xbf16, #tpu.memory_space<vmem_shared>> -> memref<10240x64xbf16, #tpu.memory_space<vmem_shared>>
    tpu.wait_indirect_dma semaphore(%arg17 : memref<!tpu.dma_semaphore, #tpu.memory_space<semaphore_mem>>) src(%arg8 : memref<256x64xbf16, #tpu.memory_space<vmem>>) dst(%dma_wait3A_66 : memref<10240x64xbf16, #tpu.memory_space<vmem_shared>>)
    %dma_wait3A_67 = arith.constant 77 : i32
    %dma_wait3A_68 = arith.constant 0 : i32
    %dma_wait3A_69 = tpu.memref_slice %arg6[%dma_wait3A_67, %dma_wait3A_68] : memref<80x256xi32, #tpu.memory_space<vmem>> -> memref<1x256xi32, #tpu.memory_space<vmem>>
    %dma_wait3A_70 = tpu.memref_squeeze %dma_wait3A_69 : memref<1x256xi32, #tpu.memory_space<vmem>> -> memref<256xi32, #tpu.memory_space<vmem>>
    %dma_wait3A_71 = arith.constant 0 : i32
    %dma_wait3A_72 = arith.constant 0 : i32
    %dma_wait3A_73 = tpu.memref_slice %arg2[%dma_wait3A_71, %dma_wait3A_72] : memref<20000x64xbf16, #tpu.memory_space<hbm>> -> memref<20000x64xbf16, #tpu.memory_space<hbm>>
    tpu.wait_indirect_dma semaphore(%arg14 : memref<!tpu.dma_semaphore, #tpu.memory_space<semaphore_mem>>) src(%dma_wait3A_73 : memref<20000x64xbf16, #tpu.memory_space<hbm>>) dst(%arg9 : memref<256x64xbf16, #tpu.memory_space<vmem>>)
    %dma_start3A_74 = arith.constant 77 : i32
    %dma_start3A_75 = arith.constant 0 : i32
    %dma_start3A_76 = tpu.memref_slice %arg7[%dma_start3A_74, %dma_start3A_75] : memref<80x256xi32, #tpu.memory_space<vmem>> -> memref<1x256xi32, #tpu.memory_space<vmem>>
    %dma_start3A_77 = tpu.memref_squeeze %dma_start3A_76 : memref<1x256xi32, #tpu.memory_space<vmem>> -> memref<256xi32, #tpu.memory_space<vmem>>
    %dma_start3A_78 = arith.constant 0 : i32
    %dma_start3A_79 = arith.constant 0 : i32
    %dma_start3A_80 = tpu.memref_slice %arg12[%dma_start3A_78, %dma_start3A_79] : memref<10240x64xbf16, #tpu.memory_space<vmem_shared>> -> memref<10240x64xbf16, #tpu.memory_space<vmem_shared>>
    tpu.enqueue_indirect_dma source(%arg9 : memref<256x64xbf16, #tpu.memory_space<vmem>>) target(%dma_start3A_80 : memref<10240x64xbf16, #tpu.memory_space<vmem_shared>>) offsets(%dma_start3A_77 : memref<256xi32, #tpu.memory_space<vmem>>) semaphore(%arg18 : memref<!tpu.dma_semaphore, #tpu.memory_space<semaphore_mem>>) {add = true}
    %dma_wait3A_81 = arith.constant 77 : i32
    %dma_wait3A_82 = arith.constant 0 : i32
    %dma_wait3A_83 = tpu.memref_slice %arg7[%dma_wait3A_81, %dma_wait3A_82] : memref<80x256xi32, #tpu.memory_space<vmem>> -> memref<1x256xi32, #tpu.memory_space<vmem>>
    %dma_wait3A_84 = tpu.memref_squeeze %dma_wait3A_83 : memref<1x256xi32, #tpu.memory_space<vmem>> -> memref<256xi32, #tpu.memory_space<vmem>>
    %dma_wait3A_85 = arith.constant 0 : i32
    %dma_wait3A_86 = arith.constant 0 : i32
    %dma_wait3A_87 = tpu.memref_slice %arg12[%dma_wait3A_85, %dma_wait3A_86] : memref<10240x64xbf16, #tpu.memory_space<vmem_shared>> -> memref<10240x64xbf16, #tpu.memory_space<vmem_shared>>
    tpu.wait_indirect_dma semaphore(%arg18 : memref<!tpu.dma_semaphore, #tpu.memory_space<semaphore_mem>>) src(%arg9 : memref<256x64xbf16, #tpu.memory_space<vmem>>) dst(%dma_wait3A_87 : memref<10240x64xbf16, #tpu.memory_space<vmem_shared>>)
    %dma_wait3A_88 = arith.constant 78 : i32
    %dma_wait3A_89 = arith.constant 0 : i32
    %dma_wait3A_90 = tpu.memref_slice %arg6[%dma_wait3A_88, %dma_wait3A_89] : memref<80x256xi32, #tpu.memory_space<vmem>> -> memref<1x256xi32, #tpu.memory_space<vmem>>
    %dma_wait3A_91 = tpu.memref_squeeze %dma_wait3A_90 : memref<1x256xi32, #tpu.memory_space<vmem>> -> memref<256xi32, #tpu.memory_space<vmem>>
    %dma_wait3A_92 = arith.constant 0 : i32
    %dma_wait3A_93 = arith.constant 0 : i32
    %dma_wait3A_94 = tpu.memref_slice %arg2[%dma_wait3A_92, %dma_wait3A_93] : memref<20000x64xbf16, #tpu.memory_space<hbm>> -> memref<20000x64xbf16, #tpu.memory_space<hbm>>
    tpu.wait_indirect_dma semaphore(%arg15 : memref<!tpu.dma_semaphore, #tpu.memory_space<semaphore_mem>>) src(%dma_wait3A_94 : memref<20000x64xbf16, #tpu.memory_space<hbm>>) dst(%arg10 : memref<256x64xbf16, #tpu.memory_space<vmem>>)
    %dma_start3A_95 = arith.constant 78 : i32
    %dma_start3A_96 = arith.constant 0 : i32
    %dma_start3A_97 = tpu.memref_slice %arg7[%dma_start3A_95, %dma_start3A_96] : memref<80x256xi32, #tpu.memory_space<vmem>> -> memref<1x256xi32, #tpu.memory_space<vmem>>
    %dma_start3A_98 = tpu.memref_squeeze %dma_start3A_97 : memref<1x256xi32, #tpu.memory_space<vmem>> -> memref<256xi32, #tpu.memory_space<vmem>>
    %dma_start3A_99 = arith.constant 0 : i32
    %dma_start3A_100 = arith.constant 0 : i32
    %dma_start3A_101 = tpu.memref_slice %arg12[%dma_start3A_99, %dma_start3A_100] : memref<10240x64xbf16, #tpu.memory_space<vmem_shared>> -> memref<10240x64xbf16, #tpu.memory_space<vmem_shared>>
    tpu.enqueue_indirect_dma source(%arg10 : memref<256x64xbf16, #tpu.memory_space<vmem>>) target(%dma_start3A_101 : memref<10240x64xbf16, #tpu.memory_space<vmem_shared>>) offsets(%dma_start3A_98 : memref<256xi32, #tpu.memory_space<vmem>>) semaphore(%arg19 : memref<!tpu.dma_semaphore, #tpu.memory_space<semaphore_mem>>) {add = true}
    %dma_wait3A_102 = arith.constant 78 : i32
    %dma_wait3A_103 = arith.constant 0 : i32
    %dma_wait3A_104 = tpu.memref_slice %arg7[%dma_wait3A_102, %dma_wait3A_103] : memref<80x256xi32, #tpu.memory_space<vmem>> -> memref<1x256xi32, #tpu.memory_space<vmem>>
    %dma_wait3A_105 = tpu.memref_squeeze %dma_wait3A_104 : memref<1x256xi32, #tpu.memory_space<vmem>> -> memref<256xi32, #tpu.memory_space<vmem>>
    %dma_wait3A_106 = arith.constant 0 : i32
    %dma_wait3A_107 = arith.constant 0 : i32
    %dma_wait3A_108 = tpu.memref_slice %arg12[%dma_wait3A_106, %dma_wait3A_107] : memref<10240x64xbf16, #tpu.memory_space<vmem_shared>> -> memref<10240x64xbf16, #tpu.memory_space<vmem_shared>>
    tpu.wait_indirect_dma semaphore(%arg19 : memref<!tpu.dma_semaphore, #tpu.memory_space<semaphore_mem>>) src(%arg10 : memref<256x64xbf16, #tpu.memory_space<vmem>>) dst(%dma_wait3A_108 : memref<10240x64xbf16, #tpu.memory_space<vmem_shared>>)
    %dma_wait3A_109 = arith.constant 79 : i32
    %dma_wait3A_110 = arith.constant 0 : i32
    %dma_wait3A_111 = tpu.memref_slice %arg6[%dma_wait3A_109, %dma_wait3A_110] : memref<80x256xi32, #tpu.memory_space<vmem>> -> memref<1x256xi32, #tpu.memory_space<vmem>>
    %dma_wait3A_112 = tpu.memref_squeeze %dma_wait3A_111 : memref<1x256xi32, #tpu.memory_space<vmem>> -> memref<256xi32, #tpu.memory_space<vmem>>
    %dma_wait3A_113 = arith.constant 0 : i32
    %dma_wait3A_114 = arith.constant 0 : i32
    %dma_wait3A_115 = tpu.memref_slice %arg2[%dma_wait3A_113, %dma_wait3A_114] : memref<20000x64xbf16, #tpu.memory_space<hbm>> -> memref<20000x64xbf16, #tpu.memory_space<hbm>>
    tpu.wait_indirect_dma semaphore(%arg16 : memref<!tpu.dma_semaphore, #tpu.memory_space<semaphore_mem>>) src(%dma_wait3A_115 : memref<20000x64xbf16, #tpu.memory_space<hbm>>) dst(%arg11 : memref<256x64xbf16, #tpu.memory_space<vmem>>)
    %dma_start3A_116 = arith.constant 79 : i32
    %dma_start3A_117 = arith.constant 0 : i32
    %dma_start3A_118 = tpu.memref_slice %arg7[%dma_start3A_116, %dma_start3A_117] : memref<80x256xi32, #tpu.memory_space<vmem>> -> memref<1x256xi32, #tpu.memory_space<vmem>>
    %dma_start3A_119 = tpu.memref_squeeze %dma_start3A_118 : memref<1x256xi32, #tpu.memory_space<vmem>> -> memref<256xi32, #tpu.memory_space<vmem>>
    %dma_start3A_120 = arith.constant 0 : i32
    %dma_start3A_121 = arith.constant 0 : i32
    %dma_start3A_122 = tpu.memref_slice %arg12[%dma_start3A_120, %dma_start3A_121] : memref<10240x64xbf16, #tpu.memory_space<vmem_shared>> -> memref<10240x64xbf16, #tpu.memory_space<vmem_shared>>
    tpu.enqueue_indirect_dma source(%arg11 : memref<256x64xbf16, #tpu.memory_space<vmem>>) target(%dma_start3A_122 : memref<10240x64xbf16, #tpu.memory_space<vmem_shared>>) offsets(%dma_start3A_119 : memref<256xi32, #tpu.memory_space<vmem>>) semaphore(%arg20 : memref<!tpu.dma_semaphore, #tpu.memory_space<semaphore_mem>>) {add = true}
    %dma_wait3A_123 = arith.constant 79 : i32
    %dma_wait3A_124 = arith.constant 0 : i32
    %dma_wait3A_125 = tpu.memref_slice %arg7[%dma_wait3A_123, %dma_wait3A_124] : memref<80x256xi32, #tpu.memory_space<vmem>> -> memref<1x256xi32, #tpu.memory_space<vmem>>
    %dma_wait3A_126 = tpu.memref_squeeze %dma_wait3A_125 : memref<1x256xi32, #tpu.memory_space<vmem>> -> memref<256xi32, #tpu.memory_space<vmem>>
    %dma_wait3A_127 = arith.constant 0 : i32
    %dma_wait3A_128 = arith.constant 0 : i32
    %dma_wait3A_129 = tpu.memref_slice %arg12[%dma_wait3A_127, %dma_wait3A_128] : memref<10240x64xbf16, #tpu.memory_space<vmem_shared>> -> memref<10240x64xbf16, #tpu.memory_space<vmem_shared>>
    tpu.wait_indirect_dma semaphore(%arg20 : memref<!tpu.dma_semaphore, #tpu.memory_space<semaphore_mem>>) src(%arg11 : memref<256x64xbf16, #tpu.memory_space<vmem>>) dst(%dma_wait3A_129 : memref<10240x64xbf16, #tpu.memory_space<vmem_shared>>)
    %barrier3A_130 = arith.constant 0 : index
    tpu.barrier barrier_id(%barrier3A_130)
    "tpu.region"() ({
      %run_scoped3A = tpu.sem_alloc : memref<!tpu.dma_semaphore, #tpu.memory_space<semaphore_mem>>
      %dma_start3A_131 = arith.constant 0 : i32
      %dma_start3A_132 = tpu.memref_slice %arg5[%arg0, %mul3A_0, %dma_start3A_131] : memref<2x10240x64xbf16, #tpu.memory_space<hbm>> -> memref<1x640x64xbf16, #tpu.memory_space<hbm>>
      %dma_start3A_133 = tpu.memref_squeeze %dma_start3A_132 : memref<1x640x64xbf16, #tpu.memory_space<hbm>> -> memref<640x64xbf16, #tpu.memory_space<hbm>>
      %dma_start3A_134 = arith.constant 0 : i32
      %dma_start3A_135 = tpu.memref_slice %arg12[%mul3A_0, %dma_start3A_134] : memref<10240x64xbf16, #tpu.memory_space<vmem_shared>> -> memref<640x64xbf16, #tpu.memory_space<vmem_shared>>
      tpu.enqueue_dma source(%dma_start3A_135 : memref<640x64xbf16, #tpu.memory_space<vmem_shared>>) target(%dma_start3A_133 : memref<640x64xbf16, #tpu.memory_space<hbm>>) target_semaphore(%run_scoped3A : memref<!tpu.dma_semaphore, #tpu.memory_space<semaphore_mem>>)
      %dma_wait3A_136 = arith.constant 0 : i32
      %dma_wait3A_137 = tpu.memref_slice %arg5[%arg0, %mul3A_0, %dma_wait3A_136] : memref<2x10240x64xbf16, #tpu.memory_space<hbm>> -> memref<1x640x64xbf16, #tpu.memory_space<hbm>>
      %dma_wait3A_138 = tpu.memref_squeeze %dma_wait3A_137 : memref<1x640x64xbf16, #tpu.memory_space<hbm>> -> memref<640x64xbf16, #tpu.memory_space<hbm>>
      %dma_wait3A_139 = arith.constant 0 : i32
      %dma_wait3A_140 = tpu.memref_slice %arg12[%mul3A_0, %dma_wait3A_139] : memref<10240x64xbf16, #tpu.memory_space<vmem_shared>> -> memref<640x64xbf16, #tpu.memory_space<vmem_shared>>
      tpu.wait_dma2 semaphore(%run_scoped3A : memref<!tpu.dma_semaphore, #tpu.memory_space<semaphore_mem>>) src(%dma_wait3A_140 : memref<640x64xbf16, #tpu.memory_space<vmem_shared>>) dst(%dma_wait3A_138 : memref<640x64xbf16, #tpu.memory_space<hbm>>)
      tpu.yield
    }) : () -> ()
    return
  }
}

#map = affine_map<(d0, d1) -> (0, 0)>
#map1 = affine_map<(d0, d1) -> (0, 0, 0, 0)>
#map2 = affine_map<(d0, d1) -> (0, 0, 0)>
module attributes {stable_mosaic.version = 14 : i64} {
  func.func @body(%arg0: i32, %arg1: i32, %arg2: memref<20000x64xbf16, #tpu.memory_space<hbm>>, %arg3: memref<2x16x80x256xi32, #tpu.memory_space<hbm>>, %arg4: memref<16x80x256xi32, #tpu.memory_space<hbm>>, %arg5: memref<2x10240x64xbf16, #tpu.memory_space<hbm>>, %arg6: memref<2x10240x16xf32, #tpu.memory_space<hbm>>, %arg7: memref<80x256xi32, #tpu.memory_space<vmem>>, %arg8: memref<80x256xi32, #tpu.memory_space<vmem>>, %arg9: memref<256x64xbf16, #tpu.memory_space<vmem>>, %arg10: memref<256x64xbf16, #tpu.memory_space<vmem>>, %arg11: memref<256x64xbf16, #tpu.memory_space<vmem>>, %arg12: memref<256x64xbf16, #tpu.memory_space<vmem>>, %arg13: memref<256x16xf32, #tpu.memory_space<vmem>>, %arg14: memref<10240x16xf32, #tpu.memory_space<vmem_shared>>, %arg15: memref<10240x64xbf16, #tpu.memory_space<vmem_shared>>, %arg16: memref<!tpu.dma_semaphore, #tpu.memory_space<semaphore_mem>>, %arg17: memref<!tpu.dma_semaphore, #tpu.memory_space<semaphore_mem>>, %arg18: memref<!tpu.dma_semaphore, #tpu.memory_space<semaphore_mem>>, %arg19: memref<!tpu.dma_semaphore, #tpu.memory_space<semaphore_mem>>, %arg20: memref<!tpu.dma_semaphore, #tpu.memory_space<semaphore_mem>>, %arg21: memref<!tpu.dma_semaphore, #tpu.memory_space<semaphore_mem>>, %arg22: memref<!tpu.dma_semaphore, #tpu.memory_space<semaphore_mem>>, %arg23: memref<!tpu.dma_semaphore, #tpu.memory_space<semaphore_mem>>) attributes {dimension_semantics = [#tpu.dimension_semantics<core_parallel>, #tpu.dimension_semantics<subcore_parallel>], iteration_bounds = array<i64: 2, 16>, scalar_prefetch = 0 : i64, scratch_operands = 17 : i64, tpu.core_type = #tpu.core_type<sc_vector_subcore>, window_params = [{transform_indices = #map}, {transform_indices = #map1}, {transform_indices = #map2}, {transform_indices = #map2}, {transform_indices = #map2}]} {
    %mul3A = arith.constant 640 : i32
    %mul3A_0 = arith.muli %arg1, %mul3A : i32
    "tpu.region"() ({
      %run_scoped3A = tpu.sem_alloc : memref<!tpu.dma_semaphore, #tpu.memory_space<semaphore_mem>>
      %dma_start3A_258 = arith.constant 0 : i32
      %dma_start3A_259 = arith.constant 0 : i32
      %dma_start3A_260 = tpu.memref_slice %arg3[%arg0, %arg1, %dma_start3A_258, %dma_start3A_259] : memref<2x16x80x256xi32, #tpu.memory_space<hbm>> -> memref<1x1x80x256xi32, #tpu.memory_space<hbm>>
      %dma_start3A_261 = tpu.memref_squeeze %dma_start3A_260 : memref<1x1x80x256xi32, #tpu.memory_space<hbm>> -> memref<80x256xi32, #tpu.memory_space<hbm>>
      %dma_start3A_262 = arith.constant 0 : i32
      %dma_start3A_263 = arith.constant 0 : i32
      %dma_start3A_264 = tpu.memref_slice %arg3[%arg0, %arg1, %dma_start3A_262, %dma_start3A_263] : memref<2x16x80x256xi32, #tpu.memory_space<hbm>> -> memref<1x1x80x256xi32, #tpu.memory_space<hbm>>
      %dma_start3A_265 = tpu.memref_squeeze %dma_start3A_264 : memref<1x1x80x256xi32, #tpu.memory_space<hbm>> -> memref<80x256xi32, #tpu.memory_space<hbm>>
      tpu.enqueue_dma source(%dma_start3A_265 : memref<80x256xi32, #tpu.memory_space<hbm>>) target(%arg7 : memref<80x256xi32, #tpu.memory_space<vmem>>) target_semaphore(%run_scoped3A : memref<!tpu.dma_semaphore, #tpu.memory_space<semaphore_mem>>)
      %dma_wait3A_266 = arith.constant 0 : i32
      %dma_wait3A_267 = arith.constant 0 : i32
      %dma_wait3A_268 = tpu.memref_slice %arg3[%arg0, %arg1, %dma_wait3A_266, %dma_wait3A_267] : memref<2x16x80x256xi32, #tpu.memory_space<hbm>> -> memref<1x1x80x256xi32, #tpu.memory_space<hbm>>
      %dma_wait3A_269 = tpu.memref_squeeze %dma_wait3A_268 : memref<1x1x80x256xi32, #tpu.memory_space<hbm>> -> memref<80x256xi32, #tpu.memory_space<hbm>>
      %dma_wait3A_270 = arith.constant 0 : i32
      %dma_wait3A_271 = arith.constant 0 : i32
      %dma_wait3A_272 = tpu.memref_slice %arg3[%arg0, %arg1, %dma_wait3A_270, %dma_wait3A_271] : memref<2x16x80x256xi32, #tpu.memory_space<hbm>> -> memref<1x1x80x256xi32, #tpu.memory_space<hbm>>
      %dma_wait3A_273 = tpu.memref_squeeze %dma_wait3A_272 : memref<1x1x80x256xi32, #tpu.memory_space<hbm>> -> memref<80x256xi32, #tpu.memory_space<hbm>>
      tpu.wait_dma2 semaphore(%run_scoped3A : memref<!tpu.dma_semaphore, #tpu.memory_space<semaphore_mem>>) src(%dma_wait3A_273 : memref<80x256xi32, #tpu.memory_space<hbm>>) dst(%arg7 : memref<80x256xi32, #tpu.memory_space<vmem>>)
      tpu.yield
    }) : () -> ()
    "tpu.region"() ({
      %run_scoped3A = tpu.sem_alloc : memref<!tpu.dma_semaphore, #tpu.memory_space<semaphore_mem>>
      %dma_start3A_258 = arith.constant 0 : i32
      %dma_start3A_259 = arith.constant 0 : i32
      %dma_start3A_260 = tpu.memref_slice %arg4[%arg1, %dma_start3A_258, %dma_start3A_259] : memref<16x80x256xi32, #tpu.memory_space<hbm>> -> memref<1x80x256xi32, #tpu.memory_space<hbm>>
      %dma_start3A_261 = tpu.memref_squeeze %dma_start3A_260 : memref<1x80x256xi32, #tpu.memory_space<hbm>> -> memref<80x256xi32, #tpu.memory_space<hbm>>
      %dma_start3A_262 = arith.constant 0 : i32
      %dma_start3A_263 = arith.constant 0 : i32
      %dma_start3A_264 = tpu.memref_slice %arg4[%arg1, %dma_start3A_262, %dma_start3A_263] : memref<16x80x256xi32, #tpu.memory_space<hbm>> -> memref<1x80x256xi32, #tpu.memory_space<hbm>>
      %dma_start3A_265 = tpu.memref_squeeze %dma_start3A_264 : memref<1x80x256xi32, #tpu.memory_space<hbm>> -> memref<80x256xi32, #tpu.memory_space<hbm>>
      tpu.enqueue_dma source(%dma_start3A_265 : memref<80x256xi32, #tpu.memory_space<hbm>>) target(%arg8 : memref<80x256xi32, #tpu.memory_space<vmem>>) target_semaphore(%run_scoped3A : memref<!tpu.dma_semaphore, #tpu.memory_space<semaphore_mem>>)
      %dma_wait3A_266 = arith.constant 0 : i32
      %dma_wait3A_267 = arith.constant 0 : i32
      %dma_wait3A_268 = tpu.memref_slice %arg4[%arg1, %dma_wait3A_266, %dma_wait3A_267] : memref<16x80x256xi32, #tpu.memory_space<hbm>> -> memref<1x80x256xi32, #tpu.memory_space<hbm>>
      %dma_wait3A_269 = tpu.memref_squeeze %dma_wait3A_268 : memref<1x80x256xi32, #tpu.memory_space<hbm>> -> memref<80x256xi32, #tpu.memory_space<hbm>>
      %dma_wait3A_270 = arith.constant 0 : i32
      %dma_wait3A_271 = arith.constant 0 : i32
      %dma_wait3A_272 = tpu.memref_slice %arg4[%arg1, %dma_wait3A_270, %dma_wait3A_271] : memref<16x80x256xi32, #tpu.memory_space<hbm>> -> memref<1x80x256xi32, #tpu.memory_space<hbm>>
      %dma_wait3A_273 = tpu.memref_squeeze %dma_wait3A_272 : memref<1x80x256xi32, #tpu.memory_space<hbm>> -> memref<80x256xi32, #tpu.memory_space<hbm>>
      tpu.wait_dma2 semaphore(%run_scoped3A : memref<!tpu.dma_semaphore, #tpu.memory_space<semaphore_mem>>) src(%dma_wait3A_273 : memref<80x256xi32, #tpu.memory_space<hbm>>) dst(%arg8 : memref<80x256xi32, #tpu.memory_space<vmem>>)
      tpu.yield
    }) : () -> ()
    %broadcast_in_dim3A = arith.constant 0.000000e+00 : f32
    %broadcast_in_dim3A_1 = vector.broadcast %broadcast_in_dim3A : f32 to vector<16xf32>
    %broadcast_in_dim3A_2 = arith.constant 0.000000e+00 : bf16
    %broadcast_in_dim3A_3 = vector.broadcast %broadcast_in_dim3A_2 : bf16 to vector<32xbf16>
    %scan3A = arith.constant 0 : i32
    %scan3A_4 = arith.constant 0 : i32
    %scan3A_5 = arith.constant 256 : i32
    %scan3A_6 = arith.addi %scan3A_4, %scan3A_5 : i32
    %scan3A_7 = arith.constant 1 : i32
    scf.for %scan3A_258 = %scan3A_4 to %scan3A_6 step %scan3A_7  : i32 {
      %scan3A_259 = arith.constant 0 : i32
      %scan3A_260 = arith.constant 2 : i32
      %scan3A_261 = arith.addi %scan3A_259, %scan3A_260 : i32
      %scan3A_262 = arith.constant 1 : i32
      scf.for %scan3A_264 = %scan3A_259 to %scan3A_261 step %scan3A_262  : i32 {
        %mul3A_265 = arith.constant 32 : i32
        %mul3A_266 = arith.muli %scan3A_264, %mul3A_265 : i32
        %swap3A = arith.index_cast %scan3A_258 : i32 to index
        %swap3A_267 = arith.index_cast %mul3A_266 : i32 to index
        %swap3A_268 = tpu.vector_load %arg9[%swap3A, %swap3A_267] {strides = array<i32>} : memref<256x64xbf16, #tpu.memory_space<vmem>>, vector<1x32xbf16>,
        %swap3A_269 = vector.shape_cast %swap3A_268 : vector<1x32xbf16> to vector<32xbf16>
        %swap3A_270 = vector.shape_cast %broadcast_in_dim3A_3 : vector<32xbf16> to vector<1x32xbf16>
        tpu.vector_store %arg9[%swap3A, %swap3A_267], %swap3A_270 {strides = array<i32>} : memref<256x64xbf16, #tpu.memory_space<vmem>>, vector<1x32xbf16>,
      }
      %scan3A_263 = arith.constant 2 : i32
    }
    %scan3A_8 = arith.constant 256 : i32
    %add3A = arith.constant 0 : i32
    %add3A_9 = arith.addi %mul3A_0, %add3A : i32
    "tpu.region"() ({
      %run_scoped3A = tpu.sem_alloc : memref<!tpu.dma_semaphore, #tpu.memory_space<semaphore_mem>>
      %dma_start3A_258 = arith.constant 0 : i32
      %dma_start3A_259 = tpu.memref_slice %arg15[%add3A_9, %dma_start3A_258] : memref<10240x64xbf16, #tpu.memory_space<vmem_shared>> -> memref<256x64xbf16, #tpu.memory_space<vmem_shared>>
      %dma_start3A_260 = arith.constant 0 : i32
      %dma_start3A_261 = tpu.memref_slice %arg15[%add3A_9, %dma_start3A_260] : memref<10240x64xbf16, #tpu.memory_space<vmem_shared>> -> memref<256x64xbf16, #tpu.memory_space<vmem_shared>>
      tpu.enqueue_dma source(%arg9 : memref<256x64xbf16, #tpu.memory_space<vmem>>) target(%dma_start3A_261 : memref<256x64xbf16, #tpu.memory_space<vmem_shared>>) target_semaphore(%run_scoped3A : memref<!tpu.dma_semaphore, #tpu.memory_space<semaphore_mem>>)
      %dma_wait3A_262 = arith.constant 0 : i32
      %dma_wait3A_263 = tpu.memref_slice %arg15[%add3A_9, %dma_wait3A_262] : memref<10240x64xbf16, #tpu.memory_space<vmem_shared>> -> memref<256x64xbf16, #tpu.memory_space<vmem_shared>>
      %dma_wait3A_264 = arith.constant 0 : i32
      %dma_wait3A_265 = tpu.memref_slice %arg15[%add3A_9, %dma_wait3A_264] : memref<10240x64xbf16, #tpu.memory_space<vmem_shared>> -> memref<256x64xbf16, #tpu.memory_space<vmem_shared>>
      tpu.wait_dma2 semaphore(%run_scoped3A : memref<!tpu.dma_semaphore, #tpu.memory_space<semaphore_mem>>) src(%arg9 : memref<256x64xbf16, #tpu.memory_space<vmem>>) dst(%dma_wait3A_265 : memref<256x64xbf16, #tpu.memory_space<vmem_shared>>)
      tpu.yield
    }) : () -> ()
    %add3A_10 = arith.constant 256 : i32
    %add3A_11 = arith.addi %mul3A_0, %add3A_10 : i32
    "tpu.region"() ({
      %run_scoped3A = tpu.sem_alloc : memref<!tpu.dma_semaphore, #tpu.memory_space<semaphore_mem>>
      %dma_start3A_258 = arith.constant 0 : i32
      %dma_start3A_259 = tpu.memref_slice %arg15[%add3A_11, %dma_start3A_258] : memref<10240x64xbf16, #tpu.memory_space<vmem_shared>> -> memref<256x64xbf16, #tpu.memory_space<vmem_shared>>
      %dma_start3A_260 = arith.constant 0 : i32
      %dma_start3A_261 = tpu.memref_slice %arg15[%add3A_11, %dma_start3A_260] : memref<10240x64xbf16, #tpu.memory_space<vmem_shared>> -> memref<256x64xbf16, #tpu.memory_space<vmem_shared>>
      tpu.enqueue_dma source(%arg9 : memref<256x64xbf16, #tpu.memory_space<vmem>>) target(%dma_start3A_261 : memref<256x64xbf16, #tpu.memory_space<vmem_shared>>) target_semaphore(%run_scoped3A : memref<!tpu.dma_semaphore, #tpu.memory_space<semaphore_mem>>)
      %dma_wait3A_262 = arith.constant 0 : i32
      %dma_wait3A_263 = tpu.memref_slice %arg15[%add3A_11, %dma_wait3A_262] : memref<10240x64xbf16, #tpu.memory_space<vmem_shared>> -> memref<256x64xbf16, #tpu.memory_space<vmem_shared>>
      %dma_wait3A_264 = arith.constant 0 : i32
      %dma_wait3A_265 = tpu.memref_slice %arg15[%add3A_11, %dma_wait3A_264] : memref<10240x64xbf16, #tpu.memory_space<vmem_shared>> -> memref<256x64xbf16, #tpu.memory_space<vmem_shared>>
      tpu.wait_dma2 semaphore(%run_scoped3A : memref<!tpu.dma_semaphore, #tpu.memory_space<semaphore_mem>>) src(%arg9 : memref<256x64xbf16, #tpu.memory_space<vmem>>) dst(%dma_wait3A_265 : memref<256x64xbf16, #tpu.memory_space<vmem_shared>>)
      tpu.yield
    }) : () -> ()
    %add3A_12 = arith.constant 512 : i32
    %add3A_13 = arith.addi %mul3A_0, %add3A_12 : i32
    "tpu.region"() ({
      %run_scoped3A = tpu.sem_alloc : memref<!tpu.dma_semaphore, #tpu.memory_space<semaphore_mem>>
      %dma_start3A_258 = arith.constant 0 : i32
      %dma_start3A_259 = arith.constant 0 : i32
      %dma_start3A_260 = tpu.memref_slice %arg9[%dma_start3A_258, %dma_start3A_259] : memref<256x64xbf16, #tpu.memory_space<vmem>> -> memref<128x64xbf16, #tpu.memory_space<vmem>>
      %dma_start3A_261 = arith.constant 0 : i32
      %dma_start3A_262 = tpu.memref_slice %arg15[%add3A_13, %dma_start3A_261] : memref<10240x64xbf16, #tpu.memory_space<vmem_shared>> -> memref<128x64xbf16, #tpu.memory_space<vmem_shared>>
      %dma_start3A_263 = arith.constant 0 : i32
      %dma_start3A_264 = tpu.memref_slice %arg15[%add3A_13, %dma_start3A_263] : memref<10240x64xbf16, #tpu.memory_space<vmem_shared>> -> memref<128x64xbf16, #tpu.memory_space<vmem_shared>>
      %dma_start3A_265 = arith.constant 0 : i32
      %dma_start3A_266 = arith.constant 0 : i32
      %dma_start3A_267 = tpu.memref_slice %arg9[%dma_start3A_265, %dma_start3A_266] : memref<256x64xbf16, #tpu.memory_space<vmem>> -> memref<128x64xbf16, #tpu.memory_space<vmem>>
      tpu.enqueue_dma source(%dma_start3A_267 : memref<128x64xbf16, #tpu.memory_space<vmem>>) target(%dma_start3A_264 : memref<128x64xbf16, #tpu.memory_space<vmem_shared>>) target_semaphore(%run_scoped3A : memref<!tpu.dma_semaphore, #tpu.memory_space<semaphore_mem>>)
      %dma_wait3A_268 = arith.constant 0 : i32
      %dma_wait3A_269 = arith.constant 0 : i32
      %dma_wait3A_270 = tpu.memref_slice %arg9[%dma_wait3A_268, %dma_wait3A_269] : memref<256x64xbf16, #tpu.memory_space<vmem>> -> memref<128x64xbf16, #tpu.memory_space<vmem>>
      %dma_wait3A_271 = arith.constant 0 : i32
      %dma_wait3A_272 = tpu.memref_slice %arg15[%add3A_13, %dma_wait3A_271] : memref<10240x64xbf16, #tpu.memory_space<vmem_shared>> -> memref<128x64xbf16, #tpu.memory_space<vmem_shared>>
      %dma_wait3A_273 = arith.constant 0 : i32
      %dma_wait3A_274 = tpu.memref_slice %arg15[%add3A_13, %dma_wait3A_273] : memref<10240x64xbf16, #tpu.memory_space<vmem_shared>> -> memref<128x64xbf16, #tpu.memory_space<vmem_shared>>
      %dma_wait3A_275 = arith.constant 0 : i32
      %dma_wait3A_276 = arith.constant 0 : i32
      %dma_wait3A_277 = tpu.memref_slice %arg9[%dma_wait3A_275, %dma_wait3A_276] : memref<256x64xbf16, #tpu.memory_space<vmem>> -> memref<128x64xbf16, #tpu.memory_space<vmem>>
      tpu.wait_dma2 semaphore(%run_scoped3A : memref<!tpu.dma_semaphore, #tpu.memory_space<semaphore_mem>>) src(%dma_wait3A_277 : memref<128x64xbf16, #tpu.memory_space<vmem>>) dst(%dma_wait3A_274 : memref<128x64xbf16, #tpu.memory_space<vmem_shared>>)
      tpu.yield
    }) : () -> ()
    %broadcast_in_dim3A_14 = arith.constant 1.000000e+00 : f32
    %broadcast_in_dim3A_15 = vector.broadcast %broadcast_in_dim3A_14 : f32 to vector<16xf32>
    %scan3A_16 = arith.constant 0 : i32
    %scan3A_17 = arith.constant 0 : i32
    %scan3A_18 = arith.constant 256 : i32
    %scan3A_19 = arith.addi %scan3A_17, %scan3A_18 : i32
    %scan3A_20 = arith.constant 1 : i32
    scf.for %scan3A_258 = %scan3A_17 to %scan3A_19 step %scan3A_20  : i32 {
      %swap3A = arith.index_cast %scan3A_258 : i32 to index
      %swap3A_259 = arith.constant 0 : index
      %swap3A_260 = tpu.vector_load %arg13[%swap3A, %swap3A_259] {strides = array<i32>} : memref<256x16xf32, #tpu.memory_space<vmem>>, vector<1x16xf32>,
      %swap3A_261 = vector.shape_cast %swap3A_260 : vector<1x16xf32> to vector<16xf32>
      %swap3A_262 = vector.shape_cast %broadcast_in_dim3A_1 : vector<16xf32> to vector<1x16xf32>
      tpu.vector_store %arg13[%swap3A, %swap3A_259], %swap3A_262 {strides = array<i32>} : memref<256x16xf32, #tpu.memory_space<vmem>>, vector<1x16xf32>,
    }
    %scan3A_21 = arith.constant 256 : i32
    %add3A_22 = arith.constant 0 : i32
    %add3A_23 = arith.addi %mul3A_0, %add3A_22 : i32
    "tpu.region"() ({
      %run_scoped3A = tpu.sem_alloc : memref<!tpu.dma_semaphore, #tpu.memory_space<semaphore_mem>>
      %dma_start3A_258 = arith.constant 0 : i32
      %dma_start3A_259 = tpu.memref_slice %arg14[%add3A_23, %dma_start3A_258] : memref<10240x16xf32, #tpu.memory_space<vmem_shared>> -> memref<256x16xf32, #tpu.memory_space<vmem_shared>>
      %dma_start3A_260 = arith.constant 0 : i32
      %dma_start3A_261 = tpu.memref_slice %arg14[%add3A_23, %dma_start3A_260] : memref<10240x16xf32, #tpu.memory_space<vmem_shared>> -> memref<256x16xf32, #tpu.memory_space<vmem_shared>>
      tpu.enqueue_dma source(%arg13 : memref<256x16xf32, #tpu.memory_space<vmem>>) target(%dma_start3A_261 : memref<256x16xf32, #tpu.memory_space<vmem_shared>>) target_semaphore(%run_scoped3A : memref<!tpu.dma_semaphore, #tpu.memory_space<semaphore_mem>>)
      %dma_wait3A_262 = arith.constant 0 : i32
      %dma_wait3A_263 = tpu.memref_slice %arg14[%add3A_23, %dma_wait3A_262] : memref<10240x16xf32, #tpu.memory_space<vmem_shared>> -> memref<256x16xf32, #tpu.memory_space<vmem_shared>>
      %dma_wait3A_264 = arith.constant 0 : i32
      %dma_wait3A_265 = tpu.memref_slice %arg14[%add3A_23, %dma_wait3A_264] : memref<10240x16xf32, #tpu.memory_space<vmem_shared>> -> memref<256x16xf32, #tpu.memory_space<vmem_shared>>
      tpu.wait_dma2 semaphore(%run_scoped3A : memref<!tpu.dma_semaphore, #tpu.memory_space<semaphore_mem>>) src(%arg13 : memref<256x16xf32, #tpu.memory_space<vmem>>) dst(%dma_wait3A_265 : memref<256x16xf32, #tpu.memory_space<vmem_shared>>)
      tpu.yield
    }) : () -> ()
    %add3A_24 = arith.constant 256 : i32
    %add3A_25 = arith.addi %mul3A_0, %add3A_24 : i32
    "tpu.region"() ({
      %run_scoped3A = tpu.sem_alloc : memref<!tpu.dma_semaphore, #tpu.memory_space<semaphore_mem>>
      %dma_start3A_258 = arith.constant 0 : i32
      %dma_start3A_259 = tpu.memref_slice %arg14[%add3A_25, %dma_start3A_258] : memref<10240x16xf32, #tpu.memory_space<vmem_shared>> -> memref<256x16xf32, #tpu.memory_space<vmem_shared>>
      %dma_start3A_260 = arith.constant 0 : i32
      %dma_start3A_261 = tpu.memref_slice %arg14[%add3A_25, %dma_start3A_260] : memref<10240x16xf32, #tpu.memory_space<vmem_shared>> -> memref<256x16xf32, #tpu.memory_space<vmem_shared>>
      tpu.enqueue_dma source(%arg13 : memref<256x16xf32, #tpu.memory_space<vmem>>) target(%dma_start3A_261 : memref<256x16xf32, #tpu.memory_space<vmem_shared>>) target_semaphore(%run_scoped3A : memref<!tpu.dma_semaphore, #tpu.memory_space<semaphore_mem>>)
      %dma_wait3A_262 = arith.constant 0 : i32
      %dma_wait3A_263 = tpu.memref_slice %arg14[%add3A_25, %dma_wait3A_262] : memref<10240x16xf32, #tpu.memory_space<vmem_shared>> -> memref<256x16xf32, #tpu.memory_space<vmem_shared>>
      %dma_wait3A_264 = arith.constant 0 : i32
      %dma_wait3A_265 = tpu.memref_slice %arg14[%add3A_25, %dma_wait3A_264] : memref<10240x16xf32, #tpu.memory_space<vmem_shared>> -> memref<256x16xf32, #tpu.memory_space<vmem_shared>>
      tpu.wait_dma2 semaphore(%run_scoped3A : memref<!tpu.dma_semaphore, #tpu.memory_space<semaphore_mem>>) src(%arg13 : memref<256x16xf32, #tpu.memory_space<vmem>>) dst(%dma_wait3A_265 : memref<256x16xf32, #tpu.memory_space<vmem_shared>>)
      tpu.yield
    }) : () -> ()
    %add3A_26 = arith.constant 512 : i32
    %add3A_27 = arith.addi %mul3A_0, %add3A_26 : i32
    "tpu.region"() ({
      %run_scoped3A = tpu.sem_alloc : memref<!tpu.dma_semaphore, #tpu.memory_space<semaphore_mem>>
      %dma_start3A_258 = arith.constant 0 : i32
      %dma_start3A_259 = arith.constant 0 : i32
      %dma_start3A_260 = tpu.memref_slice %arg13[%dma_start3A_258, %dma_start3A_259] : memref<256x16xf32, #tpu.memory_space<vmem>> -> memref<128x16xf32, #tpu.memory_space<vmem>>
      %dma_start3A_261 = arith.constant 0 : i32
      %dma_start3A_262 = tpu.memref_slice %arg14[%add3A_27, %dma_start3A_261] : memref<10240x16xf32, #tpu.memory_space<vmem_shared>> -> memref<128x16xf32, #tpu.memory_space<vmem_shared>>
      %dma_start3A_263 = arith.constant 0 : i32
      %dma_start3A_264 = tpu.memref_slice %arg14[%add3A_27, %dma_start3A_263] : memref<10240x16xf32, #tpu.memory_space<vmem_shared>> -> memref<128x16xf32, #tpu.memory_space<vmem_shared>>
      %dma_start3A_265 = arith.constant 0 : i32
      %dma_start3A_266 = arith.constant 0 : i32
      %dma_start3A_267 = tpu.memref_slice %arg13[%dma_start3A_265, %dma_start3A_266] : memref<256x16xf32, #tpu.memory_space<vmem>> -> memref<128x16xf32, #tpu.memory_space<vmem>>
      tpu.enqueue_dma source(%dma_start3A_267 : memref<128x16xf32, #tpu.memory_space<vmem>>) target(%dma_start3A_264 : memref<128x16xf32, #tpu.memory_space<vmem_shared>>) target_semaphore(%run_scoped3A : memref<!tpu.dma_semaphore, #tpu.memory_space<semaphore_mem>>)
      %dma_wait3A_268 = arith.constant 0 : i32
      %dma_wait3A_269 = arith.constant 0 : i32
      %dma_wait3A_270 = tpu.memref_slice %arg13[%dma_wait3A_268, %dma_wait3A_269] : memref<256x16xf32, #tpu.memory_space<vmem>> -> memref<128x16xf32, #tpu.memory_space<vmem>>
      %dma_wait3A_271 = arith.constant 0 : i32
      %dma_wait3A_272 = tpu.memref_slice %arg14[%add3A_27, %dma_wait3A_271] : memref<10240x16xf32, #tpu.memory_space<vmem_shared>> -> memref<128x16xf32, #tpu.memory_space<vmem_shared>>
      %dma_wait3A_273 = arith.constant 0 : i32
      %dma_wait3A_274 = tpu.memref_slice %arg14[%add3A_27, %dma_wait3A_273] : memref<10240x16xf32, #tpu.memory_space<vmem_shared>> -> memref<128x16xf32, #tpu.memory_space<vmem_shared>>
      %dma_wait3A_275 = arith.constant 0 : i32
      %dma_wait3A_276 = arith.constant 0 : i32
      %dma_wait3A_277 = tpu.memref_slice %arg13[%dma_wait3A_275, %dma_wait3A_276] : memref<256x16xf32, #tpu.memory_space<vmem>> -> memref<128x16xf32, #tpu.memory_space<vmem>>
      tpu.wait_dma2 semaphore(%run_scoped3A : memref<!tpu.dma_semaphore, #tpu.memory_space<semaphore_mem>>) src(%dma_wait3A_277 : memref<128x16xf32, #tpu.memory_space<vmem>>) dst(%dma_wait3A_274 : memref<128x16xf32, #tpu.memory_space<vmem_shared>>)
      tpu.yield
    }) : () -> ()
    %scan3A_28 = arith.constant 0 : i32
    %scan3A_29 = arith.constant 0 : i32
    %scan3A_30 = arith.constant 256 : i32
    %scan3A_31 = arith.addi %scan3A_29, %scan3A_30 : i32
    %scan3A_32 = arith.constant 1 : i32
    scf.for %scan3A_258 = %scan3A_29 to %scan3A_31 step %scan3A_32  : i32 {
      %swap3A = arith.index_cast %scan3A_258 : i32 to index
      %swap3A_259 = arith.constant 0 : index
      %swap3A_260 = tpu.vector_load %arg13[%swap3A, %swap3A_259] {strides = array<i32>} : memref<256x16xf32, #tpu.memory_space<vmem>>, vector<1x16xf32>,
      %swap3A_261 = vector.shape_cast %swap3A_260 : vector<1x16xf32> to vector<16xf32>
      %swap3A_262 = vector.shape_cast %broadcast_in_dim3A_15 : vector<16xf32> to vector<1x16xf32>
      tpu.vector_store %arg13[%swap3A, %swap3A_259], %swap3A_262 {strides = array<i32>} : memref<256x16xf32, #tpu.memory_space<vmem>>, vector<1x16xf32>,
    }
    %scan3A_33 = arith.constant 256 : i32
    %barrier3A = arith.constant 0 : index
    tpu.barrier barrier_id(%barrier3A)
    %dma_start3A = arith.constant 0 : i32
    %dma_start3A_34 = arith.constant 0 : i32
    %dma_start3A_35 = tpu.memref_slice %arg7[%dma_start3A, %dma_start3A_34] : memref<80x256xi32, #tpu.memory_space<vmem>> -> memref<1x256xi32, #tpu.memory_space<vmem>>
    %dma_start3A_36 = tpu.memref_squeeze %dma_start3A_35 : memref<1x256xi32, #tpu.memory_space<vmem>> -> memref<256xi32, #tpu.memory_space<vmem>>
    %dma_start3A_37 = arith.constant 0 : i32
    %dma_start3A_38 = arith.constant 0 : i32
    %dma_start3A_39 = tpu.memref_slice %arg2[%dma_start3A_37, %dma_start3A_38] : memref<20000x64xbf16, #tpu.memory_space<hbm>> -> memref<20000x64xbf16, #tpu.memory_space<hbm>>
    tpu.enqueue_indirect_dma source(%dma_start3A_39 : memref<20000x64xbf16, #tpu.memory_space<hbm>>) target(%arg9 : memref<256x64xbf16, #tpu.memory_space<vmem>>) offsets(%dma_start3A_36 : memref<256xi32, #tpu.memory_space<vmem>>) semaphore(%arg16 : memref<!tpu.dma_semaphore, #tpu.memory_space<semaphore_mem>>)
    %dma_start3A_40 = arith.constant 1 : i32
    %dma_start3A_41 = arith.constant 0 : i32
    %dma_start3A_42 = tpu.memref_slice %arg7[%dma_start3A_40, %dma_start3A_41] : memref<80x256xi32, #tpu.memory_space<vmem>> -> memref<1x256xi32, #tpu.memory_space<vmem>>
    %dma_start3A_43 = tpu.memref_squeeze %dma_start3A_42 : memref<1x256xi32, #tpu.memory_space<vmem>> -> memref<256xi32, #tpu.memory_space<vmem>>
    %dma_start3A_44 = arith.constant 0 : i32
    %dma_start3A_45 = arith.constant 0 : i32
    %dma_start3A_46 = tpu.memref_slice %arg2[%dma_start3A_44, %dma_start3A_45] : memref<20000x64xbf16, #tpu.memory_space<hbm>> -> memref<20000x64xbf16, #tpu.memory_space<hbm>>
    tpu.enqueue_indirect_dma source(%dma_start3A_46 : memref<20000x64xbf16, #tpu.memory_space<hbm>>) target(%arg10 : memref<256x64xbf16, #tpu.memory_space<vmem>>) offsets(%dma_start3A_43 : memref<256xi32, #tpu.memory_space<vmem>>) semaphore(%arg17 : memref<!tpu.dma_semaphore, #tpu.memory_space<semaphore_mem>>)
    %dma_start3A_47 = arith.constant 2 : i32
    %dma_start3A_48 = arith.constant 0 : i32
    %dma_start3A_49 = tpu.memref_slice %arg7[%dma_start3A_47, %dma_start3A_48] : memref<80x256xi32, #tpu.memory_space<vmem>> -> memref<1x256xi32, #tpu.memory_space<vmem>>
    %dma_start3A_50 = tpu.memref_squeeze %dma_start3A_49 : memref<1x256xi32, #tpu.memory_space<vmem>> -> memref<256xi32, #tpu.memory_space<vmem>>
    %dma_start3A_51 = arith.constant 0 : i32
    %dma_start3A_52 = arith.constant 0 : i32
    %dma_start3A_53 = tpu.memref_slice %arg2[%dma_start3A_51, %dma_start3A_52] : memref<20000x64xbf16, #tpu.memory_space<hbm>> -> memref<20000x64xbf16, #tpu.memory_space<hbm>>
    tpu.enqueue_indirect_dma source(%dma_start3A_53 : memref<20000x64xbf16, #tpu.memory_space<hbm>>) target(%arg11 : memref<256x64xbf16, #tpu.memory_space<vmem>>) offsets(%dma_start3A_50 : memref<256xi32, #tpu.memory_space<vmem>>) semaphore(%arg18 : memref<!tpu.dma_semaphore, #tpu.memory_space<semaphore_mem>>)
    %dma_start3A_54 = arith.constant 3 : i32
    %dma_start3A_55 = arith.constant 0 : i32
    %dma_start3A_56 = tpu.memref_slice %arg7[%dma_start3A_54, %dma_start3A_55] : memref<80x256xi32, #tpu.memory_space<vmem>> -> memref<1x256xi32, #tpu.memory_space<vmem>>
    %dma_start3A_57 = tpu.memref_squeeze %dma_start3A_56 : memref<1x256xi32, #tpu.memory_space<vmem>> -> memref<256xi32, #tpu.memory_space<vmem>>
    %dma_start3A_58 = arith.constant 0 : i32
    %dma_start3A_59 = arith.constant 0 : i32
    %dma_start3A_60 = tpu.memref_slice %arg2[%dma_start3A_58, %dma_start3A_59] : memref<20000x64xbf16, #tpu.memory_space<hbm>> -> memref<20000x64xbf16, #tpu.memory_space<hbm>>
    tpu.enqueue_indirect_dma source(%dma_start3A_60 : memref<20000x64xbf16, #tpu.memory_space<hbm>>) target(%arg12 : memref<256x64xbf16, #tpu.memory_space<vmem>>) offsets(%dma_start3A_57 : memref<256xi32, #tpu.memory_space<vmem>>) semaphore(%arg19 : memref<!tpu.dma_semaphore, #tpu.memory_space<semaphore_mem>>)
    %scan3A_61 = arith.constant 0 : i32
    %scan3A_62 = arith.constant 0 : i32
    %scan3A_63 = arith.constant 19 : i32
    %scan3A_64 = arith.addi %scan3A_62, %scan3A_63 : i32
    %scan3A_65 = arith.constant 1 : i32
    scf.for %scan3A_258 = %scan3A_62 to %scan3A_64 step %scan3A_65  : i32 {
      %mul3A_259 = arith.constant 4 : i32
      %mul3A_260 = arith.muli %mul3A_259, %scan3A_258 : i32
      %add3A_261 = arith.constant 0 : i32
      %add3A_262 = arith.addi %mul3A_260, %add3A_261 : i32
      %dma_wait3A_263 = arith.constant 0 : i32
      %dma_wait3A_264 = tpu.memref_slice %arg7[%add3A_262, %dma_wait3A_263] : memref<80x256xi32, #tpu.memory_space<vmem>> -> memref<1x256xi32, #tpu.memory_space<vmem>>
      %dma_wait3A_265 = tpu.memref_squeeze %dma_wait3A_264 : memref<1x256xi32, #tpu.memory_space<vmem>> -> memref<256xi32, #tpu.memory_space<vmem>>
      %dma_wait3A_266 = arith.constant 0 : i32
      %dma_wait3A_267 = arith.constant 0 : i32
      %dma_wait3A_268 = tpu.memref_slice %arg2[%dma_wait3A_266, %dma_wait3A_267] : memref<20000x64xbf16, #tpu.memory_space<hbm>> -> memref<20000x64xbf16, #tpu.memory_space<hbm>>
      tpu.wait_indirect_dma semaphore(%arg16 : memref<!tpu.dma_semaphore, #tpu.memory_space<semaphore_mem>>) src(%dma_wait3A_268 : memref<20000x64xbf16, #tpu.memory_space<hbm>>) dst(%arg9 : memref<256x64xbf16, #tpu.memory_space<vmem>>)
      %dma_start3A_269 = arith.constant 0 : i32
      %dma_start3A_270 = tpu.memref_slice %arg8[%add3A_262, %dma_start3A_269] : memref<80x256xi32, #tpu.memory_space<vmem>> -> memref<1x256xi32, #tpu.memory_space<vmem>>
      %dma_start3A_271 = tpu.memref_squeeze %dma_start3A_270 : memref<1x256xi32, #tpu.memory_space<vmem>> -> memref<256xi32, #tpu.memory_space<vmem>>
      %dma_start3A_272 = arith.constant 0 : i32
      %dma_start3A_273 = arith.constant 0 : i32
      %dma_start3A_274 = tpu.memref_slice %arg15[%dma_start3A_272, %dma_start3A_273] : memref<10240x64xbf16, #tpu.memory_space<vmem_shared>> -> memref<10240x64xbf16, #tpu.memory_space<vmem_shared>>
      tpu.enqueue_indirect_dma source(%arg9 : memref<256x64xbf16, #tpu.memory_space<vmem>>) target(%dma_start3A_274 : memref<10240x64xbf16, #tpu.memory_space<vmem_shared>>) offsets(%dma_start3A_271 : memref<256xi32, #tpu.memory_space<vmem>>) semaphore(%arg20 : memref<!tpu.dma_semaphore, #tpu.memory_space<semaphore_mem>>) {add = true}
      %mul3A_275 = arith.constant 40 : i32
      %mul3A_276 = arith.muli %arg0, %mul3A_275 : i32
      %ge3A = arith.cmpi sge, %add3A_262, %mul3A_276 : i32
      %add3A_277 = arith.constant 1 : i32
      %add3A_278 = arith.addi %arg0, %add3A_277 : i32
      %mul3A_279 = arith.constant 40 : i32
      %mul3A_280 = arith.muli %add3A_278, %mul3A_279 : i32
      %lt3A = arith.cmpi slt, %add3A_262, %mul3A_280 : i32
      %and3A_281 = arith.andi %ge3A, %lt3A : i1
      %convert_element_type3A_282 = arith.extui %and3A_281 : i1 to i32
      %cond3A_283 = arith.constant 0 : i32
      %cond3A_284 = arith.cmpi ne, %convert_element_type3A_282, %cond3A_283 : i32
      scf.if %cond3A_284 {
        %dma_start3A_473 = arith.constant 0 : i32
        %dma_start3A_474 = tpu.memref_slice %arg8[%add3A_262, %dma_start3A_473] : memref<80x256xi32, #tpu.memory_space<vmem>> -> memref<1x256xi32, #tpu.memory_space<vmem>>
        %dma_start3A_475 = tpu.memref_squeeze %dma_start3A_474 : memref<1x256xi32, #tpu.memory_space<vmem>> -> memref<256xi32, #tpu.memory_space<vmem>>
        %dma_start3A_476 = arith.constant 0 : i32
        %dma_start3A_477 = arith.constant 0 : i32
        %dma_start3A_478 = tpu.memref_slice %arg14[%dma_start3A_476, %dma_start3A_477] : memref<10240x16xf32, #tpu.memory_space<vmem_shared>> -> memref<10240x16xf32, #tpu.memory_space<vmem_shared>>
        tpu.enqueue_indirect_dma source(%arg13 : memref<256x16xf32, #tpu.memory_space<vmem>>) target(%dma_start3A_478 : memref<10240x16xf32, #tpu.memory_space<vmem_shared>>) offsets(%dma_start3A_475 : memref<256xi32, #tpu.memory_space<vmem>>) semaphore(%arg20 : memref<!tpu.dma_semaphore, #tpu.memory_space<semaphore_mem>>) {add = true}
      } else {
      }
      %dma_wait3A_285 = arith.constant 0 : i32
      %dma_wait3A_286 = tpu.memref_slice %arg8[%add3A_262, %dma_wait3A_285] : memref<80x256xi32, #tpu.memory_space<vmem>> -> memref<1x256xi32, #tpu.memory_space<vmem>>
      %dma_wait3A_287 = tpu.memref_squeeze %dma_wait3A_286 : memref<1x256xi32, #tpu.memory_space<vmem>> -> memref<256xi32, #tpu.memory_space<vmem>>
      %dma_wait3A_288 = arith.constant 0 : i32
      %dma_wait3A_289 = arith.constant 0 : i32
      %dma_wait3A_290 = tpu.memref_slice %arg15[%dma_wait3A_288, %dma_wait3A_289] : memref<10240x64xbf16, #tpu.memory_space<vmem_shared>> -> memref<10240x64xbf16, #tpu.memory_space<vmem_shared>>
      tpu.wait_indirect_dma semaphore(%arg20 : memref<!tpu.dma_semaphore, #tpu.memory_space<semaphore_mem>>) src(%arg9 : memref<256x64xbf16, #tpu.memory_space<vmem>>) dst(%dma_wait3A_290 : memref<10240x64xbf16, #tpu.memory_space<vmem_shared>>)
      %mul3A_291 = arith.constant 40 : i32
      %mul3A_292 = arith.muli %arg0, %mul3A_291 : i32
      %ge3A_293 = arith.cmpi sge, %add3A_262, %mul3A_292 : i32
      %add3A_294 = arith.constant 1 : i32
      %add3A_295 = arith.addi %arg0, %add3A_294 : i32
      %mul3A_296 = arith.constant 40 : i32
      %mul3A_297 = arith.muli %add3A_295, %mul3A_296 : i32
      %lt3A_298 = arith.cmpi slt, %add3A_262, %mul3A_297 : i32
      %and3A_299 = arith.andi %ge3A_293, %lt3A_298 : i1
      %convert_element_type3A_300 = arith.extui %and3A_299 : i1 to i32
      %cond3A_301 = arith.constant 0 : i32
      %cond3A_302 = arith.cmpi ne, %convert_element_type3A_300, %cond3A_301 : i32
      scf.if %cond3A_302 {
        %dma_wait3A_473 = arith.constant 0 : i32
        %dma_wait3A_474 = tpu.memref_slice %arg8[%add3A_262, %dma_wait3A_473] : memref<80x256xi32, #tpu.memory_space<vmem>> -> memref<1x256xi32, #tpu.memory_space<vmem>>
        %dma_wait3A_475 = tpu.memref_squeeze %dma_wait3A_474 : memref<1x256xi32, #tpu.memory_space<vmem>> -> memref<256xi32, #tpu.memory_space<vmem>>
        %dma_wait3A_476 = arith.constant 0 : i32
        %dma_wait3A_477 = arith.constant 0 : i32
        %dma_wait3A_478 = tpu.memref_slice %arg14[%dma_wait3A_476, %dma_wait3A_477] : memref<10240x16xf32, #tpu.memory_space<vmem_shared>> -> memref<10240x16xf32, #tpu.memory_space<vmem_shared>>
        tpu.wait_indirect_dma semaphore(%arg20 : memref<!tpu.dma_semaphore, #tpu.memory_space<semaphore_mem>>) src(%arg13 : memref<256x16xf32, #tpu.memory_space<vmem>>) dst(%dma_wait3A_478 : memref<10240x16xf32, #tpu.memory_space<vmem_shared>>)
      } else {
      }
      %add3A_303 = arith.constant 4 : i32
      %add3A_304 = arith.addi %add3A_262, %add3A_303 : i32
      %dma_start3A_305 = arith.constant 0 : i32
      %dma_start3A_306 = tpu.memref_slice %arg7[%add3A_304, %dma_start3A_305] : memref<80x256xi32, #tpu.memory_space<vmem>> -> memref<1x256xi32, #tpu.memory_space<vmem>>
      %dma_start3A_307 = tpu.memref_squeeze %dma_start3A_306 : memref<1x256xi32, #tpu.memory_space<vmem>> -> memref<256xi32, #tpu.memory_space<vmem>>
      %dma_start3A_308 = arith.constant 0 : i32
      %dma_start3A_309 = arith.constant 0 : i32
      %dma_start3A_310 = tpu.memref_slice %arg2[%dma_start3A_308, %dma_start3A_309] : memref<20000x64xbf16, #tpu.memory_space<hbm>> -> memref<20000x64xbf16, #tpu.memory_space<hbm>>
      tpu.enqueue_indirect_dma source(%dma_start3A_310 : memref<20000x64xbf16, #tpu.memory_space<hbm>>) target(%arg9 : memref<256x64xbf16, #tpu.memory_space<vmem>>) offsets(%dma_start3A_307 : memref<256xi32, #tpu.memory_space<vmem>>) semaphore(%arg16 : memref<!tpu.dma_semaphore, #tpu.memory_space<semaphore_mem>>)
      %mul3A_311 = arith.constant 4 : i32
      %mul3A_312 = arith.muli %mul3A_311, %scan3A_258 : i32
      %add3A_313 = arith.constant 1 : i32
      %add3A_314 = arith.addi %mul3A_312, %add3A_313 : i32
      %dma_wait3A_315 = arith.constant 0 : i32
      %dma_wait3A_316 = tpu.memref_slice %arg7[%add3A_314, %dma_wait3A_315] : memref<80x256xi32, #tpu.memory_space<vmem>> -> memref<1x256xi32, #tpu.memory_space<vmem>>
      %dma_wait3A_317 = tpu.memref_squeeze %dma_wait3A_316 : memref<1x256xi32, #tpu.memory_space<vmem>> -> memref<256xi32, #tpu.memory_space<vmem>>
      %dma_wait3A_318 = arith.constant 0 : i32
      %dma_wait3A_319 = arith.constant 0 : i32
      %dma_wait3A_320 = tpu.memref_slice %arg2[%dma_wait3A_318, %dma_wait3A_319] : memref<20000x64xbf16, #tpu.memory_space<hbm>> -> memref<20000x64xbf16, #tpu.memory_space<hbm>>
      tpu.wait_indirect_dma semaphore(%arg17 : memref<!tpu.dma_semaphore, #tpu.memory_space<semaphore_mem>>) src(%dma_wait3A_320 : memref<20000x64xbf16, #tpu.memory_space<hbm>>) dst(%arg10 : memref<256x64xbf16, #tpu.memory_space<vmem>>)
      %dma_start3A_321 = arith.constant 0 : i32
      %dma_start3A_322 = tpu.memref_slice %arg8[%add3A_314, %dma_start3A_321] : memref<80x256xi32, #tpu.memory_space<vmem>> -> memref<1x256xi32, #tpu.memory_space<vmem>>
      %dma_start3A_323 = tpu.memref_squeeze %dma_start3A_322 : memref<1x256xi32, #tpu.memory_space<vmem>> -> memref<256xi32, #tpu.memory_space<vmem>>
      %dma_start3A_324 = arith.constant 0 : i32
      %dma_start3A_325 = arith.constant 0 : i32
      %dma_start3A_326 = tpu.memref_slice %arg15[%dma_start3A_324, %dma_start3A_325] : memref<10240x64xbf16, #tpu.memory_space<vmem_shared>> -> memref<10240x64xbf16, #tpu.memory_space<vmem_shared>>
      tpu.enqueue_indirect_dma source(%arg10 : memref<256x64xbf16, #tpu.memory_space<vmem>>) target(%dma_start3A_326 : memref<10240x64xbf16, #tpu.memory_space<vmem_shared>>) offsets(%dma_start3A_323 : memref<256xi32, #tpu.memory_space<vmem>>) semaphore(%arg21 : memref<!tpu.dma_semaphore, #tpu.memory_space<semaphore_mem>>) {add = true}
      %mul3A_327 = arith.constant 40 : i32
      %mul3A_328 = arith.muli %arg0, %mul3A_327 : i32
      %ge3A_329 = arith.cmpi sge, %add3A_314, %mul3A_328 : i32
      %add3A_330 = arith.constant 1 : i32
      %add3A_331 = arith.addi %arg0, %add3A_330 : i32
      %mul3A_332 = arith.constant 40 : i32
      %mul3A_333 = arith.muli %add3A_331, %mul3A_332 : i32
      %lt3A_334 = arith.cmpi slt, %add3A_314, %mul3A_333 : i32
      %and3A_335 = arith.andi %ge3A_329, %lt3A_334 : i1
      %convert_element_type3A_336 = arith.extui %and3A_335 : i1 to i32
      %cond3A_337 = arith.constant 0 : i32
      %cond3A_338 = arith.cmpi ne, %convert_element_type3A_336, %cond3A_337 : i32
      scf.if %cond3A_338 {
        %dma_start3A_473 = arith.constant 0 : i32
        %dma_start3A_474 = tpu.memref_slice %arg8[%add3A_314, %dma_start3A_473] : memref<80x256xi32, #tpu.memory_space<vmem>> -> memref<1x256xi32, #tpu.memory_space<vmem>>
        %dma_start3A_475 = tpu.memref_squeeze %dma_start3A_474 : memref<1x256xi32, #tpu.memory_space<vmem>> -> memref<256xi32, #tpu.memory_space<vmem>>
        %dma_start3A_476 = arith.constant 0 : i32
        %dma_start3A_477 = arith.constant 0 : i32
        %dma_start3A_478 = tpu.memref_slice %arg14[%dma_start3A_476, %dma_start3A_477] : memref<10240x16xf32, #tpu.memory_space<vmem_shared>> -> memref<10240x16xf32, #tpu.memory_space<vmem_shared>>
        tpu.enqueue_indirect_dma source(%arg13 : memref<256x16xf32, #tpu.memory_space<vmem>>) target(%dma_start3A_478 : memref<10240x16xf32, #tpu.memory_space<vmem_shared>>) offsets(%dma_start3A_475 : memref<256xi32, #tpu.memory_space<vmem>>) semaphore(%arg21 : memref<!tpu.dma_semaphore, #tpu.memory_space<semaphore_mem>>) {add = true}
      } else {
      }
      %dma_wait3A_339 = arith.constant 0 : i32
      %dma_wait3A_340 = tpu.memref_slice %arg8[%add3A_314, %dma_wait3A_339] : memref<80x256xi32, #tpu.memory_space<vmem>> -> memref<1x256xi32, #tpu.memory_space<vmem>>
      %dma_wait3A_341 = tpu.memref_squeeze %dma_wait3A_340 : memref<1x256xi32, #tpu.memory_space<vmem>> -> memref<256xi32, #tpu.memory_space<vmem>>
      %dma_wait3A_342 = arith.constant 0 : i32
      %dma_wait3A_343 = arith.constant 0 : i32
      %dma_wait3A_344 = tpu.memref_slice %arg15[%dma_wait3A_342, %dma_wait3A_343] : memref<10240x64xbf16, #tpu.memory_space<vmem_shared>> -> memref<10240x64xbf16, #tpu.memory_space<vmem_shared>>
      tpu.wait_indirect_dma semaphore(%arg21 : memref<!tpu.dma_semaphore, #tpu.memory_space<semaphore_mem>>) src(%arg10 : memref<256x64xbf16, #tpu.memory_space<vmem>>) dst(%dma_wait3A_344 : memref<10240x64xbf16, #tpu.memory_space<vmem_shared>>)
      %mul3A_345 = arith.constant 40 : i32
      %mul3A_346 = arith.muli %arg0, %mul3A_345 : i32
      %ge3A_347 = arith.cmpi sge, %add3A_314, %mul3A_346 : i32
      %add3A_348 = arith.constant 1 : i32
      %add3A_349 = arith.addi %arg0, %add3A_348 : i32
      %mul3A_350 = arith.constant 40 : i32
      %mul3A_351 = arith.muli %add3A_349, %mul3A_350 : i32
      %lt3A_352 = arith.cmpi slt, %add3A_314, %mul3A_351 : i32
      %and3A_353 = arith.andi %ge3A_347, %lt3A_352 : i1
      %convert_element_type3A_354 = arith.extui %and3A_353 : i1 to i32
      %cond3A_355 = arith.constant 0 : i32
      %cond3A_356 = arith.cmpi ne, %convert_element_type3A_354, %cond3A_355 : i32
      scf.if %cond3A_356 {
        %dma_wait3A_473 = arith.constant 0 : i32
        %dma_wait3A_474 = tpu.memref_slice %arg8[%add3A_314, %dma_wait3A_473] : memref<80x256xi32, #tpu.memory_space<vmem>> -> memref<1x256xi32, #tpu.memory_space<vmem>>
        %dma_wait3A_475 = tpu.memref_squeeze %dma_wait3A_474 : memref<1x256xi32, #tpu.memory_space<vmem>> -> memref<256xi32, #tpu.memory_space<vmem>>
        %dma_wait3A_476 = arith.constant 0 : i32
        %dma_wait3A_477 = arith.constant 0 : i32
        %dma_wait3A_478 = tpu.memref_slice %arg14[%dma_wait3A_476, %dma_wait3A_477] : memref<10240x16xf32, #tpu.memory_space<vmem_shared>> -> memref<10240x16xf32, #tpu.memory_space<vmem_shared>>
        tpu.wait_indirect_dma semaphore(%arg21 : memref<!tpu.dma_semaphore, #tpu.memory_space<semaphore_mem>>) src(%arg13 : memref<256x16xf32, #tpu.memory_space<vmem>>) dst(%dma_wait3A_478 : memref<10240x16xf32, #tpu.memory_space<vmem_shared>>)
      } else {
      }
      %add3A_357 = arith.constant 4 : i32
      %add3A_358 = arith.addi %add3A_314, %add3A_357 : i32
      %dma_start3A_359 = arith.constant 0 : i32
      %dma_start3A_360 = tpu.memref_slice %arg7[%add3A_358, %dma_start3A_359] : memref<80x256xi32, #tpu.memory_space<vmem>> -> memref<1x256xi32, #tpu.memory_space<vmem>>
      %dma_start3A_361 = tpu.memref_squeeze %dma_start3A_360 : memref<1x256xi32, #tpu.memory_space<vmem>> -> memref<256xi32, #tpu.memory_space<vmem>>
      %dma_start3A_362 = arith.constant 0 : i32
      %dma_start3A_363 = arith.constant 0 : i32
      %dma_start3A_364 = tpu.memref_slice %arg2[%dma_start3A_362, %dma_start3A_363] : memref<20000x64xbf16, #tpu.memory_space<hbm>> -> memref<20000x64xbf16, #tpu.memory_space<hbm>>
      tpu.enqueue_indirect_dma source(%dma_start3A_364 : memref<20000x64xbf16, #tpu.memory_space<hbm>>) target(%arg10 : memref<256x64xbf16, #tpu.memory_space<vmem>>) offsets(%dma_start3A_361 : memref<256xi32, #tpu.memory_space<vmem>>) semaphore(%arg17 : memref<!tpu.dma_semaphore, #tpu.memory_space<semaphore_mem>>)
      %mul3A_365 = arith.constant 4 : i32
      %mul3A_366 = arith.muli %mul3A_365, %scan3A_258 : i32
      %add3A_367 = arith.constant 2 : i32
      %add3A_368 = arith.addi %mul3A_366, %add3A_367 : i32
      %dma_wait3A_369 = arith.constant 0 : i32
      %dma_wait3A_370 = tpu.memref_slice %arg7[%add3A_368, %dma_wait3A_369] : memref<80x256xi32, #tpu.memory_space<vmem>> -> memref<1x256xi32, #tpu.memory_space<vmem>>
      %dma_wait3A_371 = tpu.memref_squeeze %dma_wait3A_370 : memref<1x256xi32, #tpu.memory_space<vmem>> -> memref<256xi32, #tpu.memory_space<vmem>>
      %dma_wait3A_372 = arith.constant 0 : i32
      %dma_wait3A_373 = arith.constant 0 : i32
      %dma_wait3A_374 = tpu.memref_slice %arg2[%dma_wait3A_372, %dma_wait3A_373] : memref<20000x64xbf16, #tpu.memory_space<hbm>> -> memref<20000x64xbf16, #tpu.memory_space<hbm>>
      tpu.wait_indirect_dma semaphore(%arg18 : memref<!tpu.dma_semaphore, #tpu.memory_space<semaphore_mem>>) src(%dma_wait3A_374 : memref<20000x64xbf16, #tpu.memory_space<hbm>>) dst(%arg11 : memref<256x64xbf16, #tpu.memory_space<vmem>>)
      %dma_start3A_375 = arith.constant 0 : i32
      %dma_start3A_376 = tpu.memref_slice %arg8[%add3A_368, %dma_start3A_375] : memref<80x256xi32, #tpu.memory_space<vmem>> -> memref<1x256xi32, #tpu.memory_space<vmem>>
      %dma_start3A_377 = tpu.memref_squeeze %dma_start3A_376 : memref<1x256xi32, #tpu.memory_space<vmem>> -> memref<256xi32, #tpu.memory_space<vmem>>
      %dma_start3A_378 = arith.constant 0 : i32
      %dma_start3A_379 = arith.constant 0 : i32
      %dma_start3A_380 = tpu.memref_slice %arg15[%dma_start3A_378, %dma_start3A_379] : memref<10240x64xbf16, #tpu.memory_space<vmem_shared>> -> memref<10240x64xbf16, #tpu.memory_space<vmem_shared>>
      tpu.enqueue_indirect_dma source(%arg11 : memref<256x64xbf16, #tpu.memory_space<vmem>>) target(%dma_start3A_380 : memref<10240x64xbf16, #tpu.memory_space<vmem_shared>>) offsets(%dma_start3A_377 : memref<256xi32, #tpu.memory_space<vmem>>) semaphore(%arg22 : memref<!tpu.dma_semaphore, #tpu.memory_space<semaphore_mem>>) {add = true}
      %mul3A_381 = arith.constant 40 : i32
      %mul3A_382 = arith.muli %arg0, %mul3A_381 : i32
      %ge3A_383 = arith.cmpi sge, %add3A_368, %mul3A_382 : i32
      %add3A_384 = arith.constant 1 : i32
      %add3A_385 = arith.addi %arg0, %add3A_384 : i32
      %mul3A_386 = arith.constant 40 : i32
      %mul3A_387 = arith.muli %add3A_385, %mul3A_386 : i32
      %lt3A_388 = arith.cmpi slt, %add3A_368, %mul3A_387 : i32
      %and3A_389 = arith.andi %ge3A_383, %lt3A_388 : i1
      %convert_element_type3A_390 = arith.extui %and3A_389 : i1 to i32
      %cond3A_391 = arith.constant 0 : i32
      %cond3A_392 = arith.cmpi ne, %convert_element_type3A_390, %cond3A_391 : i32
      scf.if %cond3A_392 {
        %dma_start3A_473 = arith.constant 0 : i32
        %dma_start3A_474 = tpu.memref_slice %arg8[%add3A_368, %dma_start3A_473] : memref<80x256xi32, #tpu.memory_space<vmem>> -> memref<1x256xi32, #tpu.memory_space<vmem>>
        %dma_start3A_475 = tpu.memref_squeeze %dma_start3A_474 : memref<1x256xi32, #tpu.memory_space<vmem>> -> memref<256xi32, #tpu.memory_space<vmem>>
        %dma_start3A_476 = arith.constant 0 : i32
        %dma_start3A_477 = arith.constant 0 : i32
        %dma_start3A_478 = tpu.memref_slice %arg14[%dma_start3A_476, %dma_start3A_477] : memref<10240x16xf32, #tpu.memory_space<vmem_shared>> -> memref<10240x16xf32, #tpu.memory_space<vmem_shared>>
        tpu.enqueue_indirect_dma source(%arg13 : memref<256x16xf32, #tpu.memory_space<vmem>>) target(%dma_start3A_478 : memref<10240x16xf32, #tpu.memory_space<vmem_shared>>) offsets(%dma_start3A_475 : memref<256xi32, #tpu.memory_space<vmem>>) semaphore(%arg22 : memref<!tpu.dma_semaphore, #tpu.memory_space<semaphore_mem>>) {add = true}
      } else {
      }
      %dma_wait3A_393 = arith.constant 0 : i32
      %dma_wait3A_394 = tpu.memref_slice %arg8[%add3A_368, %dma_wait3A_393] : memref<80x256xi32, #tpu.memory_space<vmem>> -> memref<1x256xi32, #tpu.memory_space<vmem>>
      %dma_wait3A_395 = tpu.memref_squeeze %dma_wait3A_394 : memref<1x256xi32, #tpu.memory_space<vmem>> -> memref<256xi32, #tpu.memory_space<vmem>>
      %dma_wait3A_396 = arith.constant 0 : i32
      %dma_wait3A_397 = arith.constant 0 : i32
      %dma_wait3A_398 = tpu.memref_slice %arg15[%dma_wait3A_396, %dma_wait3A_397] : memref<10240x64xbf16, #tpu.memory_space<vmem_shared>> -> memref<10240x64xbf16, #tpu.memory_space<vmem_shared>>
      tpu.wait_indirect_dma semaphore(%arg22 : memref<!tpu.dma_semaphore, #tpu.memory_space<semaphore_mem>>) src(%arg11 : memref<256x64xbf16, #tpu.memory_space<vmem>>) dst(%dma_wait3A_398 : memref<10240x64xbf16, #tpu.memory_space<vmem_shared>>)
      %mul3A_399 = arith.constant 40 : i32
      %mul3A_400 = arith.muli %arg0, %mul3A_399 : i32
      %ge3A_401 = arith.cmpi sge, %add3A_368, %mul3A_400 : i32
      %add3A_402 = arith.constant 1 : i32
      %add3A_403 = arith.addi %arg0, %add3A_402 : i32
      %mul3A_404 = arith.constant 40 : i32
      %mul3A_405 = arith.muli %add3A_403, %mul3A_404 : i32
      %lt3A_406 = arith.cmpi slt, %add3A_368, %mul3A_405 : i32
      %and3A_407 = arith.andi %ge3A_401, %lt3A_406 : i1
      %convert_element_type3A_408 = arith.extui %and3A_407 : i1 to i32
      %cond3A_409 = arith.constant 0 : i32
      %cond3A_410 = arith.cmpi ne, %convert_element_type3A_408, %cond3A_409 : i32
      scf.if %cond3A_410 {
        %dma_wait3A_473 = arith.constant 0 : i32
        %dma_wait3A_474 = tpu.memref_slice %arg8[%add3A_368, %dma_wait3A_473] : memref<80x256xi32, #tpu.memory_space<vmem>> -> memref<1x256xi32, #tpu.memory_space<vmem>>
        %dma_wait3A_475 = tpu.memref_squeeze %dma_wait3A_474 : memref<1x256xi32, #tpu.memory_space<vmem>> -> memref<256xi32, #tpu.memory_space<vmem>>
        %dma_wait3A_476 = arith.constant 0 : i32
        %dma_wait3A_477 = arith.constant 0 : i32
        %dma_wait3A_478 = tpu.memref_slice %arg14[%dma_wait3A_476, %dma_wait3A_477] : memref<10240x16xf32, #tpu.memory_space<vmem_shared>> -> memref<10240x16xf32, #tpu.memory_space<vmem_shared>>
        tpu.wait_indirect_dma semaphore(%arg22 : memref<!tpu.dma_semaphore, #tpu.memory_space<semaphore_mem>>) src(%arg13 : memref<256x16xf32, #tpu.memory_space<vmem>>) dst(%dma_wait3A_478 : memref<10240x16xf32, #tpu.memory_space<vmem_shared>>)
      } else {
      }
      %add3A_411 = arith.constant 4 : i32
      %add3A_412 = arith.addi %add3A_368, %add3A_411 : i32
      %dma_start3A_413 = arith.constant 0 : i32
      %dma_start3A_414 = tpu.memref_slice %arg7[%add3A_412, %dma_start3A_413] : memref<80x256xi32, #tpu.memory_space<vmem>> -> memref<1x256xi32, #tpu.memory_space<vmem>>
      %dma_start3A_415 = tpu.memref_squeeze %dma_start3A_414 : memref<1x256xi32, #tpu.memory_space<vmem>> -> memref<256xi32, #tpu.memory_space<vmem>>
      %dma_start3A_416 = arith.constant 0 : i32
      %dma_start3A_417 = arith.constant 0 : i32
      %dma_start3A_418 = tpu.memref_slice %arg2[%dma_start3A_416, %dma_start3A_417] : memref<20000x64xbf16, #tpu.memory_space<hbm>> -> memref<20000x64xbf16, #tpu.memory_space<hbm>>
      tpu.enqueue_indirect_dma source(%dma_start3A_418 : memref<20000x64xbf16, #tpu.memory_space<hbm>>) target(%arg11 : memref<256x64xbf16, #tpu.memory_space<vmem>>) offsets(%dma_start3A_415 : memref<256xi32, #tpu.memory_space<vmem>>) semaphore(%arg18 : memref<!tpu.dma_semaphore, #tpu.memory_space<semaphore_mem>>)
      %mul3A_419 = arith.constant 4 : i32
      %mul3A_420 = arith.muli %mul3A_419, %scan3A_258 : i32
      %add3A_421 = arith.constant 3 : i32
      %add3A_422 = arith.addi %mul3A_420, %add3A_421 : i32
      %dma_wait3A_423 = arith.constant 0 : i32
      %dma_wait3A_424 = tpu.memref_slice %arg7[%add3A_422, %dma_wait3A_423] : memref<80x256xi32, #tpu.memory_space<vmem>> -> memref<1x256xi32, #tpu.memory_space<vmem>>
      %dma_wait3A_425 = tpu.memref_squeeze %dma_wait3A_424 : memref<1x256xi32, #tpu.memory_space<vmem>> -> memref<256xi32, #tpu.memory_space<vmem>>
      %dma_wait3A_426 = arith.constant 0 : i32
      %dma_wait3A_427 = arith.constant 0 : i32
      %dma_wait3A_428 = tpu.memref_slice %arg2[%dma_wait3A_426, %dma_wait3A_427] : memref<20000x64xbf16, #tpu.memory_space<hbm>> -> memref<20000x64xbf16, #tpu.memory_space<hbm>>
      tpu.wait_indirect_dma semaphore(%arg19 : memref<!tpu.dma_semaphore, #tpu.memory_space<semaphore_mem>>) src(%dma_wait3A_428 : memref<20000x64xbf16, #tpu.memory_space<hbm>>) dst(%arg12 : memref<256x64xbf16, #tpu.memory_space<vmem>>)
      %dma_start3A_429 = arith.constant 0 : i32
      %dma_start3A_430 = tpu.memref_slice %arg8[%add3A_422, %dma_start3A_429] : memref<80x256xi32, #tpu.memory_space<vmem>> -> memref<1x256xi32, #tpu.memory_space<vmem>>
      %dma_start3A_431 = tpu.memref_squeeze %dma_start3A_430 : memref<1x256xi32, #tpu.memory_space<vmem>> -> memref<256xi32, #tpu.memory_space<vmem>>
      %dma_start3A_432 = arith.constant 0 : i32
      %dma_start3A_433 = arith.constant 0 : i32
      %dma_start3A_434 = tpu.memref_slice %arg15[%dma_start3A_432, %dma_start3A_433] : memref<10240x64xbf16, #tpu.memory_space<vmem_shared>> -> memref<10240x64xbf16, #tpu.memory_space<vmem_shared>>
      tpu.enqueue_indirect_dma source(%arg12 : memref<256x64xbf16, #tpu.memory_space<vmem>>) target(%dma_start3A_434 : memref<10240x64xbf16, #tpu.memory_space<vmem_shared>>) offsets(%dma_start3A_431 : memref<256xi32, #tpu.memory_space<vmem>>) semaphore(%arg23 : memref<!tpu.dma_semaphore, #tpu.memory_space<semaphore_mem>>) {add = true}
      %mul3A_435 = arith.constant 40 : i32
      %mul3A_436 = arith.muli %arg0, %mul3A_435 : i32
      %ge3A_437 = arith.cmpi sge, %add3A_422, %mul3A_436 : i32
      %add3A_438 = arith.constant 1 : i32
      %add3A_439 = arith.addi %arg0, %add3A_438 : i32
      %mul3A_440 = arith.constant 40 : i32
      %mul3A_441 = arith.muli %add3A_439, %mul3A_440 : i32
      %lt3A_442 = arith.cmpi slt, %add3A_422, %mul3A_441 : i32
      %and3A_443 = arith.andi %ge3A_437, %lt3A_442 : i1
      %convert_element_type3A_444 = arith.extui %and3A_443 : i1 to i32
      %cond3A_445 = arith.constant 0 : i32
      %cond3A_446 = arith.cmpi ne, %convert_element_type3A_444, %cond3A_445 : i32
      scf.if %cond3A_446 {
        %dma_start3A_473 = arith.constant 0 : i32
        %dma_start3A_474 = tpu.memref_slice %arg8[%add3A_422, %dma_start3A_473] : memref<80x256xi32, #tpu.memory_space<vmem>> -> memref<1x256xi32, #tpu.memory_space<vmem>>
        %dma_start3A_475 = tpu.memref_squeeze %dma_start3A_474 : memref<1x256xi32, #tpu.memory_space<vmem>> -> memref<256xi32, #tpu.memory_space<vmem>>
        %dma_start3A_476 = arith.constant 0 : i32
        %dma_start3A_477 = arith.constant 0 : i32
        %dma_start3A_478 = tpu.memref_slice %arg14[%dma_start3A_476, %dma_start3A_477] : memref<10240x16xf32, #tpu.memory_space<vmem_shared>> -> memref<10240x16xf32, #tpu.memory_space<vmem_shared>>
        tpu.enqueue_indirect_dma source(%arg13 : memref<256x16xf32, #tpu.memory_space<vmem>>) target(%dma_start3A_478 : memref<10240x16xf32, #tpu.memory_space<vmem_shared>>) offsets(%dma_start3A_475 : memref<256xi32, #tpu.memory_space<vmem>>) semaphore(%arg23 : memref<!tpu.dma_semaphore, #tpu.memory_space<semaphore_mem>>) {add = true}
      } else {
      }
      %dma_wait3A_447 = arith.constant 0 : i32
      %dma_wait3A_448 = tpu.memref_slice %arg8[%add3A_422, %dma_wait3A_447] : memref<80x256xi32, #tpu.memory_space<vmem>> -> memref<1x256xi32, #tpu.memory_space<vmem>>
      %dma_wait3A_449 = tpu.memref_squeeze %dma_wait3A_448 : memref<1x256xi32, #tpu.memory_space<vmem>> -> memref<256xi32, #tpu.memory_space<vmem>>
      %dma_wait3A_450 = arith.constant 0 : i32
      %dma_wait3A_451 = arith.constant 0 : i32
      %dma_wait3A_452 = tpu.memref_slice %arg15[%dma_wait3A_450, %dma_wait3A_451] : memref<10240x64xbf16, #tpu.memory_space<vmem_shared>> -> memref<10240x64xbf16, #tpu.memory_space<vmem_shared>>
      tpu.wait_indirect_dma semaphore(%arg23 : memref<!tpu.dma_semaphore, #tpu.memory_space<semaphore_mem>>) src(%arg12 : memref<256x64xbf16, #tpu.memory_space<vmem>>) dst(%dma_wait3A_452 : memref<10240x64xbf16, #tpu.memory_space<vmem_shared>>)
      %mul3A_453 = arith.constant 40 : i32
      %mul3A_454 = arith.muli %arg0, %mul3A_453 : i32
      %ge3A_455 = arith.cmpi sge, %add3A_422, %mul3A_454 : i32
      %add3A_456 = arith.constant 1 : i32
      %add3A_457 = arith.addi %arg0, %add3A_456 : i32
      %mul3A_458 = arith.constant 40 : i32
      %mul3A_459 = arith.muli %add3A_457, %mul3A_458 : i32
      %lt3A_460 = arith.cmpi slt, %add3A_422, %mul3A_459 : i32
      %and3A_461 = arith.andi %ge3A_455, %lt3A_460 : i1
      %convert_element_type3A_462 = arith.extui %and3A_461 : i1 to i32
      %cond3A_463 = arith.constant 0 : i32
      %cond3A_464 = arith.cmpi ne, %convert_element_type3A_462, %cond3A_463 : i32
      scf.if %cond3A_464 {
        %dma_wait3A_473 = arith.constant 0 : i32
        %dma_wait3A_474 = tpu.memref_slice %arg8[%add3A_422, %dma_wait3A_473] : memref<80x256xi32, #tpu.memory_space<vmem>> -> memref<1x256xi32, #tpu.memory_space<vmem>>
        %dma_wait3A_475 = tpu.memref_squeeze %dma_wait3A_474 : memref<1x256xi32, #tpu.memory_space<vmem>> -> memref<256xi32, #tpu.memory_space<vmem>>
        %dma_wait3A_476 = arith.constant 0 : i32
        %dma_wait3A_477 = arith.constant 0 : i32
        %dma_wait3A_478 = tpu.memref_slice %arg14[%dma_wait3A_476, %dma_wait3A_477] : memref<10240x16xf32, #tpu.memory_space<vmem_shared>> -> memref<10240x16xf32, #tpu.memory_space<vmem_shared>>
        tpu.wait_indirect_dma semaphore(%arg23 : memref<!tpu.dma_semaphore, #tpu.memory_space<semaphore_mem>>) src(%arg13 : memref<256x16xf32, #tpu.memory_space<vmem>>) dst(%dma_wait3A_478 : memref<10240x16xf32, #tpu.memory_space<vmem_shared>>)
      } else {
      }
      %add3A_465 = arith.constant 4 : i32
      %add3A_466 = arith.addi %add3A_422, %add3A_465 : i32
      %dma_start3A_467 = arith.constant 0 : i32
      %dma_start3A_468 = tpu.memref_slice %arg7[%add3A_466, %dma_start3A_467] : memref<80x256xi32, #tpu.memory_space<vmem>> -> memref<1x256xi32, #tpu.memory_space<vmem>>
      %dma_start3A_469 = tpu.memref_squeeze %dma_start3A_468 : memref<1x256xi32, #tpu.memory_space<vmem>> -> memref<256xi32, #tpu.memory_space<vmem>>
      %dma_start3A_470 = arith.constant 0 : i32
      %dma_start3A_471 = arith.constant 0 : i32
      %dma_start3A_472 = tpu.memref_slice %arg2[%dma_start3A_470, %dma_start3A_471] : memref<20000x64xbf16, #tpu.memory_space<hbm>> -> memref<20000x64xbf16, #tpu.memory_space<hbm>>
      tpu.enqueue_indirect_dma source(%dma_start3A_472 : memref<20000x64xbf16, #tpu.memory_space<hbm>>) target(%arg12 : memref<256x64xbf16, #tpu.memory_space<vmem>>) offsets(%dma_start3A_469 : memref<256xi32, #tpu.memory_space<vmem>>) semaphore(%arg19 : memref<!tpu.dma_semaphore, #tpu.memory_space<semaphore_mem>>)
    }
    %scan3A_66 = arith.constant 19 : i32
    %dma_wait3A = arith.constant 76 : i32
    %dma_wait3A_67 = arith.constant 0 : i32
    %dma_wait3A_68 = tpu.memref_slice %arg7[%dma_wait3A, %dma_wait3A_67] : memref<80x256xi32, #tpu.memory_space<vmem>> -> memref<1x256xi32, #tpu.memory_space<vmem>>
    %dma_wait3A_69 = tpu.memref_squeeze %dma_wait3A_68 : memref<1x256xi32, #tpu.memory_space<vmem>> -> memref<256xi32, #tpu.memory_space<vmem>>
    %dma_wait3A_70 = arith.constant 0 : i32
    %dma_wait3A_71 = arith.constant 0 : i32
    %dma_wait3A_72 = tpu.memref_slice %arg2[%dma_wait3A_70, %dma_wait3A_71] : memref<20000x64xbf16, #tpu.memory_space<hbm>> -> memref<20000x64xbf16, #tpu.memory_space<hbm>>
    tpu.wait_indirect_dma semaphore(%arg16 : memref<!tpu.dma_semaphore, #tpu.memory_space<semaphore_mem>>) src(%dma_wait3A_72 : memref<20000x64xbf16, #tpu.memory_space<hbm>>) dst(%arg9 : memref<256x64xbf16, #tpu.memory_space<vmem>>)
    %dma_start3A_73 = arith.constant 76 : i32
    %dma_start3A_74 = arith.constant 0 : i32
    %dma_start3A_75 = tpu.memref_slice %arg8[%dma_start3A_73, %dma_start3A_74] : memref<80x256xi32, #tpu.memory_space<vmem>> -> memref<1x256xi32, #tpu.memory_space<vmem>>
    %dma_start3A_76 = tpu.memref_squeeze %dma_start3A_75 : memref<1x256xi32, #tpu.memory_space<vmem>> -> memref<256xi32, #tpu.memory_space<vmem>>
    %dma_start3A_77 = arith.constant 0 : i32
    %dma_start3A_78 = arith.constant 0 : i32
    %dma_start3A_79 = tpu.memref_slice %arg15[%dma_start3A_77, %dma_start3A_78] : memref<10240x64xbf16, #tpu.memory_space<vmem_shared>> -> memref<10240x64xbf16, #tpu.memory_space<vmem_shared>>
    tpu.enqueue_indirect_dma source(%arg9 : memref<256x64xbf16, #tpu.memory_space<vmem>>) target(%dma_start3A_79 : memref<10240x64xbf16, #tpu.memory_space<vmem_shared>>) offsets(%dma_start3A_76 : memref<256xi32, #tpu.memory_space<vmem>>) semaphore(%arg20 : memref<!tpu.dma_semaphore, #tpu.memory_space<semaphore_mem>>) {add = true}
    %mul3A_80 = arith.constant 40 : i32
    %mul3A_81 = arith.muli %arg0, %mul3A_80 : i32
    %le3A = arith.constant 76 : i32
    %le3A_82 = arith.cmpi sle, %mul3A_81, %le3A : i32
    %add3A_83 = arith.constant 1 : i32
    %add3A_84 = arith.addi %arg0, %add3A_83 : i32
    %mul3A_85 = arith.constant 40 : i32
    %mul3A_86 = arith.muli %add3A_84, %mul3A_85 : i32
    %gt3A = arith.constant 76 : i32
    %gt3A_87 = arith.cmpi sgt, %mul3A_86, %gt3A : i32
    %and3A = arith.andi %le3A_82, %gt3A_87 : i1
    %convert_element_type3A = arith.extui %and3A : i1 to i32
    %cond3A = arith.constant 0 : i32
    %cond3A_88 = arith.cmpi ne, %convert_element_type3A, %cond3A : i32
    scf.if %cond3A_88 {
      %dma_start3A_258 = arith.constant 76 : i32
      %dma_start3A_259 = arith.constant 0 : i32
      %dma_start3A_260 = tpu.memref_slice %arg8[%dma_start3A_258, %dma_start3A_259] : memref<80x256xi32, #tpu.memory_space<vmem>> -> memref<1x256xi32, #tpu.memory_space<vmem>>
      %dma_start3A_261 = tpu.memref_squeeze %dma_start3A_260 : memref<1x256xi32, #tpu.memory_space<vmem>> -> memref<256xi32, #tpu.memory_space<vmem>>
      %dma_start3A_262 = arith.constant 0 : i32
      %dma_start3A_263 = arith.constant 0 : i32
      %dma_start3A_264 = tpu.memref_slice %arg14[%dma_start3A_262, %dma_start3A_263] : memref<10240x16xf32, #tpu.memory_space<vmem_shared>> -> memref<10240x16xf32, #tpu.memory_space<vmem_shared>>
      tpu.enqueue_indirect_dma source(%arg13 : memref<256x16xf32, #tpu.memory_space<vmem>>) target(%dma_start3A_264 : memref<10240x16xf32, #tpu.memory_space<vmem_shared>>) offsets(%dma_start3A_261 : memref<256xi32, #tpu.memory_space<vmem>>) semaphore(%arg20 : memref<!tpu.dma_semaphore, #tpu.memory_space<semaphore_mem>>) {add = true}
    } else {
    }
    %dma_wait3A_89 = arith.constant 76 : i32
    %dma_wait3A_90 = arith.constant 0 : i32
    %dma_wait3A_91 = tpu.memref_slice %arg8[%dma_wait3A_89, %dma_wait3A_90] : memref<80x256xi32, #tpu.memory_space<vmem>> -> memref<1x256xi32, #tpu.memory_space<vmem>>
    %dma_wait3A_92 = tpu.memref_squeeze %dma_wait3A_91 : memref<1x256xi32, #tpu.memory_space<vmem>> -> memref<256xi32, #tpu.memory_space<vmem>>
    %dma_wait3A_93 = arith.constant 0 : i32
    %dma_wait3A_94 = arith.constant 0 : i32
    %dma_wait3A_95 = tpu.memref_slice %arg15[%dma_wait3A_93, %dma_wait3A_94] : memref<10240x64xbf16, #tpu.memory_space<vmem_shared>> -> memref<10240x64xbf16, #tpu.memory_space<vmem_shared>>
    tpu.wait_indirect_dma semaphore(%arg20 : memref<!tpu.dma_semaphore, #tpu.memory_space<semaphore_mem>>) src(%arg9 : memref<256x64xbf16, #tpu.memory_space<vmem>>) dst(%dma_wait3A_95 : memref<10240x64xbf16, #tpu.memory_space<vmem_shared>>)
    %mul3A_96 = arith.constant 40 : i32
    %mul3A_97 = arith.muli %arg0, %mul3A_96 : i32
    %le3A_98 = arith.constant 76 : i32
    %le3A_99 = arith.cmpi sle, %mul3A_97, %le3A_98 : i32
    %add3A_100 = arith.constant 1 : i32
    %add3A_101 = arith.addi %arg0, %add3A_100 : i32
    %mul3A_102 = arith.constant 40 : i32
    %mul3A_103 = arith.muli %add3A_101, %mul3A_102 : i32
    %gt3A_104 = arith.constant 76 : i32
    %gt3A_105 = arith.cmpi sgt, %mul3A_103, %gt3A_104 : i32
    %and3A_106 = arith.andi %le3A_99, %gt3A_105 : i1
    %convert_element_type3A_107 = arith.extui %and3A_106 : i1 to i32
    %cond3A_108 = arith.constant 0 : i32
    %cond3A_109 = arith.cmpi ne, %convert_element_type3A_107, %cond3A_108 : i32
    scf.if %cond3A_109 {
      %dma_wait3A_258 = arith.constant 76 : i32
      %dma_wait3A_259 = arith.constant 0 : i32
      %dma_wait3A_260 = tpu.memref_slice %arg8[%dma_wait3A_258, %dma_wait3A_259] : memref<80x256xi32, #tpu.memory_space<vmem>> -> memref<1x256xi32, #tpu.memory_space<vmem>>
      %dma_wait3A_261 = tpu.memref_squeeze %dma_wait3A_260 : memref<1x256xi32, #tpu.memory_space<vmem>> -> memref<256xi32, #tpu.memory_space<vmem>>
      %dma_wait3A_262 = arith.constant 0 : i32
      %dma_wait3A_263 = arith.constant 0 : i32
      %dma_wait3A_264 = tpu.memref_slice %arg14[%dma_wait3A_262, %dma_wait3A_263] : memref<10240x16xf32, #tpu.memory_space<vmem_shared>> -> memref<10240x16xf32, #tpu.memory_space<vmem_shared>>
      tpu.wait_indirect_dma semaphore(%arg20 : memref<!tpu.dma_semaphore, #tpu.memory_space<semaphore_mem>>) src(%arg13 : memref<256x16xf32, #tpu.memory_space<vmem>>) dst(%dma_wait3A_264 : memref<10240x16xf32, #tpu.memory_space<vmem_shared>>)
    } else {
    }
    %dma_wait3A_110 = arith.constant 77 : i32
    %dma_wait3A_111 = arith.constant 0 : i32
    %dma_wait3A_112 = tpu.memref_slice %arg7[%dma_wait3A_110, %dma_wait3A_111] : memref<80x256xi32, #tpu.memory_space<vmem>> -> memref<1x256xi32, #tpu.memory_space<vmem>>
    %dma_wait3A_113 = tpu.memref_squeeze %dma_wait3A_112 : memref<1x256xi32, #tpu.memory_space<vmem>> -> memref<256xi32, #tpu.memory_space<vmem>>
    %dma_wait3A_114 = arith.constant 0 : i32
    %dma_wait3A_115 = arith.constant 0 : i32
    %dma_wait3A_116 = tpu.memref_slice %arg2[%dma_wait3A_114, %dma_wait3A_115] : memref<20000x64xbf16, #tpu.memory_space<hbm>> -> memref<20000x64xbf16, #tpu.memory_space<hbm>>
    tpu.wait_indirect_dma semaphore(%arg17 : memref<!tpu.dma_semaphore, #tpu.memory_space<semaphore_mem>>) src(%dma_wait3A_116 : memref<20000x64xbf16, #tpu.memory_space<hbm>>) dst(%arg10 : memref<256x64xbf16, #tpu.memory_space<vmem>>)
    %dma_start3A_117 = arith.constant 77 : i32
    %dma_start3A_118 = arith.constant 0 : i32
    %dma_start3A_119 = tpu.memref_slice %arg8[%dma_start3A_117, %dma_start3A_118] : memref<80x256xi32, #tpu.memory_space<vmem>> -> memref<1x256xi32, #tpu.memory_space<vmem>>
    %dma_start3A_120 = tpu.memref_squeeze %dma_start3A_119 : memref<1x256xi32, #tpu.memory_space<vmem>> -> memref<256xi32, #tpu.memory_space<vmem>>
    %dma_start3A_121 = arith.constant 0 : i32
    %dma_start3A_122 = arith.constant 0 : i32
    %dma_start3A_123 = tpu.memref_slice %arg15[%dma_start3A_121, %dma_start3A_122] : memref<10240x64xbf16, #tpu.memory_space<vmem_shared>> -> memref<10240x64xbf16, #tpu.memory_space<vmem_shared>>
    tpu.enqueue_indirect_dma source(%arg10 : memref<256x64xbf16, #tpu.memory_space<vmem>>) target(%dma_start3A_123 : memref<10240x64xbf16, #tpu.memory_space<vmem_shared>>) offsets(%dma_start3A_120 : memref<256xi32, #tpu.memory_space<vmem>>) semaphore(%arg21 : memref<!tpu.dma_semaphore, #tpu.memory_space<semaphore_mem>>) {add = true}
    %mul3A_124 = arith.constant 40 : i32
    %mul3A_125 = arith.muli %arg0, %mul3A_124 : i32
    %le3A_126 = arith.constant 77 : i32
    %le3A_127 = arith.cmpi sle, %mul3A_125, %le3A_126 : i32
    %add3A_128 = arith.constant 1 : i32
    %add3A_129 = arith.addi %arg0, %add3A_128 : i32
    %mul3A_130 = arith.constant 40 : i32
    %mul3A_131 = arith.muli %add3A_129, %mul3A_130 : i32
    %gt3A_132 = arith.constant 77 : i32
    %gt3A_133 = arith.cmpi sgt, %mul3A_131, %gt3A_132 : i32
    %and3A_134 = arith.andi %le3A_127, %gt3A_133 : i1
    %convert_element_type3A_135 = arith.extui %and3A_134 : i1 to i32
    %cond3A_136 = arith.constant 0 : i32
    %cond3A_137 = arith.cmpi ne, %convert_element_type3A_135, %cond3A_136 : i32
    scf.if %cond3A_137 {
      %dma_start3A_258 = arith.constant 77 : i32
      %dma_start3A_259 = arith.constant 0 : i32
      %dma_start3A_260 = tpu.memref_slice %arg8[%dma_start3A_258, %dma_start3A_259] : memref<80x256xi32, #tpu.memory_space<vmem>> -> memref<1x256xi32, #tpu.memory_space<vmem>>
      %dma_start3A_261 = tpu.memref_squeeze %dma_start3A_260 : memref<1x256xi32, #tpu.memory_space<vmem>> -> memref<256xi32, #tpu.memory_space<vmem>>
      %dma_start3A_262 = arith.constant 0 : i32
      %dma_start3A_263 = arith.constant 0 : i32
      %dma_start3A_264 = tpu.memref_slice %arg14[%dma_start3A_262, %dma_start3A_263] : memref<10240x16xf32, #tpu.memory_space<vmem_shared>> -> memref<10240x16xf32, #tpu.memory_space<vmem_shared>>
      tpu.enqueue_indirect_dma source(%arg13 : memref<256x16xf32, #tpu.memory_space<vmem>>) target(%dma_start3A_264 : memref<10240x16xf32, #tpu.memory_space<vmem_shared>>) offsets(%dma_start3A_261 : memref<256xi32, #tpu.memory_space<vmem>>) semaphore(%arg21 : memref<!tpu.dma_semaphore, #tpu.memory_space<semaphore_mem>>) {add = true}
    } else {
    }
    %dma_wait3A_138 = arith.constant 77 : i32
    %dma_wait3A_139 = arith.constant 0 : i32
    %dma_wait3A_140 = tpu.memref_slice %arg8[%dma_wait3A_138, %dma_wait3A_139] : memref<80x256xi32, #tpu.memory_space<vmem>> -> memref<1x256xi32, #tpu.memory_space<vmem>>
    %dma_wait3A_141 = tpu.memref_squeeze %dma_wait3A_140 : memref<1x256xi32, #tpu.memory_space<vmem>> -> memref<256xi32, #tpu.memory_space<vmem>>
    %dma_wait3A_142 = arith.constant 0 : i32
    %dma_wait3A_143 = arith.constant 0 : i32
    %dma_wait3A_144 = tpu.memref_slice %arg15[%dma_wait3A_142, %dma_wait3A_143] : memref<10240x64xbf16, #tpu.memory_space<vmem_shared>> -> memref<10240x64xbf16, #tpu.memory_space<vmem_shared>>
    tpu.wait_indirect_dma semaphore(%arg21 : memref<!tpu.dma_semaphore, #tpu.memory_space<semaphore_mem>>) src(%arg10 : memref<256x64xbf16, #tpu.memory_space<vmem>>) dst(%dma_wait3A_144 : memref<10240x64xbf16, #tpu.memory_space<vmem_shared>>)
    %mul3A_145 = arith.constant 40 : i32
    %mul3A_146 = arith.muli %arg0, %mul3A_145 : i32
    %le3A_147 = arith.constant 77 : i32
    %le3A_148 = arith.cmpi sle, %mul3A_146, %le3A_147 : i32
    %add3A_149 = arith.constant 1 : i32
    %add3A_150 = arith.addi %arg0, %add3A_149 : i32
    %mul3A_151 = arith.constant 40 : i32
    %mul3A_152 = arith.muli %add3A_150, %mul3A_151 : i32
    %gt3A_153 = arith.constant 77 : i32
    %gt3A_154 = arith.cmpi sgt, %mul3A_152, %gt3A_153 : i32
    %and3A_155 = arith.andi %le3A_148, %gt3A_154 : i1
    %convert_element_type3A_156 = arith.extui %and3A_155 : i1 to i32
    %cond3A_157 = arith.constant 0 : i32
    %cond3A_158 = arith.cmpi ne, %convert_element_type3A_156, %cond3A_157 : i32
    scf.if %cond3A_158 {
      %dma_wait3A_258 = arith.constant 77 : i32
      %dma_wait3A_259 = arith.constant 0 : i32
      %dma_wait3A_260 = tpu.memref_slice %arg8[%dma_wait3A_258, %dma_wait3A_259] : memref<80x256xi32, #tpu.memory_space<vmem>> -> memref<1x256xi32, #tpu.memory_space<vmem>>
      %dma_wait3A_261 = tpu.memref_squeeze %dma_wait3A_260 : memref<1x256xi32, #tpu.memory_space<vmem>> -> memref<256xi32, #tpu.memory_space<vmem>>
      %dma_wait3A_262 = arith.constant 0 : i32
      %dma_wait3A_263 = arith.constant 0 : i32
      %dma_wait3A_264 = tpu.memref_slice %arg14[%dma_wait3A_262, %dma_wait3A_263] : memref<10240x16xf32, #tpu.memory_space<vmem_shared>> -> memref<10240x16xf32, #tpu.memory_space<vmem_shared>>
      tpu.wait_indirect_dma semaphore(%arg21 : memref<!tpu.dma_semaphore, #tpu.memory_space<semaphore_mem>>) src(%arg13 : memref<256x16xf32, #tpu.memory_space<vmem>>) dst(%dma_wait3A_264 : memref<10240x16xf32, #tpu.memory_space<vmem_shared>>)
    } else {
    }
    %dma_wait3A_159 = arith.constant 78 : i32
    %dma_wait3A_160 = arith.constant 0 : i32
    %dma_wait3A_161 = tpu.memref_slice %arg7[%dma_wait3A_159, %dma_wait3A_160] : memref<80x256xi32, #tpu.memory_space<vmem>> -> memref<1x256xi32, #tpu.memory_space<vmem>>
    %dma_wait3A_162 = tpu.memref_squeeze %dma_wait3A_161 : memref<1x256xi32, #tpu.memory_space<vmem>> -> memref<256xi32, #tpu.memory_space<vmem>>
    %dma_wait3A_163 = arith.constant 0 : i32
    %dma_wait3A_164 = arith.constant 0 : i32
    %dma_wait3A_165 = tpu.memref_slice %arg2[%dma_wait3A_163, %dma_wait3A_164] : memref<20000x64xbf16, #tpu.memory_space<hbm>> -> memref<20000x64xbf16, #tpu.memory_space<hbm>>
    tpu.wait_indirect_dma semaphore(%arg18 : memref<!tpu.dma_semaphore, #tpu.memory_space<semaphore_mem>>) src(%dma_wait3A_165 : memref<20000x64xbf16, #tpu.memory_space<hbm>>) dst(%arg11 : memref<256x64xbf16, #tpu.memory_space<vmem>>)
    %dma_start3A_166 = arith.constant 78 : i32
    %dma_start3A_167 = arith.constant 0 : i32
    %dma_start3A_168 = tpu.memref_slice %arg8[%dma_start3A_166, %dma_start3A_167] : memref<80x256xi32, #tpu.memory_space<vmem>> -> memref<1x256xi32, #tpu.memory_space<vmem>>
    %dma_start3A_169 = tpu.memref_squeeze %dma_start3A_168 : memref<1x256xi32, #tpu.memory_space<vmem>> -> memref<256xi32, #tpu.memory_space<vmem>>
    %dma_start3A_170 = arith.constant 0 : i32
    %dma_start3A_171 = arith.constant 0 : i32
    %dma_start3A_172 = tpu.memref_slice %arg15[%dma_start3A_170, %dma_start3A_171] : memref<10240x64xbf16, #tpu.memory_space<vmem_shared>> -> memref<10240x64xbf16, #tpu.memory_space<vmem_shared>>
    tpu.enqueue_indirect_dma source(%arg11 : memref<256x64xbf16, #tpu.memory_space<vmem>>) target(%dma_start3A_172 : memref<10240x64xbf16, #tpu.memory_space<vmem_shared>>) offsets(%dma_start3A_169 : memref<256xi32, #tpu.memory_space<vmem>>) semaphore(%arg22 : memref<!tpu.dma_semaphore, #tpu.memory_space<semaphore_mem>>) {add = true}
    %mul3A_173 = arith.constant 40 : i32
    %mul3A_174 = arith.muli %arg0, %mul3A_173 : i32
    %le3A_175 = arith.constant 78 : i32
    %le3A_176 = arith.cmpi sle, %mul3A_174, %le3A_175 : i32
    %add3A_177 = arith.constant 1 : i32
    %add3A_178 = arith.addi %arg0, %add3A_177 : i32
    %mul3A_179 = arith.constant 40 : i32
    %mul3A_180 = arith.muli %add3A_178, %mul3A_179 : i32
    %gt3A_181 = arith.constant 78 : i32
    %gt3A_182 = arith.cmpi sgt, %mul3A_180, %gt3A_181 : i32
    %and3A_183 = arith.andi %le3A_176, %gt3A_182 : i1
    %convert_element_type3A_184 = arith.extui %and3A_183 : i1 to i32
    %cond3A_185 = arith.constant 0 : i32
    %cond3A_186 = arith.cmpi ne, %convert_element_type3A_184, %cond3A_185 : i32
    scf.if %cond3A_186 {
      %dma_start3A_258 = arith.constant 78 : i32
      %dma_start3A_259 = arith.constant 0 : i32
      %dma_start3A_260 = tpu.memref_slice %arg8[%dma_start3A_258, %dma_start3A_259] : memref<80x256xi32, #tpu.memory_space<vmem>> -> memref<1x256xi32, #tpu.memory_space<vmem>>
      %dma_start3A_261 = tpu.memref_squeeze %dma_start3A_260 : memref<1x256xi32, #tpu.memory_space<vmem>> -> memref<256xi32, #tpu.memory_space<vmem>>
      %dma_start3A_262 = arith.constant 0 : i32
      %dma_start3A_263 = arith.constant 0 : i32
      %dma_start3A_264 = tpu.memref_slice %arg14[%dma_start3A_262, %dma_start3A_263] : memref<10240x16xf32, #tpu.memory_space<vmem_shared>> -> memref<10240x16xf32, #tpu.memory_space<vmem_shared>>
      tpu.enqueue_indirect_dma source(%arg13 : memref<256x16xf32, #tpu.memory_space<vmem>>) target(%dma_start3A_264 : memref<10240x16xf32, #tpu.memory_space<vmem_shared>>) offsets(%dma_start3A_261 : memref<256xi32, #tpu.memory_space<vmem>>) semaphore(%arg22 : memref<!tpu.dma_semaphore, #tpu.memory_space<semaphore_mem>>) {add = true}
    } else {
    }
    %dma_wait3A_187 = arith.constant 78 : i32
    %dma_wait3A_188 = arith.constant 0 : i32
    %dma_wait3A_189 = tpu.memref_slice %arg8[%dma_wait3A_187, %dma_wait3A_188] : memref<80x256xi32, #tpu.memory_space<vmem>> -> memref<1x256xi32, #tpu.memory_space<vmem>>
    %dma_wait3A_190 = tpu.memref_squeeze %dma_wait3A_189 : memref<1x256xi32, #tpu.memory_space<vmem>> -> memref<256xi32, #tpu.memory_space<vmem>>
    %dma_wait3A_191 = arith.constant 0 : i32
    %dma_wait3A_192 = arith.constant 0 : i32
    %dma_wait3A_193 = tpu.memref_slice %arg15[%dma_wait3A_191, %dma_wait3A_192] : memref<10240x64xbf16, #tpu.memory_space<vmem_shared>> -> memref<10240x64xbf16, #tpu.memory_space<vmem_shared>>
    tpu.wait_indirect_dma semaphore(%arg22 : memref<!tpu.dma_semaphore, #tpu.memory_space<semaphore_mem>>) src(%arg11 : memref<256x64xbf16, #tpu.memory_space<vmem>>) dst(%dma_wait3A_193 : memref<10240x64xbf16, #tpu.memory_space<vmem_shared>>)
    %mul3A_194 = arith.constant 40 : i32
    %mul3A_195 = arith.muli %arg0, %mul3A_194 : i32
    %le3A_196 = arith.constant 78 : i32
    %le3A_197 = arith.cmpi sle, %mul3A_195, %le3A_196 : i32
    %add3A_198 = arith.constant 1 : i32
    %add3A_199 = arith.addi %arg0, %add3A_198 : i32
    %mul3A_200 = arith.constant 40 : i32
    %mul3A_201 = arith.muli %add3A_199, %mul3A_200 : i32
    %gt3A_202 = arith.constant 78 : i32
    %gt3A_203 = arith.cmpi sgt, %mul3A_201, %gt3A_202 : i32
    %and3A_204 = arith.andi %le3A_197, %gt3A_203 : i1
    %convert_element_type3A_205 = arith.extui %and3A_204 : i1 to i32
    %cond3A_206 = arith.constant 0 : i32
    %cond3A_207 = arith.cmpi ne, %convert_element_type3A_205, %cond3A_206 : i32
    scf.if %cond3A_207 {
      %dma_wait3A_258 = arith.constant 78 : i32
      %dma_wait3A_259 = arith.constant 0 : i32
      %dma_wait3A_260 = tpu.memref_slice %arg8[%dma_wait3A_258, %dma_wait3A_259] : memref<80x256xi32, #tpu.memory_space<vmem>> -> memref<1x256xi32, #tpu.memory_space<vmem>>
      %dma_wait3A_261 = tpu.memref_squeeze %dma_wait3A_260 : memref<1x256xi32, #tpu.memory_space<vmem>> -> memref<256xi32, #tpu.memory_space<vmem>>
      %dma_wait3A_262 = arith.constant 0 : i32
      %dma_wait3A_263 = arith.constant 0 : i32
      %dma_wait3A_264 = tpu.memref_slice %arg14[%dma_wait3A_262, %dma_wait3A_263] : memref<10240x16xf32, #tpu.memory_space<vmem_shared>> -> memref<10240x16xf32, #tpu.memory_space<vmem_shared>>
      tpu.wait_indirect_dma semaphore(%arg22 : memref<!tpu.dma_semaphore, #tpu.memory_space<semaphore_mem>>) src(%arg13 : memref<256x16xf32, #tpu.memory_space<vmem>>) dst(%dma_wait3A_264 : memref<10240x16xf32, #tpu.memory_space<vmem_shared>>)
    } else {
    }
    %dma_wait3A_208 = arith.constant 79 : i32
    %dma_wait3A_209 = arith.constant 0 : i32
    %dma_wait3A_210 = tpu.memref_slice %arg7[%dma_wait3A_208, %dma_wait3A_209] : memref<80x256xi32, #tpu.memory_space<vmem>> -> memref<1x256xi32, #tpu.memory_space<vmem>>
    %dma_wait3A_211 = tpu.memref_squeeze %dma_wait3A_210 : memref<1x256xi32, #tpu.memory_space<vmem>> -> memref<256xi32, #tpu.memory_space<vmem>>
    %dma_wait3A_212 = arith.constant 0 : i32
    %dma_wait3A_213 = arith.constant 0 : i32
    %dma_wait3A_214 = tpu.memref_slice %arg2[%dma_wait3A_212, %dma_wait3A_213] : memref<20000x64xbf16, #tpu.memory_space<hbm>> -> memref<20000x64xbf16, #tpu.memory_space<hbm>>
    tpu.wait_indirect_dma semaphore(%arg19 : memref<!tpu.dma_semaphore, #tpu.memory_space<semaphore_mem>>) src(%dma_wait3A_214 : memref<20000x64xbf16, #tpu.memory_space<hbm>>) dst(%arg12 : memref<256x64xbf16, #tpu.memory_space<vmem>>)
    %dma_start3A_215 = arith.constant 79 : i32
    %dma_start3A_216 = arith.constant 0 : i32
    %dma_start3A_217 = tpu.memref_slice %arg8[%dma_start3A_215, %dma_start3A_216] : memref<80x256xi32, #tpu.memory_space<vmem>> -> memref<1x256xi32, #tpu.memory_space<vmem>>
    %dma_start3A_218 = tpu.memref_squeeze %dma_start3A_217 : memref<1x256xi32, #tpu.memory_space<vmem>> -> memref<256xi32, #tpu.memory_space<vmem>>
    %dma_start3A_219 = arith.constant 0 : i32
    %dma_start3A_220 = arith.constant 0 : i32
    %dma_start3A_221 = tpu.memref_slice %arg15[%dma_start3A_219, %dma_start3A_220] : memref<10240x64xbf16, #tpu.memory_space<vmem_shared>> -> memref<10240x64xbf16, #tpu.memory_space<vmem_shared>>
    tpu.enqueue_indirect_dma source(%arg12 : memref<256x64xbf16, #tpu.memory_space<vmem>>) target(%dma_start3A_221 : memref<10240x64xbf16, #tpu.memory_space<vmem_shared>>) offsets(%dma_start3A_218 : memref<256xi32, #tpu.memory_space<vmem>>) semaphore(%arg23 : memref<!tpu.dma_semaphore, #tpu.memory_space<semaphore_mem>>) {add = true}
    %mul3A_222 = arith.constant 40 : i32
    %mul3A_223 = arith.muli %arg0, %mul3A_222 : i32
    %le3A_224 = arith.constant 79 : i32
    %le3A_225 = arith.cmpi sle, %mul3A_223, %le3A_224 : i32
    %add3A_226 = arith.constant 1 : i32
    %add3A_227 = arith.addi %arg0, %add3A_226 : i32
    %mul3A_228 = arith.constant 40 : i32
    %mul3A_229 = arith.muli %add3A_227, %mul3A_228 : i32
    %gt3A_230 = arith.constant 79 : i32
    %gt3A_231 = arith.cmpi sgt, %mul3A_229, %gt3A_230 : i32
    %and3A_232 = arith.andi %le3A_225, %gt3A_231 : i1
    %convert_element_type3A_233 = arith.extui %and3A_232 : i1 to i32
    %cond3A_234 = arith.constant 0 : i32
    %cond3A_235 = arith.cmpi ne, %convert_element_type3A_233, %cond3A_234 : i32
    scf.if %cond3A_235 {
      %dma_start3A_258 = arith.constant 79 : i32
      %dma_start3A_259 = arith.constant 0 : i32
      %dma_start3A_260 = tpu.memref_slice %arg8[%dma_start3A_258, %dma_start3A_259] : memref<80x256xi32, #tpu.memory_space<vmem>> -> memref<1x256xi32, #tpu.memory_space<vmem>>
      %dma_start3A_261 = tpu.memref_squeeze %dma_start3A_260 : memref<1x256xi32, #tpu.memory_space<vmem>> -> memref<256xi32, #tpu.memory_space<vmem>>
      %dma_start3A_262 = arith.constant 0 : i32
      %dma_start3A_263 = arith.constant 0 : i32
      %dma_start3A_264 = tpu.memref_slice %arg14[%dma_start3A_262, %dma_start3A_263] : memref<10240x16xf32, #tpu.memory_space<vmem_shared>> -> memref<10240x16xf32, #tpu.memory_space<vmem_shared>>
      tpu.enqueue_indirect_dma source(%arg13 : memref<256x16xf32, #tpu.memory_space<vmem>>) target(%dma_start3A_264 : memref<10240x16xf32, #tpu.memory_space<vmem_shared>>) offsets(%dma_start3A_261 : memref<256xi32, #tpu.memory_space<vmem>>) semaphore(%arg23 : memref<!tpu.dma_semaphore, #tpu.memory_space<semaphore_mem>>) {add = true}
    } else {
    }
    %dma_wait3A_236 = arith.constant 79 : i32
    %dma_wait3A_237 = arith.constant 0 : i32
    %dma_wait3A_238 = tpu.memref_slice %arg8[%dma_wait3A_236, %dma_wait3A_237] : memref<80x256xi32, #tpu.memory_space<vmem>> -> memref<1x256xi32, #tpu.memory_space<vmem>>
    %dma_wait3A_239 = tpu.memref_squeeze %dma_wait3A_238 : memref<1x256xi32, #tpu.memory_space<vmem>> -> memref<256xi32, #tpu.memory_space<vmem>>
    %dma_wait3A_240 = arith.constant 0 : i32
    %dma_wait3A_241 = arith.constant 0 : i32
    %dma_wait3A_242 = tpu.memref_slice %arg15[%dma_wait3A_240, %dma_wait3A_241] : memref<10240x64xbf16, #tpu.memory_space<vmem_shared>> -> memref<10240x64xbf16, #tpu.memory_space<vmem_shared>>
    tpu.wait_indirect_dma semaphore(%arg23 : memref<!tpu.dma_semaphore, #tpu.memory_space<semaphore_mem>>) src(%arg12 : memref<256x64xbf16, #tpu.memory_space<vmem>>) dst(%dma_wait3A_242 : memref<10240x64xbf16, #tpu.memory_space<vmem_shared>>)
    %mul3A_243 = arith.constant 40 : i32
    %mul3A_244 = arith.muli %arg0, %mul3A_243 : i32
    %le3A_245 = arith.constant 79 : i32
    %le3A_246 = arith.cmpi sle, %mul3A_244, %le3A_245 : i32
    %add3A_247 = arith.constant 1 : i32
    %add3A_248 = arith.addi %arg0, %add3A_247 : i32
    %mul3A_249 = arith.constant 40 : i32
    %mul3A_250 = arith.muli %add3A_248, %mul3A_249 : i32
    %gt3A_251 = arith.constant 79 : i32
    %gt3A_252 = arith.cmpi sgt, %mul3A_250, %gt3A_251 : i32
    %and3A_253 = arith.andi %le3A_246, %gt3A_252 : i1
    %convert_element_type3A_254 = arith.extui %and3A_253 : i1 to i32
    %cond3A_255 = arith.constant 0 : i32
    %cond3A_256 = arith.cmpi ne, %convert_element_type3A_254, %cond3A_255 : i32
    scf.if %cond3A_256 {
      %dma_wait3A_258 = arith.constant 79 : i32
      %dma_wait3A_259 = arith.constant 0 : i32
      %dma_wait3A_260 = tpu.memref_slice %arg8[%dma_wait3A_258, %dma_wait3A_259] : memref<80x256xi32, #tpu.memory_space<vmem>> -> memref<1x256xi32, #tpu.memory_space<vmem>>
      %dma_wait3A_261 = tpu.memref_squeeze %dma_wait3A_260 : memref<1x256xi32, #tpu.memory_space<vmem>> -> memref<256xi32, #tpu.memory_space<vmem>>
      %dma_wait3A_262 = arith.constant 0 : i32
      %dma_wait3A_263 = arith.constant 0 : i32
      %dma_wait3A_264 = tpu.memref_slice %arg14[%dma_wait3A_262, %dma_wait3A_263] : memref<10240x16xf32, #tpu.memory_space<vmem_shared>> -> memref<10240x16xf32, #tpu.memory_space<vmem_shared>>
      tpu.wait_indirect_dma semaphore(%arg23 : memref<!tpu.dma_semaphore, #tpu.memory_space<semaphore_mem>>) src(%arg13 : memref<256x16xf32, #tpu.memory_space<vmem>>) dst(%dma_wait3A_264 : memref<10240x16xf32, #tpu.memory_space<vmem_shared>>)
    } else {
    }
    %barrier3A_257 = arith.constant 0 : index
    tpu.barrier barrier_id(%barrier3A_257)
    "tpu.region"() ({
      %run_scoped3A = tpu.sem_alloc : memref<!tpu.dma_semaphore, #tpu.memory_space<semaphore_mem>>
      %dma_start3A_258 = arith.constant 0 : i32
      %dma_start3A_259 = tpu.memref_slice %arg5[%arg0, %mul3A_0, %dma_start3A_258] : memref<2x10240x64xbf16, #tpu.memory_space<hbm>> -> memref<1x640x64xbf16, #tpu.memory_space<hbm>>
      %dma_start3A_260 = tpu.memref_squeeze %dma_start3A_259 : memref<1x640x64xbf16, #tpu.memory_space<hbm>> -> memref<640x64xbf16, #tpu.memory_space<hbm>>
      %dma_start3A_261 = arith.constant 0 : i32
      %dma_start3A_262 = tpu.memref_slice %arg15[%mul3A_0, %dma_start3A_261] : memref<10240x64xbf16, #tpu.memory_space<vmem_shared>> -> memref<640x64xbf16, #tpu.memory_space<vmem_shared>>
      tpu.enqueue_dma source(%dma_start3A_262 : memref<640x64xbf16, #tpu.memory_space<vmem_shared>>) target(%dma_start3A_260 : memref<640x64xbf16, #tpu.memory_space<hbm>>) target_semaphore(%run_scoped3A : memref<!tpu.dma_semaphore, #tpu.memory_space<semaphore_mem>>)
      %dma_wait3A_263 = arith.constant 0 : i32
      %dma_wait3A_264 = tpu.memref_slice %arg5[%arg0, %mul3A_0, %dma_wait3A_263] : memref<2x10240x64xbf16, #tpu.memory_space<hbm>> -> memref<1x640x64xbf16, #tpu.memory_space<hbm>>
      %dma_wait3A_265 = tpu.memref_squeeze %dma_wait3A_264 : memref<1x640x64xbf16, #tpu.memory_space<hbm>> -> memref<640x64xbf16, #tpu.memory_space<hbm>>
      %dma_wait3A_266 = arith.constant 0 : i32
      %dma_wait3A_267 = tpu.memref_slice %arg15[%mul3A_0, %dma_wait3A_266] : memref<10240x64xbf16, #tpu.memory_space<vmem_shared>> -> memref<640x64xbf16, #tpu.memory_space<vmem_shared>>
      tpu.wait_dma2 semaphore(%run_scoped3A : memref<!tpu.dma_semaphore, #tpu.memory_space<semaphore_mem>>) src(%dma_wait3A_267 : memref<640x64xbf16, #tpu.memory_space<vmem_shared>>) dst(%dma_wait3A_265 : memref<640x64xbf16, #tpu.memory_space<hbm>>)
      tpu.yield
    }) : () -> ()
    "tpu.region"() ({
      %run_scoped3A = tpu.sem_alloc : memref<!tpu.dma_semaphore, #tpu.memory_space<semaphore_mem>>
      %dma_start3A_258 = arith.constant 0 : i32
      %dma_start3A_259 = tpu.memref_slice %arg6[%arg0, %mul3A_0, %dma_start3A_258] : memref<2x10240x16xf32, #tpu.memory_space<hbm>> -> memref<1x640x16xf32, #tpu.memory_space<hbm>>
      %dma_start3A_260 = tpu.memref_squeeze %dma_start3A_259 : memref<1x640x16xf32, #tpu.memory_space<hbm>> -> memref<640x16xf32, #tpu.memory_space<hbm>>
      %dma_start3A_261 = arith.constant 0 : i32
      %dma_start3A_262 = tpu.memref_slice %arg14[%mul3A_0, %dma_start3A_261] : memref<10240x16xf32, #tpu.memory_space<vmem_shared>> -> memref<640x16xf32, #tpu.memory_space<vmem_shared>>
      tpu.enqueue_dma source(%dma_start3A_262 : memref<640x16xf32, #tpu.memory_space<vmem_shared>>) target(%dma_start3A_260 : memref<640x16xf32, #tpu.memory_space<hbm>>) target_semaphore(%run_scoped3A : memref<!tpu.dma_semaphore, #tpu.memory_space<semaphore_mem>>)
      %dma_wait3A_263 = arith.constant 0 : i32
      %dma_wait3A_264 = tpu.memref_slice %arg6[%arg0, %mul3A_0, %dma_wait3A_263] : memref<2x10240x16xf32, #tpu.memory_space<hbm>> -> memref<1x640x16xf32, #tpu.memory_space<hbm>>
      %dma_wait3A_265 = tpu.memref_squeeze %dma_wait3A_264 : memref<1x640x16xf32, #tpu.memory_space<hbm>> -> memref<640x16xf32, #tpu.memory_space<hbm>>
      %dma_wait3A_266 = arith.constant 0 : i32
      %dma_wait3A_267 = tpu.memref_slice %arg14[%mul3A_0, %dma_wait3A_266] : memref<10240x16xf32, #tpu.memory_space<vmem_shared>> -> memref<640x16xf32, #tpu.memory_space<vmem_shared>>
      tpu.wait_dma2 semaphore(%run_scoped3A : memref<!tpu.dma_semaphore, #tpu.memory_space<semaphore_mem>>) src(%dma_wait3A_267 : memref<640x16xf32, #tpu.memory_space<vmem_shared>>) dst(%dma_wait3A_265 : memref<640x16xf32, #tpu.memory_space<hbm>>)
      tpu.yield
    }) : () -> ()
    return
  }
}

module attributes {stable_mosaic.version = 14 : i64} {
  func.func @_stage_a1_body(%arg0: i32, %arg1: memref<1000x128xf32, #tpu.memory_space<vmem>>, %arg2: memref<128x128xf32, #tpu.memory_space<vmem>>, %arg3: memref<2x1000x64xbf16, #tpu.memory_space<vmem>>) attributes {dimension_semantics = [#tpu.dimension_semantics<arbitrary>], iteration_bounds = array<i64: 10>, scalar_prefetch = 0 : i64, scratch_operands = 0 : i64, tpu.core_type = #tpu.core_type<tc>, window_params = [{transform_indices = @transform_0, window_bounds = array<i64: 1000, 128>}, {pipeline_mode = #tpu.pipeline_mode<synchronous>, transform_indices = @transform_1, window_bounds = array<i64: 128, 128>}, {transform_indices = @transform_2, window_bounds = array<i64: 2, 1000, 64>}]} {
    %get3A = arith.constant 0 : index
    %get3A_0 = arith.constant 0 : index
    %get3A_1 = vector.load %arg1[%get3A, %get3A_0] : memref<1000x128xf32, #tpu.memory_space<vmem>>, vector<1000x128xf32>
    %get3A_2 = arith.constant 0 : index
    %get3A_3 = arith.constant 0 : index
    %get3A_4 = vector.load %arg2[%get3A_2, %get3A_3] : memref<128x128xf32, #tpu.memory_space<vmem>>, vector<128x128xf32>
    %dot_general3A = arith.constant dense<0.000000e+00> : vector<1000x128xf32>
    %dot_general3A_5 = tpu.matmul %get3A_1, %get3A_4, %dot_general3A {dimension_numbers = #tpu.dot_dimension_numbers<[1], [0], [0], [1], [0, 0, 1, 1], [], []>, precision = #tpu.contract_precision<fp32>, transpose_lhs_hint = false} : vector<1000x128xf32>, vector<128x128xf32>, vector<1000x128xf32> -> vector<1000x128xf32>
    %convert_element_type3A = arith.truncf %dot_general3A_5 : vector<1000x128xf32> to vector<1000x128xbf16>
    %slice3A = vector.extract_strided_slice %convert_element_type3A {offsets = [0, 0], sizes = [1000, 64], strides = [1, 1]} : vector<1000x128xbf16> to vector<1000x64xbf16>
    %swap3A = arith.constant 0 : index
    %swap3A_6 = arith.constant 0 : index
    %swap3A_7 = arith.constant 0 : index
    %swap3A_8 = vector.load %arg3[%swap3A, %swap3A_6, %swap3A_7] : memref<2x1000x64xbf16, #tpu.memory_space<vmem>>, vector<1x1000x64xbf16>
    %swap3A_9 = vector.shape_cast %swap3A_8 : vector<1x1000x64xbf16> to vector<1000x64xbf16>
    %swap3A_10 = vector.shape_cast %slice3A : vector<1000x64xbf16> to vector<1x1000x64xbf16>
    tpu.vector_store %arg3[%swap3A, %swap3A_6, %swap3A_7], %swap3A_10 {strides = array<i32>} : memref<2x1000x64xbf16, #tpu.memory_space<vmem>>, vector<1x1000x64xbf16>,
    %slice3A_11 = vector.extract_strided_slice %convert_element_type3A {offsets = [0, 64], sizes = [1000, 64], strides = [1, 1]} : vector<1000x128xbf16> to vector<1000x64xbf16>
    %swap3A_12 = arith.constant 1 : index
    %swap3A_13 = arith.constant 0 : index
    %swap3A_14 = arith.constant 0 : index
    %swap3A_15 = vector.load %arg3[%swap3A_12, %swap3A_13, %swap3A_14] : memref<2x1000x64xbf16, #tpu.memory_space<vmem>>, vector<1x1000x64xbf16>
    %swap3A_16 = vector.shape_cast %swap3A_15 : vector<1x1000x64xbf16> to vector<1000x64xbf16>
    %swap3A_17 = vector.shape_cast %slice3A_11 : vector<1000x64xbf16> to vector<1x1000x64xbf16>
    tpu.vector_store %arg3[%swap3A_12, %swap3A_13, %swap3A_14], %swap3A_17 {strides = array<i32>} : memref<2x1000x64xbf16, #tpu.memory_space<vmem>>, vector<1x1000x64xbf16>,
    return
  }
  func.func @transform_0(%arg0: i32) -> (i32, i32) {
    %c0_i32 = arith.constant 0 : i32
    %c0_i32_0 = arith.constant 0 : i32
    return %arg0, %c0_i32 : i32, i32
  }
  func.func @transform_1(%arg0: i32) -> (i32, i32) {
    %c0_i32 = arith.constant 0 : i32
    %c0_i32_0 = arith.constant 0 : i32
    %c0_i32_1 = arith.constant 0 : i32
    return %c0_i32, %c0_i32_0 : i32, i32
  }
  func.func @transform_2(%arg0: i32) -> (i32, i32, i32) {
    %c0_i32 = arith.constant 0 : i32
    %c0_i32_0 = arith.constant 0 : i32
    %c0_i32_1 = arith.constant 0 : i32
    return %c0_i32, %arg0, %c0_i32_0 : i32, i32, i32
  }
}

module attributes {stable_mosaic.version = 14 : i64} {
  func.func @_stage_a2_body(%arg0: i32, %arg1: memref<1000x128xf32, #tpu.memory_space<vmem>>, %arg2: memref<128x128xf32, #tpu.memory_space<vmem>>, %arg3: memref<1x128xf32, #tpu.memory_space<vmem>>, %arg4: memref<1000x128xf32, #tpu.memory_space<vmem>>) attributes {dimension_semantics = [#tpu.dimension_semantics<arbitrary>], iteration_bounds = array<i64: 10>, scalar_prefetch = 0 : i64, scratch_operands = 0 : i64, tpu.core_type = #tpu.core_type<tc>, window_params = [{transform_indices = @transform_0, window_bounds = array<i64: 1000, 128>}, {pipeline_mode = #tpu.pipeline_mode<synchronous>, transform_indices = @transform_1, window_bounds = array<i64: 128, 128>}, {pipeline_mode = #tpu.pipeline_mode<synchronous>, transform_indices = @transform_2, window_bounds = array<i64: 1, 128>}, {transform_indices = @transform_3, window_bounds = array<i64: 1000, 128>}]} {
    %get3A = arith.constant 0 : index
    %get3A_0 = arith.constant 0 : index
    %get3A_1 = vector.load %arg1[%get3A, %get3A_0] : memref<1000x128xf32, #tpu.memory_space<vmem>>, vector<1000x128xf32>
    %get3A_2 = arith.constant 0 : index
    %get3A_3 = arith.constant 0 : index
    %get3A_4 = vector.load %arg2[%get3A_2, %get3A_3] : memref<128x128xf32, #tpu.memory_space<vmem>>, vector<128x128xf32>
    %dot_general3A = arith.constant dense<0.000000e+00> : vector<1000x128xf32>
    %dot_general3A_5 = tpu.matmul %get3A_1, %get3A_4, %dot_general3A {dimension_numbers = #tpu.dot_dimension_numbers<[1], [0], [0], [1], [0, 0, 1, 1], [], []>, precision = #tpu.contract_precision<fp32>, transpose_lhs_hint = false} : vector<1000x128xf32>, vector<128x128xf32>, vector<1000x128xf32> -> vector<1000x128xf32>
    %get3A_6 = arith.constant 0 : index
    %get3A_7 = arith.constant 0 : index
    %get3A_8 = vector.load %arg3[%get3A_6, %get3A_7] : memref<1x128xf32, #tpu.memory_space<vmem>>, vector<1x128xf32>
    %add3A = vector.broadcast %get3A_8 : vector<1x128xf32> to vector<1000x128xf32>
    %add3A_9 = arith.addf %dot_general3A_5, %add3A : vector<1000x128xf32>
    %swap3A = arith.constant 0 : index
    %swap3A_10 = arith.constant 0 : index
    %swap3A_11 = vector.load %arg4[%swap3A, %swap3A_10] : memref<1000x128xf32, #tpu.memory_space<vmem>>, vector<1000x128xf32>
    tpu.vector_store %arg4[%swap3A, %swap3A_10], %add3A_9 {strides = array<i32>} : memref<1000x128xf32, #tpu.memory_space<vmem>>, vector<1000x128xf32>,
    return
  }
  func.func @transform_0(%arg0: i32) -> (i32, i32) {
    %c0_i32 = arith.constant 0 : i32
    %c0_i32_0 = arith.constant 0 : i32
    return %arg0, %c0_i32 : i32, i32
  }
  func.func @transform_1(%arg0: i32) -> (i32, i32) {
    %c0_i32 = arith.constant 0 : i32
    %c0_i32_0 = arith.constant 0 : i32
    %c0_i32_1 = arith.constant 0 : i32
    return %c0_i32, %c0_i32_0 : i32, i32
  }
  func.func @transform_2(%arg0: i32) -> (i32, i32) {
    %c0_i32 = arith.constant 0 : i32
    %c0_i32_0 = arith.constant 0 : i32
    %c0_i32_1 = arith.constant 0 : i32
    return %c0_i32, %c0_i32_0 : i32, i32
  }
  func.func @transform_3(%arg0: i32) -> (i32, i32) {
    %c0_i32 = arith.constant 0 : i32
    %c0_i32_0 = arith.constant 0 : i32
    return %arg0, %c0_i32 : i32, i32
  }
}

module attributes {stable_mosaic.version = 14 : i64} {
  func.func @_stage_b1_body(%arg0: i32, %arg1: memref<2x1000x64xbf16, #tpu.memory_space<vmem>>, %arg2: memref<2x1000x16xf32, #tpu.memory_space<vmem>>, %arg3: memref<1000x128xf32, #tpu.memory_space<vmem>>, %arg4: memref<128x128xf32, #tpu.memory_space<vmem>>, %arg5: memref<2x1000x64xbf16, #tpu.memory_space<vmem>>) attributes {dimension_semantics = [#tpu.dimension_semantics<arbitrary>], iteration_bounds = array<i64: 10>, scalar_prefetch = 0 : i64, scratch_operands = 0 : i64, tpu.core_type = #tpu.core_type<tc>, window_params = [{transform_indices = @transform_0, window_bounds = array<i64: 2, 1000, 64>}, {transform_indices = @transform_1, window_bounds = array<i64: 2, 1000, 16>}, {transform_indices = @transform_2, window_bounds = array<i64: 1000, 128>}, {pipeline_mode = #tpu.pipeline_mode<synchronous>, transform_indices = @transform_3, window_bounds = array<i64: 128, 128>}, {transform_indices = @transform_4, window_bounds = array<i64: 2, 1000, 64>}]} {
    %get3A = arith.constant 0 : index
    %get3A_0 = arith.constant 0 : index
    %get3A_1 = arith.constant 0 : index
    %get3A_2 = vector.load %arg1[%get3A, %get3A_0, %get3A_1] : memref<2x1000x64xbf16, #tpu.memory_space<vmem>>, vector<1x1000x64xbf16>
    %get3A_3 = vector.shape_cast %get3A_2 : vector<1x1000x64xbf16> to vector<1000x64xbf16>
    %get3A_4 = arith.constant 1 : index
    %get3A_5 = arith.constant 0 : index
    %get3A_6 = arith.constant 0 : index
    %get3A_7 = vector.load %arg1[%get3A_4, %get3A_5, %get3A_6] : memref<2x1000x64xbf16, #tpu.memory_space<vmem>>, vector<1x1000x64xbf16>
    %get3A_8 = vector.shape_cast %get3A_7 : vector<1x1000x64xbf16> to vector<1000x64xbf16>
    %concatenate3A = tpu.concatenate %get3A_3, %get3A_8 in 1 : vector<1000x64xbf16>, vector<1000x64xbf16> -> vector<1000x128xbf16>
    %convert_element_type3A = arith.extf %concatenate3A : vector<1000x128xbf16> to vector<1000x128xf32>
    %get3A_9 = arith.constant 0 : index
    %get3A_10 = arith.constant 0 : index
    %get3A_11 = arith.constant 0 : index
    %get3A_12 = vector.load %arg2[%get3A_9, %get3A_10, %get3A_11] : memref<2x1000x16xf32, #tpu.memory_space<vmem>>, vector<1x1000x16xf32>
    %get3A_13 = vector.shape_cast %get3A_12 : vector<1x1000x16xf32> to vector<1000x16xf32>
    %get3A_14 = arith.constant 1 : index
    %get3A_15 = arith.constant 0 : index
    %get3A_16 = arith.constant 0 : index
    %get3A_17 = vector.load %arg2[%get3A_14, %get3A_15, %get3A_16] : memref<2x1000x16xf32, #tpu.memory_space<vmem>>, vector<1x1000x16xf32>
    %get3A_18 = vector.shape_cast %get3A_17 : vector<1x1000x16xf32> to vector<1000x16xf32>
    %add3A = arith.addf %get3A_13, %get3A_18 : vector<1000x16xf32>
    %reduce_max3A = arith.constant dense<0xFF800000> : vector<1000xf32>
    %reduce_max3A_19 = vector.multi_reduction <maximumf>, %add3A, %reduce_max3A [1] : vector<1000x16xf32> to vector<1000xf32>
    %max3A = arith.constant 1.000000e+00 : f32
    %max3A_20 = vector.broadcast %max3A : f32 to vector<1000xf32>
    %max3A_21 = arith.maximumf %reduce_max3A_19, %max3A_20 : vector<1000xf32>
    %div3A = arith.constant 1.000000e+00 : f32
    %div3A_22 = vector.broadcast %div3A : f32 to vector<1000xf32>
    %div3A_23 = arith.divf %div3A_22, %max3A_21 : vector<1000xf32>
    %broadcast_in_dim3A = vector.shape_cast %div3A_23 : vector<1000xf32> to vector<1000x1xf32>
    %mul3A = vector.broadcast %broadcast_in_dim3A : vector<1000x1xf32> to vector<1000x128xf32>
    %mul3A_24 = arith.mulf %convert_element_type3A, %mul3A : vector<1000x128xf32>
    %get3A_25 = arith.constant 0 : index
    %get3A_26 = arith.constant 0 : index
    %get3A_27 = vector.load %arg3[%get3A_25, %get3A_26] : memref<1000x128xf32, #tpu.memory_space<vmem>>, vector<1000x128xf32>
    %add3A_28 = arith.addf %mul3A_24, %get3A_27 : vector<1000x128xf32>
    %max3A_29 = arith.constant 0.000000e+00 : f32
    %max3A_30 = vector.broadcast %max3A_29 : f32 to vector<1000x128xf32>
    %max3A_31 = arith.maximumf %add3A_28, %max3A_30 : vector<1000x128xf32>
    %get3A_32 = arith.constant 0 : index
    %get3A_33 = arith.constant 0 : index
    %get3A_34 = vector.load %arg4[%get3A_32, %get3A_33] : memref<128x128xf32, #tpu.memory_space<vmem>>, vector<128x128xf32>
    %dot_general3A = arith.constant dense<0.000000e+00> : vector<1000x128xf32>
    %dot_general3A_35 = tpu.matmul %max3A_31, %get3A_34, %dot_general3A {dimension_numbers = #tpu.dot_dimension_numbers<[1], [0], [0], [1], [0, 0, 1, 1], [], []>, precision = #tpu.contract_precision<fp32>, transpose_lhs_hint = false} : vector<1000x128xf32>, vector<128x128xf32>, vector<1000x128xf32> -> vector<1000x128xf32>
    %convert_element_type3A_36 = arith.truncf %dot_general3A_35 : vector<1000x128xf32> to vector<1000x128xbf16>
    %slice3A = vector.extract_strided_slice %convert_element_type3A_36 {offsets = [0, 0], sizes = [1000, 64], strides = [1, 1]} : vector<1000x128xbf16> to vector<1000x64xbf16>
    %swap3A = arith.constant 0 : index
    %swap3A_37 = arith.constant 0 : index
    %swap3A_38 = arith.constant 0 : index
    %swap3A_39 = vector.load %arg5[%swap3A, %swap3A_37, %swap3A_38] : memref<2x1000x64xbf16, #tpu.memory_space<vmem>>, vector<1x1000x64xbf16>
    %swap3A_40 = vector.shape_cast %swap3A_39 : vector<1x1000x64xbf16> to vector<1000x64xbf16>
    %swap3A_41 = vector.shape_cast %slice3A : vector<1000x64xbf16> to vector<1x1000x64xbf16>
    tpu.vector_store %arg5[%swap3A, %swap3A_37, %swap3A_38], %swap3A_41 {strides = array<i32>} : memref<2x1000x64xbf16, #tpu.memory_space<vmem>>, vector<1x1000x64xbf16>,
    %slice3A_42 = vector.extract_strided_slice %convert_element_type3A_36 {offsets = [0, 64], sizes = [1000, 64], strides = [1, 1]} : vector<1000x128xbf16> to vector<1000x64xbf16>
    %swap3A_43 = arith.constant 1 : index
    %swap3A_44 = arith.constant 0 : index
    %swap3A_45 = arith.constant 0 : index
    %swap3A_46 = vector.load %arg5[%swap3A_43, %swap3A_44, %swap3A_45] : memref<2x1000x64xbf16, #tpu.memory_space<vmem>>, vector<1x1000x64xbf16>
    %swap3A_47 = vector.shape_cast %swap3A_46 : vector<1x1000x64xbf16> to vector<1000x64xbf16>
    %swap3A_48 = vector.shape_cast %slice3A_42 : vector<1000x64xbf16> to vector<1x1000x64xbf16>
    tpu.vector_store %arg5[%swap3A_43, %swap3A_44, %swap3A_45], %swap3A_48 {strides = array<i32>} : memref<2x1000x64xbf16, #tpu.memory_space<vmem>>, vector<1x1000x64xbf16>,
    return
  }
  func.func @transform_0(%arg0: i32) -> (i32, i32, i32) {
    %c0_i32 = arith.constant 0 : i32
    %c0_i32_0 = arith.constant 0 : i32
    %c0_i32_1 = arith.constant 0 : i32
    return %c0_i32, %arg0, %c0_i32_0 : i32, i32, i32
  }
  func.func @transform_1(%arg0: i32) -> (i32, i32, i32) {
    %c0_i32 = arith.constant 0 : i32
    %c0_i32_0 = arith.constant 0 : i32
    %c0_i32_1 = arith.constant 0 : i32
    return %c0_i32, %arg0, %c0_i32_0 : i32, i32, i32
  }
  func.func @transform_2(%arg0: i32) -> (i32, i32) {
    %c0_i32 = arith.constant 0 : i32
    %c0_i32_0 = arith.constant 0 : i32
    return %arg0, %c0_i32 : i32, i32
  }
  func.func @transform_3(%arg0: i32) -> (i32, i32) {
    %c0_i32 = arith.constant 0 : i32
    %c0_i32_0 = arith.constant 0 : i32
    %c0_i32_1 = arith.constant 0 : i32
    return %c0_i32, %c0_i32_0 : i32, i32
  }
  func.func @transform_4(%arg0: i32) -> (i32, i32, i32) {
    %c0_i32 = arith.constant 0 : i32
    %c0_i32_0 = arith.constant 0 : i32
    %c0_i32_1 = arith.constant 0 : i32
    return %c0_i32, %arg0, %c0_i32_0 : i32, i32, i32
  }
}

module attributes {stable_mosaic.version = 14 : i64} {
  func.func @_stage_b2_body(%arg0: i32, %arg1: memref<2x1000x64xbf16, #tpu.memory_space<vmem>>, %arg2: memref<2x1000x16xf32, #tpu.memory_space<vmem>>, %arg3: memref<1000x128xf32, #tpu.memory_space<vmem>>, %arg4: memref<128x128xf32, #tpu.memory_space<vmem>>, %arg5: memref<1x128xf32, #tpu.memory_space<vmem>>, %arg6: memref<1000x128xf32, #tpu.memory_space<vmem>>) attributes {dimension_semantics = [#tpu.dimension_semantics<arbitrary>], iteration_bounds = array<i64: 10>, scalar_prefetch = 0 : i64, scratch_operands = 0 : i64, tpu.core_type = #tpu.core_type<tc>, window_params = [{transform_indices = @transform_0, window_bounds = array<i64: 2, 1000, 64>}, {transform_indices = @transform_1, window_bounds = array<i64: 2, 1000, 16>}, {transform_indices = @transform_2, window_bounds = array<i64: 1000, 128>}, {pipeline_mode = #tpu.pipeline_mode<synchronous>, transform_indices = @transform_3, window_bounds = array<i64: 128, 128>}, {pipeline_mode = #tpu.pipeline_mode<synchronous>, transform_indices = @transform_4, window_bounds = array<i64: 1, 128>}, {transform_indices = @transform_5, window_bounds = array<i64: 1000, 128>}]} {
    %get3A = arith.constant 0 : index
    %get3A_0 = arith.constant 0 : index
    %get3A_1 = arith.constant 0 : index
    %get3A_2 = vector.load %arg1[%get3A, %get3A_0, %get3A_1] : memref<2x1000x64xbf16, #tpu.memory_space<vmem>>, vector<1x1000x64xbf16>
    %get3A_3 = vector.shape_cast %get3A_2 : vector<1x1000x64xbf16> to vector<1000x64xbf16>
    %get3A_4 = arith.constant 1 : index
    %get3A_5 = arith.constant 0 : index
    %get3A_6 = arith.constant 0 : index
    %get3A_7 = vector.load %arg1[%get3A_4, %get3A_5, %get3A_6] : memref<2x1000x64xbf16, #tpu.memory_space<vmem>>, vector<1x1000x64xbf16>
    %get3A_8 = vector.shape_cast %get3A_7 : vector<1x1000x64xbf16> to vector<1000x64xbf16>
    %concatenate3A = tpu.concatenate %get3A_3, %get3A_8 in 1 : vector<1000x64xbf16>, vector<1000x64xbf16> -> vector<1000x128xbf16>
    %convert_element_type3A = arith.extf %concatenate3A : vector<1000x128xbf16> to vector<1000x128xf32>
    %get3A_9 = arith.constant 0 : index
    %get3A_10 = arith.constant 0 : index
    %get3A_11 = arith.constant 0 : index
    %get3A_12 = vector.load %arg2[%get3A_9, %get3A_10, %get3A_11] : memref<2x1000x16xf32, #tpu.memory_space<vmem>>, vector<1x1000x16xf32>
    %get3A_13 = vector.shape_cast %get3A_12 : vector<1x1000x16xf32> to vector<1000x16xf32>
    %get3A_14 = arith.constant 1 : index
    %get3A_15 = arith.constant 0 : index
    %get3A_16 = arith.constant 0 : index
    %get3A_17 = vector.load %arg2[%get3A_14, %get3A_15, %get3A_16] : memref<2x1000x16xf32, #tpu.memory_space<vmem>>, vector<1x1000x16xf32>
    %get3A_18 = vector.shape_cast %get3A_17 : vector<1x1000x16xf32> to vector<1000x16xf32>
    %add3A = arith.addf %get3A_13, %get3A_18 : vector<1000x16xf32>
    %reduce_max3A = arith.constant dense<0xFF800000> : vector<1000xf32>
    %reduce_max3A_19 = vector.multi_reduction <maximumf>, %add3A, %reduce_max3A [1] : vector<1000x16xf32> to vector<1000xf32>
    %max3A = arith.constant 1.000000e+00 : f32
    %max3A_20 = vector.broadcast %max3A : f32 to vector<1000xf32>
    %max3A_21 = arith.maximumf %reduce_max3A_19, %max3A_20 : vector<1000xf32>
    %div3A = arith.constant 1.000000e+00 : f32
    %div3A_22 = vector.broadcast %div3A : f32 to vector<1000xf32>
    %div3A_23 = arith.divf %div3A_22, %max3A_21 : vector<1000xf32>
    %broadcast_in_dim3A = vector.shape_cast %div3A_23 : vector<1000xf32> to vector<1000x1xf32>
    %mul3A = vector.broadcast %broadcast_in_dim3A : vector<1000x1xf32> to vector<1000x128xf32>
    %mul3A_24 = arith.mulf %convert_element_type3A, %mul3A : vector<1000x128xf32>
    %get3A_25 = arith.constant 0 : index
    %get3A_26 = arith.constant 0 : index
    %get3A_27 = vector.load %arg3[%get3A_25, %get3A_26] : memref<1000x128xf32, #tpu.memory_space<vmem>>, vector<1000x128xf32>
    %add3A_28 = arith.addf %mul3A_24, %get3A_27 : vector<1000x128xf32>
    %max3A_29 = arith.constant 0.000000e+00 : f32
    %max3A_30 = vector.broadcast %max3A_29 : f32 to vector<1000x128xf32>
    %max3A_31 = arith.maximumf %add3A_28, %max3A_30 : vector<1000x128xf32>
    %get3A_32 = arith.constant 0 : index
    %get3A_33 = arith.constant 0 : index
    %get3A_34 = vector.load %arg4[%get3A_32, %get3A_33] : memref<128x128xf32, #tpu.memory_space<vmem>>, vector<128x128xf32>
    %dot_general3A = arith.constant dense<0.000000e+00> : vector<1000x128xf32>
    %dot_general3A_35 = tpu.matmul %max3A_31, %get3A_34, %dot_general3A {dimension_numbers = #tpu.dot_dimension_numbers<[1], [0], [0], [1], [0, 0, 1, 1], [], []>, precision = #tpu.contract_precision<fp32>, transpose_lhs_hint = false} : vector<1000x128xf32>, vector<128x128xf32>, vector<1000x128xf32> -> vector<1000x128xf32>
    %get3A_36 = arith.constant 0 : index
    %get3A_37 = arith.constant 0 : index
    %get3A_38 = vector.load %arg5[%get3A_36, %get3A_37] : memref<1x128xf32, #tpu.memory_space<vmem>>, vector<1x128xf32>
    %add3A_39 = vector.broadcast %get3A_38 : vector<1x128xf32> to vector<1000x128xf32>
    %add3A_40 = arith.addf %dot_general3A_35, %add3A_39 : vector<1000x128xf32>
    %swap3A = arith.constant 0 : index
    %swap3A_41 = arith.constant 0 : index
    %swap3A_42 = vector.load %arg6[%swap3A, %swap3A_41] : memref<1000x128xf32, #tpu.memory_space<vmem>>, vector<1000x128xf32>
    tpu.vector_store %arg6[%swap3A, %swap3A_41], %add3A_40 {strides = array<i32>} : memref<1000x128xf32, #tpu.memory_space<vmem>>, vector<1000x128xf32>,
    return
  }
  func.func @transform_0(%arg0: i32) -> (i32, i32, i32) {
    %c0_i32 = arith.constant 0 : i32
    %c0_i32_0 = arith.constant 0 : i32
    %c0_i32_1 = arith.constant 0 : i32
    return %c0_i32, %arg0, %c0_i32_0 : i32, i32, i32
  }
  func.func @transform_1(%arg0: i32) -> (i32, i32, i32) {
    %c0_i32 = arith.constant 0 : i32
    %c0_i32_0 = arith.constant 0 : i32
    %c0_i32_1 = arith.constant 0 : i32
    return %c0_i32, %arg0, %c0_i32_0 : i32, i32, i32
  }
  func.func @transform_2(%arg0: i32) -> (i32, i32) {
    %c0_i32 = arith.constant 0 : i32
    %c0_i32_0 = arith.constant 0 : i32
    return %arg0, %c0_i32 : i32, i32
  }
  func.func @transform_3(%arg0: i32) -> (i32, i32) {
    %c0_i32 = arith.constant 0 : i32
    %c0_i32_0 = arith.constant 0 : i32
    %c0_i32_1 = arith.constant 0 : i32
    return %c0_i32, %c0_i32_0 : i32, i32
  }
  func.func @transform_4(%arg0: i32) -> (i32, i32) {
    %c0_i32 = arith.constant 0 : i32
    %c0_i32_0 = arith.constant 0 : i32
    %c0_i32_1 = arith.constant 0 : i32
    return %c0_i32, %c0_i32_0 : i32, i32
  }
  func.func @transform_5(%arg0: i32) -> (i32, i32) {
    %c0_i32 = arith.constant 0 : i32
    %c0_i32_0 = arith.constant 0 : i32
    return %arg0, %c0_i32 : i32, i32
  }
}

module attributes {stable_mosaic.version = 14 : i64} {
  func.func @_stage_c_body(%arg0: i32, %arg1: memref<2x1000x64xbf16, #tpu.memory_space<vmem>>, %arg2: memref<2x1000x16xf32, #tpu.memory_space<vmem>>, %arg3: memref<1000x128xf32, #tpu.memory_space<vmem>>, %arg4: memref<1000x128xf32, #tpu.memory_space<vmem>>) attributes {dimension_semantics = [#tpu.dimension_semantics<arbitrary>], iteration_bounds = array<i64: 10>, scalar_prefetch = 0 : i64, scratch_operands = 0 : i64, tpu.core_type = #tpu.core_type<tc>, window_params = [{transform_indices = @transform_0, window_bounds = array<i64: 2, 1000, 64>}, {transform_indices = @transform_1, window_bounds = array<i64: 2, 1000, 16>}, {transform_indices = @transform_2, window_bounds = array<i64: 1000, 128>}, {transform_indices = @transform_3, window_bounds = array<i64: 1000, 128>}]} {
    %get3A = arith.constant 0 : index
    %get3A_0 = arith.constant 0 : index
    %get3A_1 = arith.constant 0 : index
    %get3A_2 = vector.load %arg1[%get3A, %get3A_0, %get3A_1] : memref<2x1000x64xbf16, #tpu.memory_space<vmem>>, vector<1x1000x64xbf16>
    %get3A_3 = vector.shape_cast %get3A_2 : vector<1x1000x64xbf16> to vector<1000x64xbf16>
    %get3A_4 = arith.constant 1 : index
    %get3A_5 = arith.constant 0 : index
    %get3A_6 = arith.constant 0 : index
    %get3A_7 = vector.load %arg1[%get3A_4, %get3A_5, %get3A_6] : memref<2x1000x64xbf16, #tpu.memory_space<vmem>>, vector<1x1000x64xbf16>
    %get3A_8 = vector.shape_cast %get3A_7 : vector<1x1000x64xbf16> to vector<1000x64xbf16>
    %concatenate3A = tpu.concatenate %get3A_3, %get3A_8 in 1 : vector<1000x64xbf16>, vector<1000x64xbf16> -> vector<1000x128xbf16>
    %convert_element_type3A = arith.extf %concatenate3A : vector<1000x128xbf16> to vector<1000x128xf32>
    %get3A_9 = arith.constant 0 : index
    %get3A_10 = arith.constant 0 : index
    %get3A_11 = arith.constant 0 : index
    %get3A_12 = vector.load %arg2[%get3A_9, %get3A_10, %get3A_11] : memref<2x1000x16xf32, #tpu.memory_space<vmem>>, vector<1x1000x16xf32>
    %get3A_13 = vector.shape_cast %get3A_12 : vector<1x1000x16xf32> to vector<1000x16xf32>
    %get3A_14 = arith.constant 1 : index
    %get3A_15 = arith.constant 0 : index
    %get3A_16 = arith.constant 0 : index
    %get3A_17 = vector.load %arg2[%get3A_14, %get3A_15, %get3A_16] : memref<2x1000x16xf32, #tpu.memory_space<vmem>>, vector<1x1000x16xf32>
    %get3A_18 = vector.shape_cast %get3A_17 : vector<1x1000x16xf32> to vector<1000x16xf32>
    %add3A = arith.addf %get3A_13, %get3A_18 : vector<1000x16xf32>
    %reduce_max3A = arith.constant dense<0xFF800000> : vector<1000xf32>
    %reduce_max3A_19 = vector.multi_reduction <maximumf>, %add3A, %reduce_max3A [1] : vector<1000x16xf32> to vector<1000xf32>
    %max3A = arith.constant 1.000000e+00 : f32
    %max3A_20 = vector.broadcast %max3A : f32 to vector<1000xf32>
    %max3A_21 = arith.maximumf %reduce_max3A_19, %max3A_20 : vector<1000xf32>
    %div3A = arith.constant 1.000000e+00 : f32
    %div3A_22 = vector.broadcast %div3A : f32 to vector<1000xf32>
    %div3A_23 = arith.divf %div3A_22, %max3A_21 : vector<1000xf32>
    %broadcast_in_dim3A = vector.shape_cast %div3A_23 : vector<1000xf32> to vector<1000x1xf32>
    %mul3A = vector.broadcast %broadcast_in_dim3A : vector<1000x1xf32> to vector<1000x128xf32>
    %mul3A_24 = arith.mulf %convert_element_type3A, %mul3A : vector<1000x128xf32>
    %get3A_25 = arith.constant 0 : index
    %get3A_26 = arith.constant 0 : index
    %get3A_27 = vector.load %arg3[%get3A_25, %get3A_26] : memref<1000x128xf32, #tpu.memory_space<vmem>>, vector<1000x128xf32>
    %add3A_28 = arith.addf %mul3A_24, %get3A_27 : vector<1000x128xf32>
    %swap3A = arith.constant 0 : index
    %swap3A_29 = arith.constant 0 : index
    %swap3A_30 = vector.load %arg4[%swap3A, %swap3A_29] : memref<1000x128xf32, #tpu.memory_space<vmem>>, vector<1000x128xf32>
    tpu.vector_store %arg4[%swap3A, %swap3A_29], %add3A_28 {strides = array<i32>} : memref<1000x128xf32, #tpu.memory_space<vmem>>, vector<1000x128xf32>,
    return
  }
  func.func @transform_0(%arg0: i32) -> (i32, i32, i32) {
    %c0_i32 = arith.constant 0 : i32
    %c0_i32_0 = arith.constant 0 : i32
    %c0_i32_1 = arith.constant 0 : i32
    return %c0_i32, %arg0, %c0_i32_0 : i32, i32, i32
  }
  func.func @transform_1(%arg0: i32) -> (i32, i32, i32) {
    %c0_i32 = arith.constant 0 : i32
    %c0_i32_0 = arith.constant 0 : i32
    %c0_i32_1 = arith.constant 0 : i32
    return %c0_i32, %arg0, %c0_i32_0 : i32, i32, i32
  }
  func.func @transform_2(%arg0: i32) -> (i32, i32) {
    %c0_i32 = arith.constant 0 : i32
    %c0_i32_0 = arith.constant 0 : i32
    return %arg0, %c0_i32 : i32, i32
  }
  func.func @transform_3(%arg0: i32) -> (i32, i32) {
    %c0_i32 = arith.constant 0 : i32
    %c0_i32_0 = arith.constant 0 : i32
    return %arg0, %c0_i32 : i32, i32
  }
}

</mosaic_0001>

<sc_bundles>
// kernel: kernel.12.cloned.1.call-start
scs
__scs_entry_jumppad:
0x0: {  	(pc) =	sbr.rel $0x88, $3  }
0x1: {  	(tag) =	ssettag $0x0;
	lr =	simm.s32 $0x1  }
0x2: {  	[smem:$0x3F99] =	sst lr;
	_ =	strace $0xD0000000  }
0x3: {  	_ = 	snop  }
0x4: {  	_ = 	snop  }
0x5: {  	_ = 	snop  }
0x6: {  	_ = 	snop  }
0x7: {  	_ = 	snop  }
__scs_overlays_trampoline_lowered:
0x8: {  	[smem:$0x3FA8] =	sst s0  }
0x9: {  	[smem:$0x3FA9] =	sst s1  }
0xa: {  	[smem:$0x3FAA] =	sst s2  }
0xb: {  	[smem:$0x3FAB] =	sst s3  }
0xc: {  	[smem:$0x3FAC] =	sst s4  }
0xd: {  	[smem:$0x3FAD] =	sst s5  }
0xe: {  	[smem:$0x3FAE] =	sst s6  }
0xf: {  	[smem:$0x3FAF] =	sst s7  }
0x10: {  	[smem:$0x3FB0] =	sst s8  }
0x11: {  	[smem:$0x3FB1] =	sst s9;
	s0 =	simm.s32 @!p0 $0x0  }
0x12: {  	s1 =	sld [smem:$0x3F97];
	s0 =	simm.s32 @p0 $0x1  }
0x13: {  	[smem:$0x3FB2] =	sst s0;
	s0 =	simm.s32 @!p1 $0x0  }
0x14: {  	s2 =	sld [smem:$0x3F96];
	s0 =	simm.s32 @p1 $0x1  }
0x15: {  	[smem:$0x3FB3] =	sst s0;
	s0 =	simm.s32 @!p2 $0x0  }
0x16: {  	s3 =	sld [smem:$0x3FDB];
	s0 =	simm.s32 @p2 $0x1  }
0x17: {  	s4 =	simm.s32 $0x1BF5;
	[smem:$0x3FB5] =	sst s0  }
0x18: {  	s0 =	sld [smem:$0x3F98];
	_ =	swait.ge [sflag:s4], $0x0  }
0x19: {  	s7 =	sld [smem:$0x3F99]  }
0x1a: {  	s8 =	sadd.s32 $0xFFFFE003, lr  }
0x1b: {  	s9 =	sadd.s32 $0xFFFFFEF7, lr;
	s5 =	simm.s32 $0xFFFFFFFF;
	p2 =	slt.u32 s8, $0xFFFFF086  }
0x1c: {  	p1 =	slt.u32 s9, $0xF7A;
	s5 =	simm.s32 @!p2 $0x0  }
0x1d: {  	s5 =	simm.s32 @p1 $0x1;
	p0 =	seq.s32 s7, s2  }
0x1e: {  	s7 =	smul.u32 @!p0 $0xF7A, s2;
	p2 =	seq.s32 @!p0 s5, $0x0  }
0x1f: {  	s9 =	smul.u32 $0xF7A, s1;
	s8 =	simm.s32 @!p0 $0x1BF5;
	p2 =	por !p2, p0  }
0x20: {  	[sflag:s8] =	ssyncset.s32 @!p0 $0xFFFFF086;
	s6 =	sadd.s32 @!p0 s3, s7;
	s7 =	simm.s32 @!p0 $0x108  }
0x21: {  	s3 =	sadd.s32 s3, s9;
	s6 =	sadd.s32 @!p0 $0x88, s6;
	s7 =	simm.s32 @p2 $0x1082  }
0x22: {  	[simem:s7], [sflag:s8] =	dma.local @!p0 [hbm:s6], $0xF7A  }
0x23: {  	s9 =	sor.u32 $0xD0000000, s2;
	s6 =	simm.s32 $0x108;
	_ =	swait.ge @!p0 [sflag:s8], $0x0  }
0x24: {  	s3 =	sadd.s32 $0x88, s3;
	s6 =	simm.s32 @!p1 $0x1082;
	[sflag:s4] =	ssyncset.s32 $0xFFFFF086  }
0x25: {  	[simem:s6], [sflag:s4] =	dma.local [hbm:s3], $0xF7A  }
0x26: {  	[smem:$0x3F99] =	sst s1;
	(tag) =	ssettag s2;
	_ =	strace s9  }
0x27: {  	s1 =	sld [smem:$0x3FA9]  }
0x28: {  	s2 =	sld [smem:$0x3FAA]  }
0x29: {  	s4 =	sld [smem:$0x3FAC]  }
0x2a: {  	p0 =	seq.s32 s5, $0x0;
	s5 =	sld [smem:$0x3FAD]  }
0x2b: {  	s6 =	sld [smem:$0x3FAE]  }
0x2c: {  	s7 =	sld [smem:$0x3FAF]  }
0x2d: {  	s3 =	simm.s32 $0x108;
	s8 =	sld [smem:$0x3FB0]  }
0x2e: {  	s3 =	simm.s32 @!p0 $0x1082;
	s9 =	sld [smem:$0x3FB1]  }
0x2f: {  	lr =	sadd.s32 s0, s3;
	s0 =	sld [smem:$0x3FA8]  }
0x30: {  	s3 =	sld [smem:$0x3FAB]  }
0x31: {  	[smem:$0x3FB4] =	sst s10  }
0x32: {  	s10 =	sld [smem:$0x3FB2];
	_ =	sdelay $0x3  }
0x33: {  	p0 =	seq.s32 s10, $0x1;
	s10 =	sld [smem:$0x3FB4];
	_ =	sdelay $0x3  }
0x34: {  	[smem:$0x3FB4] =	sst s10  }
0x35: {  	s10 =	sld [smem:$0x3FB3];
	_ =	sdelay $0x3  }
0x36: {  	p1 =	seq.s32 s10, $0x1;
	s10 =	sld [smem:$0x3FB4];
	_ =	sdelay $0x3  }
0x37: {  	[smem:$0x3FB4] =	sst s10  }
0x38: {  	s10 =	sld [smem:$0x3FB5]  }
0x39: {  	_ = 	snop;
	(pc) =	sbr.ind lr, $3  }
0x3a: {  	_ = 	snop  }
0x3b: {  	_ = 	snop  }
0x3c: {  	p2 =	seq.s32 s10, $0x1;
	s10 =	sld [smem:$0x3FB4]  }
0x3d: {  	_ =	shalt  }
0x3e: {  	_ =	shalt  }
0x3f: {  	_ =	shalt  }
0x40: {  	_ =	shalt  }
0x41: {  	_ =	shalt  }
0x42: {  	_ =	shalt  }
0x43: {  	_ =	shalt  }
0x44: {  	_ =	shalt  }
0x45: {  	_ =	shalt  }
0x46: {  	_ =	shalt  }
0x47: {  	_ =	shalt  }
0x48: {  	_ =	shalt  }
0x49: {  	_ =	shalt  }
0x4a: {  	_ =	shalt  }
0x4b: {  	_ =	shalt  }
0x4c: {  	_ =	shalt  }
0x4d: {  	_ =	shalt  }
0x4e: {  	_ =	shalt  }
0x4f: {  	_ =	shalt  }
0x50: {  	_ =	shalt  }
0x51: {  	_ =	shalt  }
0x52: {  	_ =	shalt  }
0x53: {  	_ =	shalt  }
0x54: {  	_ =	shalt  }
0x55: {  	_ =	shalt  }
0x56: {  	_ =	shalt  }
0x57: {  	_ =	shalt  }
0x58: {  	_ =	shalt  }
0x59: {  	_ =	shalt  }
0x5a: {  	_ =	shalt  }
0x5b: {  	_ =	shalt  }
0x5c: {  	_ =	shalt  }
0x5d: {  	_ =	shalt  }
0x5e: {  	_ =	shalt  }
0x5f: {  	_ =	shalt  }
0x60: {  	_ =	shalt  }
0x61: {  	_ =	shalt  }
0x62: {  	_ =	shalt  }
0x63: {  	_ =	shalt  }
0x64: {  	_ =	shalt  }
0x65: {  	_ =	shalt  }
0x66: {  	_ =	shalt  }
0x67: {  	_ =	shalt  }
0x68: {  	_ =	shalt  }
0x69: {  	_ =	shalt  }
0x6a: {  	_ =	shalt  }
0x6b: {  	_ =	shalt  }
0x6c: {  	_ =	shalt  }
0x6d: {  	_ =	shalt  }
0x6e: {  	_ =	shalt  }
0x6f: {  	_ =	shalt  }
0x70: {  	_ =	shalt  }
0x71: {  	_ =	shalt  }
0x72: {  	_ =	shalt  }
0x73: {  	_ =	shalt  }
0x74: {  	_ =	shalt  }
0x75: {  	_ =	shalt  }
0x76: {  	_ =	shalt  }
0x77: {  	_ =	shalt  }
0x78: {  	_ =	shalt  }
0x79: {  	_ =	shalt  }
0x7a: {  	_ =	shalt  }
0x7b: {  	_ =	shalt  }
0x7c: {  	_ =	shalt  }
0x7d: {  	_ =	shalt  }
0x7e: {  	_ =	shalt  }
0x7f: {  	_ =	shalt  }
0x80: {  	_ =	shalt  }
0x81: {  	_ =	shalt  }
0x82: {  	_ =	shalt  }
0x83: {  	_ =	shalt  }
0x84: {  	_ =	shalt  }
0x85: {  	_ =	shalt  }
0x86: {  	_ =	shalt  }
0x87: {  	_ =	shalt  }
.Lfunc_end0:
.L_simem_size_0:
called_computation.1_lowered:
.L_overlay_start_0:
0x88: {  	s2 =	sld [smem:$0x3FD9]  }
0x89: {  	s3 =	sld [smem:$0x3FFE];
	_ =	sdelay $0x1  }
0x8a: {  	s1 =	srdreg.scid  }
0x8b: {  	s0 =	sand.u32 $0x1, s1  }
0x8c: {  	s17 =	sshll.u32 s0, $0xA;
	s2 =	sadd.s32 s3, s2  }
0x8d: {  	s2 =	sadd.s32 s2, s17  }
0x8e: {  	[smem:$0x3FC0] =	sst s2  }
0x8f: {  	_ = 	snop  }
0x90: {  	s2 =	sld [smem:$0x3FD0];
	(tm) =	ssettm $0x1  }
0x91: {  	s18 =	sld [smem:$0x3FFB];
	_ =	sdelay $0x3  }
0x92: {  	_ =	strace s18  }
0x93: {  	s3 =	sld [smem:$0x3FFC];
	_ =	sdelay $0x3  }
0x94: {  	_ =	strace s3  }
0x95: {  	s3 =	sld [smem:$0x3FFD];
	_ =	sdelay $0x3  }
0x96: {  	_ =	strace s3  }
0x97: {  	_ =	strace $0x8FFFFFFF  }
0x98: {  	s19 =	sld [smem:$0x3FDB];
	_ =	sdelay $0x1  }
0x99: {  	s4 =	simm.s32 $_scs_section_size  }
0x9a: {  	s5 =	simm.s32 $_size__tile_overlayer_lowered;
	s6 =	simm.s32 $_tile_overlayer_lowered  }
0x9b: {  	s22 =	simm.s32 $0x1BFF;
	s21 =	sshll.u32 s6, $0x1;
	s3 =	sadd.s32 s4, s19  }
0x9c: {  	s7 =	simm.s32 $0x0;
	s20 =	sshll.u32 s5, $0x1;
	s5 =	sadd.s32 s21, s3  }
0x9d: {  	[timem:s7], [sflag:s22] =	dma.local [hbm:s5], s20  }
0x9e: {  	_ =	swait.ge [sflag:s22], s20  }
0x9f: {  	s4 =	ssub.s32 $0x0, s20;
	[sflag:s22] =	ssyncset.done $0x0  }
0xa0: {  	[sflag:s22] =	ssyncadd.s32 s4;
	_ =	sdelay $0x1  }
0xa1: {  	s23 =	simm.s32 $0x1B8B  }
0xa2: {  	_ =	swait.ge [sflag:s23], $0x1  }
0xa3: {  	[sflag:s23] =	ssyncset.done $0x0  }
0xa4: {  	s25 =	simm.s32 $0x1B8E;
	s24 =	sld [smem:$0x3FFE];
	[sflag:s23] =	ssyncadd.s32 $0xFFFFFFFF  }
0xa5: {  	s26 =	simm.s32 $execute0_lowered;
	[smem:$0x3FD2] =	sst s25  }
0xa6: {  	s5 =	sshll.u32 s26, $0x1;
	_ =	strace $0x80000049;
	[dreg:$0x1] =	wrdreg $0xFFFFFFFF  }
0xa7: {  	s28 =	simm.s32 $_size_execute0_lowered;
	s3 =	sadd.s32 s3, s5;
	[dreg:$0x0] =	wrdreg $0x0  }
0xa8: {  	s5 =	sshll.u32 s28, $0x1;
	[dreg:$0x2] =	wrdreg s3  }
0xa9: {  	[dreg:$0x3] =	wrdreg s5  }
0xaa: {  	[dreg:$0x4] =	wrdreg $0xC0  }
0xab: {  	_ =	task [dreg:s7], $0x5FFFF  }
0xac: {  	[dreg:$0x1] =	wrdreg $0xFFFFFFFF  }
0xad: {  	[dreg:$0x0] =	wrdreg $0x60  }
0xae: {  	[dreg:$0x2] =	wrdreg s24  }
0xaf: {  	[dreg:$0x3] =	wrdreg s2  }
0xb0: {  	[dreg:$0x4] =	wrdreg $0x120000  }
0xb1: {  	[dreg:$0x5] =	wrdreg $0x9  }
0xb2: {  	_ =	task.clear_ibuf [dreg:s7], $0x6FFFF;
	_ =	strace $0x90000049  }
0xb3: {  	s29 =	simm.s32 $0x9;
	_ =	strace $0x8000004B  }
0xb4: {  	_ =	swait.ge [sflag:s29], $0x1  }
0xb5: {  	[sflag:s29] =	ssyncadd.s32 $0xFFFFFFFF  }
0xb6: {  	_ =	strace $0x9000004B  }
0xb7: {  	_ =	sfence  }
0xb8: {  	s30 =	sld [smem:$0x0];
	_ =	sdelay $0x2  }
0xb9: {  	s31 =	sshll.u32 s1, $0xD;
	s1 =	sshrl.u32 s1, $0x2  }
0xba: {  	s3 =	sand.u32 $0x4000, s31;
	s1 =	sadd.s32 s1, s30  }
0xbb: {  	s0 =	sor.u32 s3, s0;
	s1 =	sshll.u32 s1, $0x11  }
0xbc: {  	s0 =	sor.u32 s1, s0  }
0xbd: {  	s0 =	sadd.s32 $0x8F2B, s0  }
0xbe: {  	[sflag:s0] =	ssyncadd.remote.s32 $0x1  }
0xbf: {  	_ =	sfence.sel $0xFFFF  }
0xc0: {  	[dreg:$0x0] =	wrdreg $0xFFFFFFFF;
	(pc) =	sbr.abs _section_cstart, $3  }
0xc1: {  	[dreg:$0x1] =	wrdreg $0xFFFFFFFF  }
0xc2: {  	_ =	task.clear_ibuf [dreg:s7], $0x2FFFF;
	_ =	strace $0x9FFFFFFF  }
0xc3: {  	(tm) =	ssettm $0x7FFFFFFF  }
tec
execute0_lowered:
.L_overlay_start_1:
0x0: {  	(tag) =	ssettag $0x1  }
0x1: {  	s0 =	rddreg [dreg:$0x0]  }
0x2: {  	s1 =	rddreg [dreg:$0x1]  }
0x3: {  	s2 =	rddreg [dreg:$0x2]  }
0x4: {  	s11 =	stileid.u32;
	s4 =	srdreg.scid  }
0x5: {  	s3 =	simm.s32 $0x0;
	s12 =	simm.s32 $0x9;
	s14 =	simm.s32 $0xA000  }
0x6: {  	s15 =	simm.s32 $0x100;
	s16 =	simm.s32 $0xC000;
	s18 =	simm.s32 $0xE000  }
0x7: {  	s20 =	simm.s32 $0x10000;
	s21 =	simm.s32 $0x1;
	s22 =	simm.s32 $0x5  }
0x8: {  	s23 =	simm.s32 $0x2;
	s28 =	simm.s32 $0x4;
	s5 =	smul.u32 $0x5000, s11  }
0x9: {  	s29 =	simm.s32 $0x8;
	s31 =	simm.s32 $0x9D00;
	s7 =	smul.u32 $0xA000, s11  }
0xa: {  	s6 =	sand.u32 $0x1, s4;
	[smem:$0x7FF] =	sst s3;
	s24 =	smul.u32 $0x14000, s11  }
0xb: {  	s13 =	simm.s32 $0x0;
	s4 =	smul.u32 $0xA0000, s6;
	_ =	strace $0x8000004A  }
0xc: {  	s10 =	smul.u32 $0x50000, s6;
	s6 =	ssub.s32 $0x2, s6;
	s8 =	sshrl.u32 s5, $0x3  }
0xd: {  	s25 =	sshrl.u32 s6, $0x1;
	s30 =	sshrl.u32 s24, $0x2;
	s24 =	simm.s32 $0x6  }
0xe: {  	s9 =	sadd.s32 s7, s4;
	s4 =	sadd.s32 $0x2800, s0;
	s8 =	sadd.s32 s8, s0  }
0xf: {  	s5 =	sadd.s32 s5, s10;
	s26 =	ssub.s32 s6, s25;
	s7 =	sshrl.u32 s7, $0x1  }
0x10: {  	s25 =	simm.s32 $0x3;
	s9 =	sshrl.u32 s9, $0x4;
	s5 =	sshrl.u32 s5, $0x3  }
0x11: {  	s6 =	sadd.s32 $0x16200, s8;
	s7 =	sadd.s32 s7, s2;
	s11 =	smax.u32 s26, $0x1  }
0x12: {  	s26 =	simm.s32 $0x7;
	s5 =	sadd.s32 s1, s5;
	s1 =	sadd.s32 s30, s2  }
0x13: {  	s0 =	sadd.s32 s9, s0;
	s8 =	sadd.s32 $0x2000, s1;
	s9 =	sadd.s32 $0x4000, s1  }
0x14: {  	v0 =	vimm.bf16 $0.0e+00;
	s10 =	sadd.s32 $0x20200, s0;
	s0 =	simm.s32 $0x9E00;
	s1 =	simm.s32 $0x9F00  }
.LBB2_1:
0x15: {  	[tilespmem:s3], [sflag:$0x9] =	stream.linear.gather [hbm4b:s5+s3], $0x5000, $0x38;
	[tilespmem:$0x17000] =	vst v63  }
0x16: {  	_ =	swait.ge [sflag:s12], $0x5000  }
0x17: {  	[sflag:s12] =	ssyncset.done $0x0  }
0x18: {  	s17 =	simm.s32 $0x5000;
	[sflag:s12] =	ssyncadd.s32 $0xFFFFB000  }
0x19: {  	[tilespmem:s17], [sflag:$0x9] =	stream.linear.gather [hbm4b:s6+s3], $0x5000, $0x38;
	[tilespmem:$0x17000] =	vst v63  }
0x1a: {  	_ =	swait.ge [sflag:s12], $0x5000  }
0x1b: {  	[sflag:s12] =	ssyncset.done $0x0  }
0x1c: {  	s19 =	simm.s32 $0x0;
	s17 =	simm.s32 $0x80;
	[sflag:s12] =	ssyncadd.s32 $0xFFFFB000  }
.LBB2_2:
0x1d: {  	p0 =	sne.s32 s17, $0x7F80;
	[tilespmem:s19+$0xA000] =	vst v0;
	s30 =	smov.u32 s17;
	s17 =	sadd.s32 $0x80, s17  }
.Ltmp0:
0x1e: {  	[tilespmem:s19+$0xA010] =	vst v0;
	(pc) =	sbr.rel @p0 .LBB2_2-.Ltmp0, $2  }
0x1f: {  	_ =	sdelay $0x2  }
0x20: {  	s19 =	sshra.s32 s30, $0x2  }
0x21: {  	[tilespmem:s19+$0xA000] =	vst v0  }
0x22: {  	[tilespmem:s19+$0xA010] =	vst v0  }
0x23: {  	[spmem:s7] =	stream.linear.scatter [tilespmem:s14], [sflag:$0x9], $0x2000, $0x38;
	[tilespmem:$0x17000] =	vst v63  }
0x24: {  	_ =	swait.ge [sflag:s12], $0x2000  }
0x25: {  	[sflag:s12] =	ssyncset.done $0x0  }
0x26: {  	[sflag:s12] =	ssyncadd.s32 $0xFFFFE000  }
0x27: {  	[spmem:s8] =	stream.linear.scatter [tilespmem:s14], [sflag:$0x9], $0x2000, $0x38;
	[tilespmem:$0x17000] =	vst v63  }
0x28: {  	_ =	swait.ge [sflag:s12], $0x2000  }
0x29: {  	[sflag:s12] =	ssyncset.done $0x0  }
0x2a: {  	[sflag:s12] =	ssyncadd.s32 $0xFFFFE000  }
0x2b: {  	[spmem:s9] =	stream.linear.scatter [tilespmem:s14], [sflag:$0x9], $0x1000, $0x38;
	[tilespmem:$0x17000] =	vst v63  }
0x2c: {  	_ =	swait.ge [sflag:s12], $0x1000  }
0x2d: {  	[sflag:s12] =	ssyncset.done $0x0  }
0x2e: {  	[sflag:s12] =	ssyncadd.s32 $0xFFFFF000  }
0x2f: {  	s17 =	simm.s32 $0x0;
	[bflag:$0x0] =	sbarrier.arrive $0xFFFF  }
0x30: {  	[tilespmem:s14], [sflag:$0x1] =	stream.indirect.gather [hbm4b:s4+s15], $0x20, s17, s15, $0xb8;
	[tilespmem:$0x17000] =	vst v63  }
0x31: {  	_ = 	snop  }
0x32: {  	[tilespmem:s16], [sflag:$0x2] =	stream.indirect.gather [hbm4b:s4+s15], $0x20, s15, s15, $0xb8;
	[tilespmem:$0x17000] =	vst v63  }
0x33: {  	s30 =	simm.s32 $0x200  }
0x34: {  	[tilespmem:s18], [sflag:$0x3] =	stream.indirect.gather [hbm4b:s4+s15], $0x20, s30, s15, $0xb8;
	[tilespmem:$0x17000] =	vst v63  }
0x35: {  	s19 =	simm.s32 $0x300  }
0x36: {  	[tilespmem:s20], [sflag:$0x4] =	stream.indirect.gather [hbm4b:s4+s15], $0x20, s19, s15, $0xb8;
	[tilespmem:$0x17000] =	vst v63  }
0x37: {  	_ =	swait.ge [sflag:s21], $0x2000  }
0x38: {  	[sflag:s21] =	ssyncset.done $0x0  }
0x39: {  	s30 =	simm.s32 $0x5000;
	[sflag:s21] =	ssyncadd.s32 $0xFFFFE000  }
0x3a: {  	[spmem:s2] =	stream.indirect.scatter.add.bf16 [tilespmem:s14], [sflag:$0x5], $0x20, s30, s15, $0xb8;
	[tilespmem:$0x17000] =	vst v63  }
0x3b: {  	_ =	swait.ge [sflag:s22], $0x2000  }
0x3c: {  	[sflag:s22] =	ssyncset.done $0x0  }
0x3d: {  	s19 =	simm.s32 $0x400;
	[sflag:s22] =	ssyncadd.s32 $0xFFFFE000  }
0x3e: {  	[tilespmem:s14], [sflag:$0x1] =	stream.indirect.gather [hbm4b:s4+s15], $0x20, s19, s15, $0xb8;
	[tilespmem:$0x17000] =	vst v63  }
0x3f: {  	_ =	swait.ge [sflag:s23], $0x2000  }
0x40: {  	[sflag:s23] =	ssyncset.done $0x0  }
0x41: {  	s30 =	simm.s32 $0x5100;
	[sflag:s23] =	ssyncadd.s32 $0xFFFFE000  }
0x42: {  	[spmem:s2] =	stream.indirect.scatter.add.bf16 [tilespmem:s16], [sflag:$0x6], $0x20, s30, s15, $0xb8;
	[tilespmem:$0x17000] =	vst v63  }
0x43: {  	_ =	swait.ge [sflag:s24], $0x2000  }
0x44: {  	[sflag:s24] =	ssyncset.done $0x0  }
0x45: {  	s19 =	simm.s32 $0x500;
	[sflag:s24] =	ssyncadd.s32 $0xFFFFE000  }
0x46: {  	[tilespmem:s16], [sflag:$0x2] =	stream.indirect.gather [hbm4b:s4+s15], $0x20, s19, s15, $0xb8;
	[tilespmem:$0x17000] =	vst v63  }
0x47: {  	_ =	swait.ge [sflag:s25], $0x2000  }
0x48: {  	[sflag:s25] =	ssyncset.done $0x0  }
0x49: {  	s30 =	simm.s32 $0x5200;
	[sflag:s25] =	ssyncadd.s32 $0xFFFFE000  }
0x4a: {  	[spmem:s2] =	stream.indirect.scatter.add.bf16 [tilespmem:s18], [sflag:$0x7], $0x20, s30, s15, $0xb8;
	[tilespmem:$0x17000] =	vst v63  }
0x4b: {  	_ =	swait.ge [sflag:s26], $0x2000  }
0x4c: {  	[sflag:s26] =	ssyncset.done $0x0  }
0x4d: {  	s19 =	simm.s32 $0x600;
	[sflag:s26] =	ssyncadd.s32 $0xFFFFE000  }
0x4e: {  	[tilespmem:s18], [sflag:$0x3] =	stream.indirect.gather [hbm4b:s4+s15], $0x20, s19, s15, $0xb8;
	[tilespmem:$0x17000] =	vst v63  }
0x4f: {  	_ =	swait.ge [sflag:s28], $0x2000  }
0x50: {  	[sflag:s28] =	ssyncset.done $0x0  }
0x51: {  	s30 =	simm.s32 $0x5300;
	[sflag:s28] =	ssyncadd.s32 $0xFFFFE000  }
0x52: {  	[spmem:s2] =	stream.indirect.scatter.add.bf16 [tilespmem:s20], [sflag:$0x8], $0x20, s30, s15, $0xb8;
	[tilespmem:$0x17000] =	vst v63  }
0x53: {  	_ =	swait.ge [sflag:s29], $0x2000  }
0x54: {  	[sflag:s29] =	ssyncset.done $0x0  }
0x55: {  	s17 =	simm.s32 $0x1000;
	s19 =	simm.s32 $0x700;
	[sflag:s29] =	ssyncadd.s32 $0xFFFFE000  }
.LBB2_4:
0x56: {  	[tilespmem:s20], [sflag:$0x4] =	stream.indirect.gather [hbm4b:s4+s15], $0x20, s19, s15, $0xb8;
	[tilespmem:$0x17000] =	vst v63  }
0x57: {  	s19 =	smov.u32 s17  }
0x58: {  	p0 =	sne.s32 s17, $0x12000;
	s17 =	sadd.s32 $0x1000, s17;
	_ =	swait.ge [sflag:s21], $0x2000  }
0x59: {  	s19 =	sshra.s32 s19, $0x2;
	[sflag:s21] =	ssyncset.done $0x0  }
0x5a: {  	s30 =	sadd.s32 $0x5000, s19;
	[sflag:s21] =	ssyncadd.s32 $0xFFFFE000  }
0x5b: {  	[spmem:s2] =	stream.indirect.scatter.add.bf16 [tilespmem:s14], [sflag:$0x5], $0x20, s30, s15, $0xb8;
	[tilespmem:$0x17000] =	vst v63  }
0x5c: {  	_ =	swait.ge [sflag:s22], $0x2000  }
0x5d: {  	[sflag:s22] =	ssyncset.done $0x0  }
0x5e: {  	s30 =	sadd.s32 $0x400, s19;
	[sflag:s22] =	ssyncadd.s32 $0xFFFFE000  }
0x5f: {  	[tilespmem:s14], [sflag:$0x1] =	stream.indirect.gather [hbm4b:s4+s15], $0x20, s30, s15, $0xb8;
	[tilespmem:$0x17000] =	vst v63  }
0x60: {  	_ =	swait.ge [sflag:s23], $0x2000  }
0x61: {  	[sflag:s23] =	ssyncset.done $0x0  }
0x62: {  	s30 =	sadd.s32 $0x5100, s19;
	[sflag:s23] =	ssyncadd.s32 $0xFFFFE000  }
0x63: {  	[spmem:s2] =	stream.indirect.scatter.add.bf16 [tilespmem:s16], [sflag:$0x6], $0x20, s30, s15, $0xb8;
	[tilespmem:$0x17000] =	vst v63  }
0x64: {  	_ =	swait.ge [sflag:s24], $0x2000  }
0x65: {  	[sflag:s24] =	ssyncset.done $0x0  }
0x66: {  	s30 =	sadd.s32 $0x500, s19;
	[sflag:s24] =	ssyncadd.s32 $0xFFFFE000  }
0x67: {  	[tilespmem:s16], [sflag:$0x2] =	stream.indirect.gather [hbm4b:s4+s15], $0x20, s30, s15, $0xb8;
	[tilespmem:$0x17000] =	vst v63  }
0x68: {  	_ =	swait.ge [sflag:s25], $0x2000  }
0x69: {  	[sflag:s25] =	ssyncset.done $0x0  }
0x6a: {  	s30 =	sadd.s32 $0x5200, s19;
	[sflag:s25] =	ssyncadd.s32 $0xFFFFE000  }
0x6b: {  	[spmem:s2] =	stream.indirect.scatter.add.bf16 [tilespmem:s18], [sflag:$0x7], $0x20, s30, s15, $0xb8;
	[tilespmem:$0x17000] =	vst v63  }
0x6c: {  	_ =	swait.ge [sflag:s26], $0x2000  }
0x6d: {  	[sflag:s26] =	ssyncset.done $0x0  }
0x6e: {  	s30 =	sadd.s32 $0x600, s19;
	[sflag:s26] =	ssyncadd.s32 $0xFFFFE000  }
0x6f: {  	[tilespmem:s18], [sflag:$0x3] =	stream.indirect.gather [hbm4b:s4+s15], $0x20, s30, s15, $0xb8;
	[tilespmem:$0x17000] =	vst v63  }
0x70: {  	_ =	swait.ge [sflag:s28], $0x2000  }
0x71: {  	[sflag:s28] =	ssyncset.done $0x0  }
.Ltmp1:
0x72: {  	s30 =	sadd.s32 $0x5300, s19;
	[sflag:s28] =	ssyncadd.s32 $0xFFFFE000;
	(pc) =	sbr.rel @p0 .LBB2_4-.Ltmp1, $4  }
0x73: {  	[spmem:s2] =	stream.indirect.scatter.add.bf16 [tilespmem:s20], [sflag:$0x8], $0x20, s30, s15, $0xb8;
	[tilespmem:$0x17000] =	vst v63  }
0x74: {  	_ =	swait.ge [sflag:s29], $0x2000  }
0x75: {  	[sflag:s29] =	ssyncset.done $0x0  }
0x76: {  	s19 =	sadd.s32 $0x700, s19;
	[sflag:s29] =	ssyncadd.s32 $0xFFFFE000  }
0x77: {  	[tilespmem:s20], [sflag:$0x4] =	stream.indirect.gather [hbm4b:s4+s15], $0x20, s19, s15, $0xb8;
	[tilespmem:$0x17000] =	vst v63  }
0x78: {  	_ =	swait.ge [sflag:s21], $0x2000  }
0x79: {  	[sflag:s21] =	ssyncset.done $0x0  }
0x7a: {  	s17 =	simm.s32 $0x9C00;
	[sflag:s21] =	ssyncadd.s32 $0xFFFFE000  }
0x7b: {  	[spmem:s2] =	stream.indirect.scatter.add.bf16 [tilespmem:s14], [sflag:$0x5], $0x20, s17, s15, $0xb8;
	[tilespmem:$0x17000] =	vst v63  }
0x7c: {  	_ =	swait.ge [sflag:s22], $0x2000  }
0x7d: {  	[sflag:s22] =	ssyncset.done $0x0  }
0x7e: {  	[sflag:s22] =	ssyncadd.s32 $0xFFFFE000  }
0x7f: {  	_ =	swait.ge [sflag:s23], $0x2000  }
0x80: {  	[sflag:s23] =	ssyncset.done $0x0  }
0x81: {  	[sflag:s23] =	ssyncadd.s32 $0xFFFFE000  }
0x82: {  	[spmem:s2] =	stream.indirect.scatter.add.bf16 [tilespmem:s16], [sflag:$0x6], $0x20, s31, s15, $0xb8;
	[tilespmem:$0x17000] =	vst v63  }
0x83: {  	_ =	swait.ge [sflag:s24], $0x2000  }
0x84: {  	[sflag:s24] =	ssyncset.done $0x0  }
0x85: {  	[sflag:s24] =	ssyncadd.s32 $0xFFFFE000  }
0x86: {  	_ =	swait.ge [sflag:s25], $0x2000  }
0x87: {  	[sflag:s25] =	ssyncset.done $0x0  }
0x88: {  	[sflag:s25] =	ssyncadd.s32 $0xFFFFE000  }
0x89: {  	[spmem:s2] =	stream.indirect.scatter.add.bf16 [tilespmem:s18], [sflag:$0x7], $0x20, s0, s15, $0xb8;
	[tilespmem:$0x17000] =	vst v63  }
0x8a: {  	_ =	swait.ge [sflag:s26], $0x2000  }
0x8b: {  	[sflag:s26] =	ssyncset.done $0x0  }
0x8c: {  	[sflag:s26] =	ssyncadd.s32 $0xFFFFE000  }
0x8d: {  	_ =	swait.ge [sflag:s28], $0x2000  }
0x8e: {  	[sflag:s28] =	ssyncset.done $0x0  }
0x8f: {  	[sflag:s28] =	ssyncadd.s32 $0xFFFFE000  }
0x90: {  	[spmem:s2] =	stream.indirect.scatter.add.bf16 [tilespmem:s20], [sflag:$0x8], $0x20, s1, s15, $0xb8;
	[tilespmem:$0x17000] =	vst v63  }
0x91: {  	s19 =	stileid.u32;
	_ =	swait.ge [sflag:s29], $0x2000  }
0x92: {  	s30 =	sshrl.u32 s7, $0x3;
	s13 =	sadd.s32 $0x1, s13;
	[sflag:s29] =	ssyncset.done $0x0  }
0x93: {  	p0 =	sne.s32 s13, s11;
	s17 =	sshll.u32 s19, $0x6;
	[sflag:s29] =	ssyncadd.s32 $0xFFFFE000  }
.Ltmp2:
0x94: {  	s17 =	sor.u32 $0x1C09, s17;
	[bflag:$0x0] =	sbarrier.arrive $0xFFFF;
	(pc) =	sbr.rel @p0 .LBB2_1-.Ltmp2, $4  }
0x95: {  	[hbm:s10], [sflag:s17] =	dma.local [spmem:s30], $0xA00  }
0x96: {  	_ =	swait.ge [sflag:s12], $0xA00  }
0x97: {  	[sflag:s12] =	ssyncset.done $0x0  }
0x98: {  	[sflag:s12] =	ssyncadd.s32 $0xFFFFF600  }
0x99: {  	_ =	sfence.sel $0x180000  }
0x9a: {  	[bflag:$0x0] =	sbarrier.arrive $0xFFFF  }
0x9b: {  	_ =	strace $0x9000004A  }
0x9c: {  	s0 =	stileid.u32;
	[bflag:$0x2] =	sbarrier.arrive $0xFFFF  }
0x9d: {  	p0 =	sne.s32 s0, $0x0;
	s0 =	rddreg [dreg:$0x3]  }
0x9e: {  	s0 =	sadd.s32 @!p0 $0x100000, s0  }
0x9f: {  	[sflag:s0] =	ssyncadd.tile.s32 @!p0 $0x1;
	_ =	shalt  }
.Lfunc_end2:
_tile_overlayer_lowered:
.L_overlay_start_2:
0xa0: {  	(tag) =	ssettag $0x2  }
0xa1: {  	s0 =	rddreg [dreg:$0x0];
	s2 =	stileid.u32  }
0xa2: {  	s1 =	rddreg [dreg:$0x1];
	p0 =	sne.s32 s2, $0x0  }
0xa3: {  	s3 =	rddreg [dreg:$0x2];
	[bflag:$0x3] =	sbarrier.arrive $0xFFFF;
	s2 =	simm.s32 @!p0 $0x1C09  }
0xa4: {  	[timem:s3], [sflag:s2] =	dma.local @!p0 [hbm:s0], s1  }
0xa5: {  	s0 =	simm.s32 @!p0 $0x9  }
0xa6: {  	_ =	swait.ge @!p0 [sflag:s0], s1  }
0xa7: {  	s1 =	ssub.s32 @!p0 $0x0, s1;
	[sflag:s0] =	ssyncset.done @!p0 $0x0  }
0xa8: {  	[sflag:s0] =	ssyncadd.s32 @!p0 s1  }
0xa9: {  	[bflag:$0x3] =	sbarrier.arrive $0xFFFF  }
0xaa: {  	_ =	shalt  }

// kernel: kernel.9.cloned.1.call-start
scs
__scs_entry_jumppad:
0x0: {  	(pc) =	sbr.rel $0x88, $3  }
0x1: {  	(tag) =	ssettag $0x0;
	lr =	simm.s32 $0x1  }
0x2: {  	[smem:$0x3F99] =	sst lr;
	_ =	strace $0xD0000000  }
0x3: {  	_ = 	snop  }
0x4: {  	_ = 	snop  }
0x5: {  	_ = 	snop  }
0x6: {  	_ = 	snop  }
0x7: {  	_ = 	snop  }
__scs_overlays_trampoline_lowered:
0x8: {  	[smem:$0x3FA8] =	sst s0  }
0x9: {  	[smem:$0x3FA9] =	sst s1  }
0xa: {  	[smem:$0x3FAA] =	sst s2  }
0xb: {  	[smem:$0x3FAB] =	sst s3  }
0xc: {  	[smem:$0x3FAC] =	sst s4  }
0xd: {  	[smem:$0x3FAD] =	sst s5  }
0xe: {  	[smem:$0x3FAE] =	sst s6  }
0xf: {  	[smem:$0x3FAF] =	sst s7  }
0x10: {  	[smem:$0x3FB0] =	sst s8  }
0x11: {  	[smem:$0x3FB1] =	sst s9;
	s0 =	simm.s32 @!p0 $0x0  }
0x12: {  	s1 =	sld [smem:$0x3F97];
	s0 =	simm.s32 @p0 $0x1  }
0x13: {  	[smem:$0x3FB2] =	sst s0;
	s0 =	simm.s32 @!p1 $0x0  }
0x14: {  	s2 =	sld [smem:$0x3F96];
	s0 =	simm.s32 @p1 $0x1  }
0x15: {  	[smem:$0x3FB3] =	sst s0;
	s0 =	simm.s32 @!p2 $0x0  }
0x16: {  	s3 =	sld [smem:$0x3FDB];
	s0 =	simm.s32 @p2 $0x1  }
0x17: {  	s4 =	simm.s32 $0x1BF5;
	[smem:$0x3FB5] =	sst s0  }
0x18: {  	s0 =	sld [smem:$0x3F98];
	_ =	swait.ge [sflag:s4], $0x0  }
0x19: {  	s7 =	sld [smem:$0x3F99]  }
0x1a: {  	s8 =	sadd.s32 $0xFFFFE003, lr  }
0x1b: {  	s9 =	sadd.s32 $0xFFFFFEF7, lr;
	s5 =	simm.s32 $0xFFFFFFFF;
	p2 =	slt.u32 s8, $0xFFFFF086  }
0x1c: {  	p1 =	slt.u32 s9, $0xF7A;
	s5 =	simm.s32 @!p2 $0x0  }
0x1d: {  	s5 =	simm.s32 @p1 $0x1;
	p0 =	seq.s32 s7, s2  }
0x1e: {  	s7 =	smul.u32 @!p0 $0xF7A, s2;
	p2 =	seq.s32 @!p0 s5, $0x0  }
0x1f: {  	s9 =	smul.u32 $0xF7A, s1;
	s8 =	simm.s32 @!p0 $0x1BF5;
	p2 =	por !p2, p0  }
0x20: {  	[sflag:s8] =	ssyncset.s32 @!p0 $0xFFFFF086;
	s6 =	sadd.s32 @!p0 s3, s7;
	s7 =	simm.s32 @!p0 $0x108  }
0x21: {  	s3 =	sadd.s32 s3, s9;
	s6 =	sadd.s32 @!p0 $0x88, s6;
	s7 =	simm.s32 @p2 $0x1082  }
0x22: {  	[simem:s7], [sflag:s8] =	dma.local @!p0 [hbm:s6], $0xF7A  }
0x23: {  	s9 =	sor.u32 $0xD0000000, s2;
	s6 =	simm.s32 $0x108;
	_ =	swait.ge @!p0 [sflag:s8], $0x0  }
0x24: {  	s3 =	sadd.s32 $0x88, s3;
	s6 =	simm.s32 @!p1 $0x1082;
	[sflag:s4] =	ssyncset.s32 $0xFFFFF086  }
0x25: {  	[simem:s6], [sflag:s4] =	dma.local [hbm:s3], $0xF7A  }
0x26: {  	[smem:$0x3F99] =	sst s1;
	(tag) =	ssettag s2;
	_ =	strace s9  }
0x27: {  	s1 =	sld [smem:$0x3FA9]  }
0x28: {  	s2 =	sld [smem:$0x3FAA]  }
0x29: {  	s4 =	sld [smem:$0x3FAC]  }
0x2a: {  	p0 =	seq.s32 s5, $0x0;
	s5 =	sld [smem:$0x3FAD]  }
0x2b: {  	s6 =	sld [smem:$0x3FAE]  }
0x2c: {  	s7 =	sld [smem:$0x3FAF]  }
0x2d: {  	s3 =	simm.s32 $0x108;
	s8 =	sld [smem:$0x3FB0]  }
0x2e: {  	s3 =	simm.s32 @!p0 $0x1082;
	s9 =	sld [smem:$0x3FB1]  }
0x2f: {  	lr =	sadd.s32 s0, s3;
	s0 =	sld [smem:$0x3FA8]  }
0x30: {  	s3 =	sld [smem:$0x3FAB]  }
0x31: {  	[smem:$0x3FB4] =	sst s10  }
0x32: {  	s10 =	sld [smem:$0x3FB2];
	_ =	sdelay $0x3  }
0x33: {  	p0 =	seq.s32 s10, $0x1;
	s10 =	sld [smem:$0x3FB4];
	_ =	sdelay $0x3  }
0x34: {  	[smem:$0x3FB4] =	sst s10  }
0x35: {  	s10 =	sld [smem:$0x3FB3];
	_ =	sdelay $0x3  }
0x36: {  	p1 =	seq.s32 s10, $0x1;
	s10 =	sld [smem:$0x3FB4];
	_ =	sdelay $0x3  }
0x37: {  	[smem:$0x3FB4] =	sst s10  }
0x38: {  	s10 =	sld [smem:$0x3FB5]  }
0x39: {  	_ = 	snop;
	(pc) =	sbr.ind lr, $3  }
0x3a: {  	_ = 	snop  }
0x3b: {  	_ = 	snop  }
0x3c: {  	p2 =	seq.s32 s10, $0x1;
	s10 =	sld [smem:$0x3FB4]  }
0x3d: {  	_ =	shalt  }
0x3e: {  	_ =	shalt  }
0x3f: {  	_ =	shalt  }
0x40: {  	_ =	shalt  }
0x41: {  	_ =	shalt  }
0x42: {  	_ =	shalt  }
0x43: {  	_ =	shalt  }
0x44: {  	_ =	shalt  }
0x45: {  	_ =	shalt  }
0x46: {  	_ =	shalt  }
0x47: {  	_ =	shalt  }
0x48: {  	_ =	shalt  }
0x49: {  	_ =	shalt  }
0x4a: {  	_ =	shalt  }
0x4b: {  	_ =	shalt  }
0x4c: {  	_ =	shalt  }
0x4d: {  	_ =	shalt  }
0x4e: {  	_ =	shalt  }
0x4f: {  	_ =	shalt  }
0x50: {  	_ =	shalt  }
0x51: {  	_ =	shalt  }
0x52: {  	_ =	shalt  }
0x53: {  	_ =	shalt  }
0x54: {  	_ =	shalt  }
0x55: {  	_ =	shalt  }
0x56: {  	_ =	shalt  }
0x57: {  	_ =	shalt  }
0x58: {  	_ =	shalt  }
0x59: {  	_ =	shalt  }
0x5a: {  	_ =	shalt  }
0x5b: {  	_ =	shalt  }
0x5c: {  	_ =	shalt  }
0x5d: {  	_ =	shalt  }
0x5e: {  	_ =	shalt  }
0x5f: {  	_ =	shalt  }
0x60: {  	_ =	shalt  }
0x61: {  	_ =	shalt  }
0x62: {  	_ =	shalt  }
0x63: {  	_ =	shalt  }
0x64: {  	_ =	shalt  }
0x65: {  	_ =	shalt  }
0x66: {  	_ =	shalt  }
0x67: {  	_ =	shalt  }
0x68: {  	_ =	shalt  }
0x69: {  	_ =	shalt  }
0x6a: {  	_ =	shalt  }
0x6b: {  	_ =	shalt  }
0x6c: {  	_ =	shalt  }
0x6d: {  	_ =	shalt  }
0x6e: {  	_ =	shalt  }
0x6f: {  	_ =	shalt  }
0x70: {  	_ =	shalt  }
0x71: {  	_ =	shalt  }
0x72: {  	_ =	shalt  }
0x73: {  	_ =	shalt  }
0x74: {  	_ =	shalt  }
0x75: {  	_ =	shalt  }
0x76: {  	_ =	shalt  }
0x77: {  	_ =	shalt  }
0x78: {  	_ =	shalt  }
0x79: {  	_ =	shalt  }
0x7a: {  	_ =	shalt  }
0x7b: {  	_ =	shalt  }
0x7c: {  	_ =	shalt  }
0x7d: {  	_ =	shalt  }
0x7e: {  	_ =	shalt  }
0x7f: {  	_ =	shalt  }
0x80: {  	_ =	shalt  }
0x81: {  	_ =	shalt  }
0x82: {  	_ =	shalt  }
0x83: {  	_ =	shalt  }
0x84: {  	_ =	shalt  }
0x85: {  	_ =	shalt  }
0x86: {  	_ =	shalt  }
0x87: {  	_ =	shalt  }
.Lfunc_end0:
.L_simem_size_0:
called_computation_lowered:
.L_overlay_start_0:
0x88: {  	s2 =	sld [smem:$0x3FD9]  }
0x89: {  	s3 =	sld [smem:$0x3FFE];
	_ =	sdelay $0x1  }
0x8a: {  	s1 =	srdreg.scid  }
0x8b: {  	s0 =	sand.u32 $0x1, s1  }
0x8c: {  	s17 =	sshll.u32 s0, $0xA;
	s2 =	sadd.s32 s3, s2  }
0x8d: {  	s2 =	sadd.s32 s2, s17  }
0x8e: {  	[smem:$0x3FC0] =	sst s2  }
0x8f: {  	_ = 	snop  }
0x90: {  	s2 =	sld [smem:$0x3FD0];
	(tm) =	ssettm $0x1  }
0x91: {  	s18 =	sld [smem:$0x3FFB];
	_ =	sdelay $0x3  }
0x92: {  	_ =	strace s18  }
0x93: {  	s3 =	sld [smem:$0x3FFC];
	_ =	sdelay $0x3  }
0x94: {  	_ =	strace s3  }
0x95: {  	s3 =	sld [smem:$0x3FFD];
	_ =	sdelay $0x3  }
0x96: {  	_ =	strace s3  }
0x97: {  	_ =	strace $0x8FFFFFFF  }
0x98: {  	s19 =	sld [smem:$0x3FDB];
	_ =	sdelay $0x1  }
0x99: {  	s4 =	simm.s32 $_scs_section_size  }
0x9a: {  	s5 =	simm.s32 $_size__tile_overlayer_lowered;
	s6 =	simm.s32 $_tile_overlayer_lowered  }
0x9b: {  	s22 =	simm.s32 $0x1BFF;
	s21 =	sshll.u32 s6, $0x1;
	s3 =	sadd.s32 s4, s19  }
0x9c: {  	s7 =	simm.s32 $0x0;
	s20 =	sshll.u32 s5, $0x1;
	s5 =	sadd.s32 s21, s3  }
0x9d: {  	[timem:s7], [sflag:s22] =	dma.local [hbm:s5], s20  }
0x9e: {  	_ =	swait.ge [sflag:s22], s20  }
0x9f: {  	s4 =	ssub.s32 $0x0, s20;
	[sflag:s22] =	ssyncset.done $0x0  }
0xa0: {  	[sflag:s22] =	ssyncadd.s32 s4;
	_ =	sdelay $0x1  }
0xa1: {  	s23 =	simm.s32 $0x1B8B  }
0xa2: {  	_ =	swait.ge [sflag:s23], $0x1  }
0xa3: {  	[sflag:s23] =	ssyncset.done $0x0  }
0xa4: {  	s25 =	simm.s32 $0x1B8E;
	s24 =	sld [smem:$0x3FFE];
	[sflag:s23] =	ssyncadd.s32 $0xFFFFFFFF  }
0xa5: {  	s26 =	simm.s32 $execute0_lowered;
	[smem:$0x3FD2] =	sst s25  }
0xa6: {  	s5 =	sshll.u32 s26, $0x1;
	_ =	strace $0x80000046;
	[dreg:$0x1] =	wrdreg $0xFFFFFFFF  }
0xa7: {  	s28 =	simm.s32 $_size_execute0_lowered;
	s3 =	sadd.s32 s3, s5;
	[dreg:$0x0] =	wrdreg $0x0  }
0xa8: {  	s5 =	sshll.u32 s28, $0x1;
	[dreg:$0x2] =	wrdreg s3  }
0xa9: {  	[dreg:$0x3] =	wrdreg s5  }
0xaa: {  	[dreg:$0x4] =	wrdreg $0xC0  }
0xab: {  	_ =	task [dreg:s7], $0x5FFFF  }
0xac: {  	[dreg:$0x1] =	wrdreg $0xFFFFFFFF  }
0xad: {  	[dreg:$0x0] =	wrdreg $0x60  }
0xae: {  	[dreg:$0x2] =	wrdreg s24  }
0xaf: {  	[dreg:$0x3] =	wrdreg s2  }
0xb0: {  	[dreg:$0x4] =	wrdreg $0x158000  }
0xb1: {  	[dreg:$0x5] =	wrdreg $0x130000  }
0xb2: {  	[dreg:$0x6] =	wrdreg $0x9  }
0xb3: {  	_ =	task.clear_ibuf [dreg:s7], $0x7FFFF;
	_ =	strace $0x90000046  }
0xb4: {  	s29 =	simm.s32 $0x9;
	_ =	strace $0x80000048  }
0xb5: {  	_ =	swait.ge [sflag:s29], $0x1  }
0xb6: {  	[sflag:s29] =	ssyncadd.s32 $0xFFFFFFFF  }
0xb7: {  	_ =	strace $0x90000048  }
0xb8: {  	_ =	sfence  }
0xb9: {  	s30 =	sld [smem:$0x0];
	_ =	sdelay $0x2  }
0xba: {  	s31 =	sshll.u32 s1, $0xD;
	s1 =	sshrl.u32 s1, $0x2  }
0xbb: {  	s3 =	sand.u32 $0x4000, s31;
	s1 =	sadd.s32 s1, s30  }
0xbc: {  	s0 =	sor.u32 s3, s0;
	s1 =	sshll.u32 s1, $0x11  }
0xbd: {  	s0 =	sor.u32 s1, s0  }
0xbe: {  	s0 =	sadd.s32 $0x8F2B, s0  }
0xbf: {  	[sflag:s0] =	ssyncadd.remote.s32 $0x1  }
0xc0: {  	_ =	sfence.sel $0xFFFF  }
0xc1: {  	[dreg:$0x0] =	wrdreg $0xFFFFFFFF;
	(pc) =	sbr.abs _section_cstart, $3  }
0xc2: {  	[dreg:$0x1] =	wrdreg $0xFFFFFFFF  }
0xc3: {  	_ =	task.clear_ibuf [dreg:s7], $0x2FFFF;
	_ =	strace $0x9FFFFFFF  }
0xc4: {  	(tm) =	ssettm $0x7FFFFFFF  }
0xc5: {  	_ =	shalt  }
tec
execute0_lowered:
.L_overlay_start_1:
0x0: {  	(tag) =	ssettag $0x1  }
0x1: {  	s0 =	rddreg [dreg:$0x0]  }
0x2: {  	s2 =	rddreg [dreg:$0x1]  }
0x3: {  	s1 =	rddreg [dreg:$0x2];
	s14 =	stileid.u32  }
0x4: {  	s5 =	srdreg.scid;
	s4 =	smul.u32 $0x5000, s14  }
0x5: {  	s3 =	rddreg [dreg:$0x3];
	s7 =	smul.u32 $0xA000, s14  }
0x6: {  	s25 =	simm.s32 $0x0;
	s29 =	simm.s32 $0x10000;
	s9 =	smul.u32 $0x2800, s14  }
0x7: {  	s30 =	simm.s32 $0x1;
	s6 =	sand.u32 $0x1, s5;
	s16 =	smul.u32 $0x280, s14  }
0x8: {  	s31 =	simm.s32 $0x5;
	s28 =	simm.s32 $0x4;
	s8 =	smul.u32 $0xA0000, s6  }
0x9: {  	[smem:$0x7FF] =	sst s25;
	s5 =	sadd.s32 $0x2800, s0;
	s10 =	smul.u32 $0x28000, s6  }
0xa: {  	_ =	strace $0x80000047;
	s12 =	smul.u32 $0x50000, s6;
	p0 =	seq.s32 s6, $0x0  }
0xb: {  	s11 =	sshrl.u32 s4, $0x3;
	s18 =	sshrl.u32 s7, $0x1;
	s19 =	sadd.s32 $0x100, s16  }
0xc: {  	s20 =	sadd.s32 $0x200, s16;
	s8 =	sadd.s32 s7, s8;
	s10 =	sadd.s32 s9, s10  }
0xd: {  	s11 =	sadd.s32 s11, s0;
	s4 =	sadd.s32 s4, s12;
	s21 =	sshll.u32 s19, $0x5  }
0xe: {  	s22 =	sshll.u32 s20, $0x5;
	s12 =	sadd.s32 s9, s3;
	s24 =	sshll.u32 s19, $0x4  }
0xf: {  	s25 =	sshll.u32 s20, $0x4;
	s19 =	simm.s32 $0x9;
	s20 =	simm.s32 $0x3  }
0x10: {  	s8 =	sshrl.u32 s8, $0x4;
	s26 =	sshrl.u32 s10, $0x3;
	s10 =	ssub.s32 $0x2, s6  }
0x11: {  	s4 =	sshrl.u32 s4, $0x3;
	s17 =	sadd.s32 $0x16200, s11;
	s23 =	sadd.s32 s22, s1  }
0x12: {  	s11 =	smul.u32 $0x28, s6;
	s22 =	simm.s32 $0x12000;
	s6 =	simm.s32 $0x0  }
0x13: {  	s13 =	sadd.s32 s8, s0;
	s0 =	sadd.s32 s26, s0;
	s15 =	sshrl.u32 s10, $0x1  }
0x14: {  	s2 =	sadd.s32 s2, s4;
	[dreg:$0x6] =	wrdreg s17;
	s8 =	sadd.s32 s18, s1  }
0x15: {  	[dreg:$0x8] =	wrdreg s23;
	s26 =	sadd.s32 s25, s3;
	s23 =	simm.s32 $0x100  }
0x16: {  	s25 =	simm.s32 $0x7;
	s4 =	simm.s32 $0x8;
	[dreg:$0x5] =	wrdreg s2  }
0x17: {  	s10 =	ssub.s32 s10, s15;
	s2 =	sadd.s32 s21, s1;
	[dreg:$0xa] =	wrdreg s26  }
0x18: {  	s15 =	sadd.s32 $0x28, s11;
	s16 =	sadd.s32 $0x2A200, s13;
	s17 =	sadd.s32 $0x20200, s0  }
0x19: {  	s21 =	simm.s32 $0xA000;
	s26 =	simm.s32 $0xE000;
	s0 =	simm.s32 $0x6  }
0x1a: {  	[dreg:$0x7] =	wrdreg s2;
	s2 =	sadd.s32 s24, s3;
	s18 =	smax.u32 s10, $0x1  }
0x1b: {  	v0 =	vimm.bf16 $0.0e+00;
	v1 =	vimm.f32 $0.0e+00;
	v2 =	vimm.f32 $1.000000000e+00;
	s24 =	simm.s32 $0xC000;
	[dreg:$0x9] =	wrdreg s2;
	s2 =	simm.s32 $0x2  }
.LBB2_1:
0x1c: {  	s7 =	simm.s32 $0x0;
	s9 =	rddreg [dreg:$0x5]  }
0x1d: {  	[tilespmem:s7], [sflag:$0x9] =	stream.linear.gather [hbm4b:s9+s7], $0x5000, $0x38;
	[tilespmem:$0x1A800] =	vst v63  }
0x1e: {  	_ =	swait.ge [sflag:s19], $0x5000  }
0x1f: {  	[sflag:s19] =	ssyncset.done $0x0  }
0x20: {  	s10 =	simm.s32 $0x5000;
	s14 =	rddreg [dreg:$0x6];
	[sflag:s19] =	ssyncadd.s32 $0xFFFFB000  }
0x21: {  	[tilespmem:s10], [sflag:$0x9] =	stream.linear.gather [hbm4b:s14+s7], $0x5000, $0x38;
	[tilespmem:$0x1A800] =	vst v63  }
0x22: {  	_ =	swait.ge [sflag:s19], $0x5000  }
0x23: {  	[sflag:s19] =	ssyncset.done $0x0  }
0x24: {  	s9 =	simm.s32 $0x0;
	s7 =	simm.s32 $0x80;
	[sflag:s19] =	ssyncadd.s32 $0xFFFFB000  }
.LBB2_2:
0x25: {  	p1 =	sne.s32 s7, $0x7F80;
	[tilespmem:s9+$0xA000] =	vst v0;
	s10 =	smov.u32 s7;
	s7 =	sadd.s32 $0x80, s7  }
.Ltmp0:
0x26: {  	[tilespmem:s9+$0xA010] =	vst v0;
	(pc) =	sbr.rel @p1 .LBB2_2-.Ltmp0, $2  }
0x27: {  	_ =	sdelay $0x2  }
0x28: {  	s9 =	sshra.s32 s10, $0x2  }
0x29: {  	[tilespmem:s9+$0xA000] =	vst v0  }
0x2a: {  	[tilespmem:s9+$0xA010] =	vst v0  }
0x2b: {  	[spmem:s8] =	stream.linear.scatter [tilespmem:s21], [sflag:$0x9], $0x2000, $0x38;
	[tilespmem:$0x1A800] =	vst v63  }
0x2c: {  	_ =	swait.ge [sflag:s19], $0x2000  }
0x2d: {  	[sflag:s19] =	ssyncset.done $0x0  }
0x2e: {  	s7 =	rddreg [dreg:$0x7];
	[sflag:s19] =	ssyncadd.s32 $0xFFFFE000  }
0x2f: {  	[spmem:s7] =	stream.linear.scatter [tilespmem:s21], [sflag:$0x9], $0x2000, $0x38;
	[tilespmem:$0x1A800] =	vst v63  }
0x30: {  	_ =	swait.ge [sflag:s19], $0x2000  }
0x31: {  	[sflag:s19] =	ssyncset.done $0x0  }
0x32: {  	s14 =	rddreg [dreg:$0x8];
	[sflag:s19] =	ssyncadd.s32 $0xFFFFE000  }
0x33: {  	[spmem:s14] =	stream.linear.scatter [tilespmem:s21], [sflag:$0x9], $0x1000, $0x38;
	[tilespmem:$0x1A800] =	vst v63  }
0x34: {  	_ =	swait.ge [sflag:s19], $0x1000  }
0x35: {  	[sflag:s19] =	ssyncset.done $0x0  }
0x36: {  	s9 =	simm.s32 $0x0;
	s7 =	simm.s32 $0x40;
	[sflag:s19] =	ssyncadd.s32 $0xFFFFF000  }
.LBB2_4:
0x37: {  	p1 =	sne.s32 s7, $0x3FC0;
	[tilespmem:s9+$0x12000] =	vst v1;
	s9 =	smov.u32 s7;
	s7 =	sadd.s32 $0x40, s7  }
.Ltmp1:
0x38: {  	(pc) =	sbr.rel @p1 .LBB2_4-.Ltmp1, $2  }
0x39: {  	_ =	sdelay $0x2  }
0x3a: {  	s9 =	sshra.s32 s9, $0x2  }
0x3b: {  	[tilespmem:s9+$0x12000] =	vst v1  }
0x3c: {  	[spmem:s12] =	stream.linear.scatter [tilespmem:s22], [sflag:$0x9], $0x1000, $0x38;
	[tilespmem:$0x1A800] =	vst v63  }
0x3d: {  	_ =	swait.ge [sflag:s19], $0x1000  }
0x3e: {  	[sflag:s19] =	ssyncset.done $0x0  }
0x3f: {  	s7 =	rddreg [dreg:$0x9];
	[sflag:s19] =	ssyncadd.s32 $0xFFFFF000  }
0x40: {  	[spmem:s7] =	stream.linear.scatter [tilespmem:s22], [sflag:$0x9], $0x1000, $0x38;
	[tilespmem:$0x1A800] =	vst v63  }
0x41: {  	_ =	swait.ge [sflag:s19], $0x1000  }
0x42: {  	[sflag:s19] =	ssyncset.done $0x0  }
0x43: {  	s14 =	rddreg [dreg:$0xa];
	[sflag:s19] =	ssyncadd.s32 $0xFFFFF000  }
0x44: {  	[spmem:s14] =	stream.linear.scatter [tilespmem:s22], [sflag:$0x9], $0x800, $0x38;
	[tilespmem:$0x1A800] =	vst v63  }
0x45: {  	_ =	swait.ge [sflag:s19], $0x800  }
0x46: {  	[sflag:s19] =	ssyncset.done $0x0  }
0x47: {  	s9 =	simm.s32 $0x0;
	s7 =	simm.s32 $0x40;
	[sflag:s19] =	ssyncadd.s32 $0xFFFFF800  }
.LBB2_6:
0x48: {  	p1 =	sne.s32 s7, $0x3FC0;
	[tilespmem:s9+$0x12000] =	vst v2;
	s9 =	smov.u32 s7;
	s7 =	sadd.s32 $0x40, s7  }
.Ltmp2:
0x49: {  	(pc) =	sbr.rel @p1 .LBB2_6-.Ltmp2, $2  }
0x4a: {  	_ =	sdelay $0x2  }
0x4b: {  	s9 =	sshra.s32 s9, $0x2  }
0x4c: {  	[tilespmem:s9+$0x12000] =	vst v2  }
0x4d: {  	s7 =	simm.s32 $0x0;
	[bflag:$0x0] =	sbarrier.arrive $0xFFFF  }
0x4e: {  	[tilespmem:s21], [sflag:$0x1] =	stream.indirect.gather [hbm4b:s5+s23], $0x20, s7, s23, $0xb8;
	[tilespmem:$0x1A800] =	vst v63  }
0x4f: {  	_ = 	snop  }
0x50: {  	[tilespmem:s24], [sflag:$0x2] =	stream.indirect.gather [hbm4b:s5+s23], $0x20, s23, s23, $0xb8;
	[tilespmem:$0x1A800] =	vst v63  }
0x51: {  	s13 =	simm.s32 $0x200  }
0x52: {  	[tilespmem:s26], [sflag:$0x3] =	stream.indirect.gather [hbm4b:s5+s23], $0x20, s13, s23, $0xb8;
	[tilespmem:$0x1A800] =	vst v63  }
0x53: {  	s14 =	simm.s32 $0x300;
	s9 =	simm.s32 $0x3  }
0x54: {  	[tilespmem:s29], [sflag:$0x4] =	stream.indirect.gather [hbm4b:s5+s23], $0x20, s14, s23, $0xb8;
	[tilespmem:$0x1A800] =	vst v63  }
.LBB2_8:
0x55: {  	_ =	swait.ge [sflag:s30], $0x2000;
	s14 =	sadd.s32 $0xFFFFFFFD, s9  }
0x56: {  	s10 =	sshra.s32 s7, $0x2;
	[sflag:s30] =	ssyncset.done $0x0;
	p1 =	slt.u32 s14, s11  }
0x57: {  	s13 =	sadd.s32 $0x5000, s10;
	[sflag:s30] =	ssyncadd.s32 $0xFFFFE000;
	p2 =	sge.u32 @!p1 s14, s15  }
0x58: {  	[spmem:s1] =	stream.indirect.scatter.add.bf16 [tilespmem:s21], [sflag:$0x5], $0x20, s13, s23, $0xb8;
	[tilespmem:$0x1A800] =	vst v63  }
0x59: {  	p1 =	por p1, p2  }
0x5a: {  	_ =	swait.ge @p1 [sflag:s31], $0x2000  }
0x5b: {  	[sflag:s31] =	ssyncset.done @p1 $0x0  }
0x5c: {  	[sflag:s31] =	ssyncadd.s32 @p1 $0xFFFFE000  }
0x5d: {  	[spmem:s3] =	stream.indirect.scatter.add.f32 @!p1 [tilespmem:s22], [sflag:$0x5], $0x10, s13, s23, $0xb8;
	[tilespmem:$0x1A800] =	vst v63  }
0x5e: {  	_ =	swait.ge @!p1 [sflag:s31], $0x2000  }
0x5f: {  	[sflag:s31] =	ssyncset.done @!p1 $0x0  }
0x60: {  	[sflag:s31] =	ssyncadd.s32 @!p1 $0xFFFFE000  }
0x61: {  	_ =	swait.ge @!p1 [sflag:s31], $0x1000  }
0x62: {  	[sflag:s31] =	ssyncset.done @!p1 $0x0  }
0x63: {  	s14 =	sadd.s32 $0x400, s10;
	[sflag:s31] =	ssyncadd.s32 @!p1 $0xFFFFF000  }
0x64: {  	[tilespmem:s21], [sflag:$0x1] =	stream.indirect.gather [hbm4b:s5+s23], $0x20, s14, s23, $0xb8;
	[tilespmem:$0x1A800] =	vst v63  }
0x65: {  	s14 =	sadd.s32 $0xFFFFFFFE, s9  }
0x66: {  	_ =	swait.ge [sflag:s2], $0x2000;
	p1 =	slt.u32 s14, s11  }
0x67: {  	[sflag:s2] =	ssyncset.done $0x0;
	p2 =	sge.u32 @!p1 s14, s15  }
0x68: {  	s13 =	sadd.s32 $0x5100, s10;
	[sflag:s2] =	ssyncadd.s32 $0xFFFFE000;
	p1 =	por p1, p2  }
0x69: {  	[spmem:s1] =	stream.indirect.scatter.add.bf16 [tilespmem:s24], [sflag:$0x6], $0x20, s13, s23, $0xb8;
	[tilespmem:$0x1A800] =	vst v63  }
0x6a: {  	_ =	swait.ge @p1 [sflag:s0], $0x2000  }
0x6b: {  	[sflag:s0] =	ssyncset.done @p1 $0x0  }
0x6c: {  	[sflag:s0] =	ssyncadd.s32 @p1 $0xFFFFE000  }
0x6d: {  	[spmem:s3] =	stream.indirect.scatter.add.f32 @!p1 [tilespmem:s22], [sflag:$0x6], $0x10, s13, s23, $0xb8;
	[tilespmem:$0x1A800] =	vst v63  }
0x6e: {  	_ =	swait.ge @!p1 [sflag:s0], $0x2000  }
0x6f: {  	[sflag:s0] =	ssyncset.done @!p1 $0x0  }
0x70: {  	[sflag:s0] =	ssyncadd.s32 @!p1 $0xFFFFE000  }
0x71: {  	_ =	swait.ge @!p1 [sflag:s0], $0x1000  }
0x72: {  	[sflag:s0] =	ssyncset.done @!p1 $0x0  }
0x73: {  	s14 =	sadd.s32 $0x500, s10;
	[sflag:s0] =	ssyncadd.s32 @!p1 $0xFFFFF000  }
0x74: {  	[tilespmem:s24], [sflag:$0x2] =	stream.indirect.gather [hbm4b:s5+s23], $0x20, s14, s23, $0xb8;
	[tilespmem:$0x1A800] =	vst v63  }
0x75: {  	s14 =	sadd.s32 $0xFFFFFFFF, s9  }
0x76: {  	_ =	swait.ge [sflag:s20], $0x2000;
	p1 =	slt.u32 s14, s11  }
0x77: {  	[sflag:s20] =	ssyncset.done $0x0;
	p2 =	sge.u32 @!p1 s14, s15  }
0x78: {  	s13 =	sadd.s32 $0x5200, s10;
	[sflag:s20] =	ssyncadd.s32 $0xFFFFE000;
	p1 =	por p1, p2  }
0x79: {  	[spmem:s1] =	stream.indirect.scatter.add.bf16 [tilespmem:s26], [sflag:$0x7], $0x20, s13, s23, $0xb8;
	[tilespmem:$0x1A800] =	vst v63  }
0x7a: {  	_ =	swait.ge @p1 [sflag:s25], $0x2000  }
0x7b: {  	[sflag:s25] =	ssyncset.done @p1 $0x0  }
0x7c: {  	[sflag:s25] =	ssyncadd.s32 @p1 $0xFFFFE000  }
0x7d: {  	[spmem:s3] =	stream.indirect.scatter.add.f32 @!p1 [tilespmem:s22], [sflag:$0x7], $0x10, s13, s23, $0xb8;
	[tilespmem:$0x1A800] =	vst v63  }
0x7e: {  	_ =	swait.ge @!p1 [sflag:s25], $0x2000  }
0x7f: {  	[sflag:s25] =	ssyncset.done @!p1 $0x0  }
0x80: {  	[sflag:s25] =	ssyncadd.s32 @!p1 $0xFFFFE000  }
0x81: {  	_ =	swait.ge @!p1 [sflag:s25], $0x1000  }
0x82: {  	[sflag:s25] =	ssyncset.done @!p1 $0x0  }
0x83: {  	s14 =	sadd.s32 $0x600, s10;
	[sflag:s25] =	ssyncadd.s32 @!p1 $0xFFFFF000  }
0x84: {  	[tilespmem:s26], [sflag:$0x3] =	stream.indirect.gather [hbm4b:s5+s23], $0x20, s14, s23, $0xb8;
	[tilespmem:$0x1A800] =	vst v63  }
0x85: {  	p1 =	slt.u32 s9, s11;
	_ =	swait.ge [sflag:s28], $0x2000  }
0x86: {  	p2 =	sge.u32 @!p1 s9, s15;
	[sflag:s28] =	ssyncset.done $0x0  }
0x87: {  	s13 =	sadd.s32 $0x5300, s10;
	p1 =	por p1, p2;
	[sflag:s28] =	ssyncadd.s32 $0xFFFFE000  }
0x88: {  	[spmem:s1] =	stream.indirect.scatter.add.bf16 [tilespmem:s29], [sflag:$0x8], $0x20, s13, s23, $0xb8;
	[tilespmem:$0x1A800] =	vst v63  }
0x89: {  	_ =	swait.ge @p1 [sflag:s4], $0x2000  }
0x8a: {  	[sflag:s4] =	ssyncset.done @p1 $0x0  }
0x8b: {  	[sflag:s4] =	ssyncadd.s32 @p1 $0xFFFFE000  }
0x8c: {  	[spmem:s3] =	stream.indirect.scatter.add.f32 @!p1 [tilespmem:s22], [sflag:$0x8], $0x10, s13, s23, $0xb8;
	[tilespmem:$0x1A800] =	vst v63  }
0x8d: {  	_ =	swait.ge @!p1 [sflag:s4], $0x2000  }
0x8e: {  	[sflag:s4] =	ssyncset.done @!p1 $0x0  }
0x8f: {  	[sflag:s4] =	ssyncadd.s32 @!p1 $0xFFFFE000  }
0x90: {  	_ =	swait.ge @!p1 [sflag:s4], $0x1000  }
0x91: {  	s7 =	sadd.s32 $0x1000, s7;
	[sflag:s4] =	ssyncset.done @!p1 $0x0  }
0x92: {  	[sflag:s4] =	ssyncadd.s32 @!p1 $0xFFFFF000;
	p1 =	sne.s32 s7, $0x13000  }
.Ltmp3:
0x93: {  	_ = 	snop;
	(pc) =	sbr.rel @p1 .LBB2_8-.Ltmp3, $3  }
0x94: {  	_ =	sdelay $0x1  }
0x95: {  	s10 =	sadd.s32 $0x700, s10;
	s9 =	sadd.s32 $0x4, s9  }
0x96: {  	[tilespmem:s29], [sflag:$0x4] =	stream.indirect.gather [hbm4b:s5+s23], $0x20, s10, s23, $0xb8;
	[tilespmem:$0x1A800] =	vst v63  }
0x97: {  	_ =	swait.ge [sflag:s30], $0x2000  }
0x98: {  	[sflag:s30] =	ssyncset.done $0x0  }
0x99: {  	s7 =	simm.s32 $0x9C00;
	[sflag:s30] =	ssyncadd.s32 $0xFFFFE000  }
0x9a: {  	[spmem:s1] =	stream.indirect.scatter.add.bf16 [tilespmem:s21], [sflag:$0x5], $0x20, s7, s23, $0xb8;
	[tilespmem:$0x1A800] =	vst v63  }
0x9b: {  	s7 =	simm.s32 @p0 $0x5  }
0x9c: {  	_ =	swait.ge @p0 [sflag:s7], $0x2000  }
0x9d: {  	s9 =	simm.s32 @!p0 $0x9C00;
	[sflag:s7] =	ssyncset.done @p0 $0x0  }
0x9e: {  	s10 =	simm.s32 @!p0 $0x12000;
	[sflag:s7] =	ssyncadd.s32 @p0 $0xFFFFE000;
	s7 =	simm.s32 @!p0 $0x100  }
0x9f: {  	[spmem:s3] =	stream.indirect.scatter.add.f32 @!p0 [tilespmem:s10], [sflag:$0x5], $0x10, s9, s7, $0xb8;
	[tilespmem:$0x1A800] =	vst v63  }
0xa0: {  	s9 =	simm.s32 @!p0 $0x5  }
0xa1: {  	_ =	swait.ge @!p0 [sflag:s9], $0x2000  }
0xa2: {  	[sflag:s9] =	ssyncset.done @!p0 $0x0  }
0xa3: {  	[sflag:s9] =	ssyncadd.s32 @!p0 $0xFFFFE000  }
0xa4: {  	_ =	swait.ge @!p0 [sflag:s9], $0x1000  }
0xa5: {  	[sflag:s9] =	ssyncset.done @!p0 $0x0  }
0xa6: {  	[sflag:s9] =	ssyncadd.s32 @!p0 $0xFFFFF000  }
0xa7: {  	_ =	swait.ge [sflag:s2], $0x2000  }
0xa8: {  	[sflag:s2] =	ssyncset.done $0x0  }
0xa9: {  	s14 =	simm.s32 $0x9D00;
	s9 =	simm.s32 @p0 $0x6;
	[sflag:s2] =	ssyncadd.s32 $0xFFFFE000  }
0xaa: {  	[spmem:s1] =	stream.indirect.scatter.add.bf16 [tilespmem:s24], [sflag:$0x6], $0x20, s14, s23, $0xb8;
	[tilespmem:$0x1A800] =	vst v63  }
0xab: {  	_ =	swait.ge @p0 [sflag:s9], $0x2000  }
0xac: {  	[sflag:s9] =	ssyncset.done @p0 $0x0  }
0xad: {  	[sflag:s9] =	ssyncadd.s32 @p0 $0xFFFFE000;
	s9 =	simm.s32 @!p0 $0x9D00  }
0xae: {  	[spmem:s3] =	stream.indirect.scatter.add.f32 @!p0 [tilespmem:s10], [sflag:$0x6], $0x10, s9, s7, $0xb8;
	[tilespmem:$0x1A800] =	vst v63  }
0xaf: {  	s9 =	simm.s32 @!p0 $0x6  }
0xb0: {  	_ =	swait.ge @!p0 [sflag:s9], $0x2000  }
0xb1: {  	[sflag:s9] =	ssyncset.done @!p0 $0x0  }
0xb2: {  	[sflag:s9] =	ssyncadd.s32 @!p0 $0xFFFFE000  }
0xb3: {  	_ =	swait.ge @!p0 [sflag:s9], $0x1000  }
0xb4: {  	[sflag:s9] =	ssyncset.done @!p0 $0x0  }
0xb5: {  	[sflag:s9] =	ssyncadd.s32 @!p0 $0xFFFFF000  }
0xb6: {  	_ =	swait.ge [sflag:s20], $0x2000  }
0xb7: {  	[sflag:s20] =	ssyncset.done $0x0  }
0xb8: {  	s13 =	simm.s32 $0x9E00;
	s9 =	simm.s32 @p0 $0x7;
	[sflag:s20] =	ssyncadd.s32 $0xFFFFE000  }
0xb9: {  	[spmem:s1] =	stream.indirect.scatter.add.bf16 [tilespmem:s26], [sflag:$0x7], $0x20, s13, s23, $0xb8;
	[tilespmem:$0x1A800] =	vst v63  }
0xba: {  	_ =	swait.ge @p0 [sflag:s9], $0x2000  }
0xbb: {  	[sflag:s9] =	ssyncset.done @p0 $0x0  }
0xbc: {  	[sflag:s9] =	ssyncadd.s32 @p0 $0xFFFFE000;
	s9 =	simm.s32 @!p0 $0x9E00  }
0xbd: {  	[spmem:s3] =	stream.indirect.scatter.add.f32 @!p0 [tilespmem:s10], [sflag:$0x7], $0x10, s9, s7, $0xb8;
	[tilespmem:$0x1A800] =	vst v63  }
0xbe: {  	s9 =	simm.s32 @!p0 $0x7  }
0xbf: {  	_ =	swait.ge @!p0 [sflag:s9], $0x2000  }
0xc0: {  	[sflag:s9] =	ssyncset.done @!p0 $0x0  }
0xc1: {  	[sflag:s9] =	ssyncadd.s32 @!p0 $0xFFFFE000  }
0xc2: {  	_ =	swait.ge @!p0 [sflag:s9], $0x1000  }
0xc3: {  	[sflag:s9] =	ssyncset.done @!p0 $0x0  }
0xc4: {  	[sflag:s9] =	ssyncadd.s32 @!p0 $0xFFFFF000  }
0xc5: {  	_ =	swait.ge [sflag:s28], $0x2000  }
0xc6: {  	[sflag:s28] =	ssyncset.done $0x0  }
0xc7: {  	s14 =	simm.s32 $0x9F00;
	s9 =	simm.s32 @p0 $0x8;
	[sflag:s28] =	ssyncadd.s32 $0xFFFFE000  }
0xc8: {  	[spmem:s1] =	stream.indirect.scatter.add.bf16 [tilespmem:s29], [sflag:$0x8], $0x20, s14, s23, $0xb8;
	[tilespmem:$0x1A800] =	vst v63  }
0xc9: {  	_ =	swait.ge @p0 [sflag:s9], $0x2000  }
0xca: {  	[sflag:s9] =	ssyncset.done @p0 $0x0  }
0xcb: {  	[sflag:s9] =	ssyncadd.s32 @p0 $0xFFFFE000;
	s9 =	simm.s32 @!p0 $0x9F00  }
0xcc: {  	[spmem:s3] =	stream.indirect.scatter.add.f32 @!p0 [tilespmem:s10], [sflag:$0x8], $0x10, s9, s7, $0xb8;
	[tilespmem:$0x1A800] =	vst v63  }
0xcd: {  	s7 =	simm.s32 @!p0 $0x8  }
0xce: {  	_ =	swait.ge @!p0 [sflag:s7], $0x2000  }
0xcf: {  	[sflag:s7] =	ssyncset.done @!p0 $0x0  }
0xd0: {  	[sflag:s7] =	ssyncadd.s32 @!p0 $0xFFFFE000  }
0xd1: {  	_ =	swait.ge @!p0 [sflag:s7], $0x1000  }
0xd2: {  	s10 =	stileid.u32;
	[sflag:s7] =	ssyncset.done @!p0 $0x0  }
0xd3: {  	[sflag:s7] =	ssyncadd.s32 @!p0 $0xFFFFF000;
	s7 =	sshll.u32 s10, $0x6  }
0xd4: {  	s13 =	sshrl.u32 s8, $0x3;
	[bflag:$0x0] =	sbarrier.arrive $0xFFFF;
	s7 =	sor.u32 $0x1C09, s7  }
0xd5: {  	[hbm:s16], [sflag:s7] =	dma.local [spmem:s13], $0xA00  }
0xd6: {  	s6 =	sadd.s32 $0x1, s6;
	_ =	swait.ge [sflag:s19], $0xA00  }
0xd7: {  	p1 =	sne.s32 s6, s18;
	[sflag:s19] =	ssyncset.done $0x0  }
.Ltmp4:
0xd8: {  	s14 =	sshrl.u32 s12, $0x3;
	[sflag:s19] =	ssyncadd.s32 $0xFFFFF600;
	(pc) =	sbr.rel @p1 .LBB2_1-.Ltmp4, $4  }
0xd9: {  	[hbm:s17], [sflag:s7] =	dma.local [spmem:s14], $0x500  }
0xda: {  	_ =	swait.ge [sflag:s19], $0x500  }
0xdb: {  	[sflag:s19] =	ssyncset.done $0x0  }
0xdc: {  	[sflag:s19] =	ssyncadd.s32 $0xFFFFFB00  }
0xdd: {  	_ =	sfence.sel $0x180000  }
0xde: {  	[bflag:$0x0] =	sbarrier.arrive $0xFFFF  }
0xdf: {  	_ =	strace $0x90000047  }
0xe0: {  	s0 =	stileid.u32;
	[bflag:$0x2] =	sbarrier.arrive $0xFFFF  }
0xe1: {  	p0 =	sne.s32 s0, $0x0;
	s0 =	rddreg [dreg:$0x4]  }
0xe2: {  	s0 =	sadd.s32 @!p0 $0x100000, s0  }
0xe3: {  	[sflag:s0] =	ssyncadd.tile.s32 @!p0 $0x1;
	_ =	shalt  }
.Lfunc_end2:
_tile_overlayer_lowered:
.L_overlay_start_2:
0xe4: {  	(tag) =	ssettag $0x2  }
0xe5: {  	s0 =	rddreg [dreg:$0x0];
	s2 =	stileid.u32  }
0xe6: {  	s1 =	rddreg [dreg:$0x1];
	p0 =	sne.s32 s2, $0x0  }
0xe7: {  	s3 =	rddreg [dreg:$0x2];
	[bflag:$0x3] =	sbarrier.arrive $0xFFFF;
	s2 =	simm.s32 @!p0 $0x1C09  }
0xe8: {  	[timem:s3], [sflag:s2] =	dma.local @!p0 [hbm:s0], s1  }
0xe9: {  	s0 =	simm.s32 @!p0 $0x9  }
0xea: {  	_ =	swait.ge @!p0 [sflag:s0], s1  }
0xeb: {  	s1 =	ssub.s32 @!p0 $0x0, s1;
	[sflag:s0] =	ssyncset.done @!p0 $0x0  }
0xec: {  	[sflag:s0] =	ssyncadd.s32 @!p0 s1  }
0xed: {  	[bflag:$0x3] =	sbarrier.arrive $0xFFFF  }
0xee: {  	_ =	shalt  }

</sc_bundles>
